<compile_context>
chip_gen: v7x
topology: tpu7x:2x2x1
jax: 0.10.2.dev20260603
libtpu: 0.0.44.dev20260713+nightly
codegen_flags: <defaults>
</compile_context>

<pallas_src>
import functools

import jax
import jax.numpy as jnp
from jax import lax
from jax.experimental import pallas as pl
from jax.experimental.pallas import tpu as pltpu
from jax.experimental.pallas import tpu_sc as plsc

N, K, C = 10000, 32, 128
NC, NS = 2, 16
NW = NC * NS
CP2 = C // 2
CW = CP2 // NW
K2 = K // 2
CHP = 400
NCHK = N // CHP
PB = CHP // 16
IDX_PER_W = (N * K) // NW
EPS = 1e-5


def _wid():
    return lax.axis_index("s") * NC + lax.axis_index("c")


@functools.lru_cache(maxsize=None)
def _build_sc_kernels():
    mesh = plsc.VectorSubcoreMesh(core_axis_name="c", subcore_axis_name="s")
    cparams = pltpu.CompilerParams(needs_layout_passes=False)

    @functools.partial(
        pl.kernel,
        out_type=jax.ShapeDtypeStruct((NW, N), jnp.float32),
        mesh=mesh,
        compiler_params=cparams,
        scratch_types=[
            pltpu.VMEM((IDX_PER_W,), jnp.int32),
            pltpu.VMEM((N,), jnp.float32),
        ],
    )
    def bincount(idx_hbm, pc_hbm, idx_v, cnt_v):
        w = _wid()
        pltpu.sync_copy(idx_hbm.at[w], idx_v)
        zeros = jnp.zeros((16,), jnp.float32)

        def zbody(i, c):
            cnt_v[pl.ds(i * 16, 16)] = zeros
            return c

        lax.fori_loop(0, N // 16, zbody, 0)
        ones = jnp.ones((16,), jnp.float32)

        def abody(i, c):
            v = idx_v[pl.ds(i * 16, 16)]
            plsc.addupdate_scatter(cnt_v, [v], ones)
            return c

        lax.fori_loop(0, IDX_PER_W // 16, abody, 0)
        pltpu.sync_copy(cnt_v, pc_hbm.at[w])

    @functools.partial(
        pl.kernel,
        out_type=jax.ShapeDtypeStruct((CP2, N), jnp.float32),
        mesh=mesh,
        compiler_params=cparams,
        scratch_types=[
            pltpu.VMEM((CW, N), jnp.float32),
            pltpu.VMEM((K2, CHP), jnp.int32),
            pltpu.VMEM((K2, CHP), jnp.int32),
            pltpu.VMEM((CW, N), jnp.float32),
            pltpu.SemaphoreType.DMA,
            pltpu.SemaphoreType.DMA,
        ],
    )
    def gather_max(tblT_hbm, idxc_hbm, outT_hbm, tbl_v, idx0, idx1, out_v,
                   sem0, sem1):
        w = _wid()
        pltpu.sync_copy(tblT_hbm.at[pl.ds(w * CW, CW)], tbl_v)
        pltpu.async_copy(idxc_hbm.at[0], idx0, sem0)
        cvecs = [jnp.full((16,), c, jnp.int32) for c in range(CW)]

        def compute(idx_v, ch):
            n0 = ch * CHP

            mask16 = jnp.full((16,), 0xFFFF, jnp.int32)

            def pbbody(pb, c):
                col = pb * 16
                accs = None
                for k2 in range(K2):
                    vk = idx_v[k2, pl.ds(col, 16)]
                    vlo = jnp.bitwise_and(vk, mask16)
                    vhi = lax.shift_right_logical(vk, 16)
                    for vi in (vlo, vhi):
                        if accs is None:
                            accs = [
                                plsc.bitcast(
                                    plsc.load_gather(tbl_v, [cvecs[c4], vi]),
                                    jnp.bfloat16)
                                for c4 in range(CW)
                            ]
                        else:
                            for c4 in range(CW):
                                g = plsc.bitcast(
                                    plsc.load_gather(tbl_v, [cvecs[c4], vi]),
                                    jnp.bfloat16)
                                accs[c4] = jnp.maximum(accs[c4], g)
                for c4 in range(CW):
                    out_v[c4, pl.ds(n0 + col, 16)] = plsc.bitcast(
                        accs[c4], jnp.float32)
                return c

            lax.fori_loop(0, PB, pbbody, 0)

        def jbody(j, c):
            ch0 = 2 * j
            ch1 = 2 * j + 1
            pltpu.make_async_copy(idxc_hbm.at[ch0], idx0, sem0).wait()
            pltpu.async_copy(idxc_hbm.at[ch1], idx1, sem1)
            compute(idx0, ch0)
            pltpu.async_copy(idxc_hbm.at[ch0 + 2], idx0, sem0)
            pltpu.make_async_copy(idxc_hbm.at[ch1], idx1, sem1).wait()
            compute(idx1, ch1)
            return c

        lax.fori_loop(0, NCHK // 2, jbody, 0)
        pltpu.make_async_copy(idxc_hbm.at[NCHK - 1], idx0, sem0).wait()
        compute(idx0, NCHK - 1)
        pltpu.sync_copy(out_v, outT_hbm.at[pl.ds(w * CW, CW)])

    return bincount, gather_max


def _apply_bn_relu(y, m, q, g, b):
    scale = lax.rsqrt(q - m * m + EPS) * g
    shift = b - m * scale
    return jnp.maximum(y * scale + shift, 0.0)


def _bn_relu_uniform(y, g, b):
    m = jnp.mean(y, axis=0, keepdims=True)
    q = jnp.mean(y * y, axis=0, keepdims=True)
    return _apply_bn_relu(y, m, q, g, b)


def _bn_relu_weighted(y, wrow, g, b):
    m = jnp.dot(wrow, y, preferred_element_type=jnp.float32)
    q = jnp.dot(wrow, y * y, preferred_element_type=jnp.float32)
    return _apply_bn_relu(y, m, q, g, b)


def _mlp_body(pc_ref, feat_ref, fc1_ref, l1w_ref, l1b_ref, l2w_ref, l2b_ref,
              n1g_ref, n1b_ref, m1g_ref, m1b_ref, m2g_ref, m2b_ref, out_ref):
    y0 = jnp.dot(feat_ref[...], fc1_ref[...],
                 preferred_element_type=jnp.float32)
    x1 = _bn_relu_uniform(y0, n1g_ref[...], n1b_ref[...])
    wrow = jnp.sum(pc_ref[...], axis=0, keepdims=True) * (1.0 / (N * K))

    y1 = jnp.dot(x1, l1w_ref[...], preferred_element_type=jnp.float32) + l1b_ref[...]
    h1 = _bn_relu_weighted(y1, wrow, m1g_ref[...], m1b_ref[...])

    y2 = jnp.dot(h1, l2w_ref[...], preferred_element_type=jnp.float32) + l2b_ref[...]
    h2 = _bn_relu_weighted(y2, wrow, m2g_ref[...], m2b_ref[...])
    lo = lax.bitcast_convert_type(
        h2[:, :CP2].astype(jnp.bfloat16), jnp.uint16).astype(jnp.uint32)
    hi = lax.bitcast_convert_type(
        h2[:, CP2:].astype(jnp.bfloat16), jnp.uint16).astype(jnp.uint32)
    packed = lax.bitcast_convert_type(lo | (hi << 16), jnp.float32)
    out_ref[...] = packed.T


def _out_body(pool_ref, feat_ref, fc3_ref, n2g_ref, n2b_ref, n3g_ref, n3b_ref,
              out_ref):
    u = lax.bitcast_convert_type(pool_ref[...].T, jnp.uint32)
    lo = lax.bitcast_convert_type(
        (u & jnp.uint32(0xFFFF)).astype(jnp.uint16), jnp.bfloat16)
    hi = lax.bitcast_convert_type(
        (u >> 16).astype(jnp.uint16), jnp.bfloat16)
    x = jnp.concatenate(
        [lo.astype(jnp.float32), hi.astype(jnp.float32)], axis=1)
    xn = _bn_relu_uniform(x, n2g_ref[...], n2b_ref[...])
    y = jnp.dot(xn, fc3_ref[...], preferred_element_type=jnp.float32)
    m3 = jnp.mean(y, axis=0, keepdims=True)
    q3 = jnp.mean(y * y, axis=0, keepdims=True)
    scale3 = lax.rsqrt(q3 - m3 * m3 + EPS) * n3g_ref[...]
    shift3 = n3b_ref[...] - m3 * scale3
    out_ref[...] = jnp.maximum(feat_ref[...] + y * scale3 + shift3, 0.0)


def kernel(coord, feat, offset, reference_index, fc1_w, fc3_w, lin1_w, lin1_b,
           lin2_w, lin2_b, n1_g, n1_b, n2_g, n2_b, n3_g, n3_b, m1_g, m1_b,
           m2_g, m2_b):
    bincount, gather_max = _build_sc_kernels()

    idx2d = reference_index.reshape(NW, IDX_PER_W)
    pc = bincount(idx2d)

    r1 = lambda a: a.reshape(1, C)
    h2t = pl.pallas_call(
        _mlp_body,
        out_shape=jax.ShapeDtypeStruct((CP2, N), jnp.float32),
    )(pc, feat, fc1_w.T, lin1_w.T, r1(lin1_b), lin2_w.T, r1(lin2_b),
      r1(n1_g), r1(n1_b), r1(m1_g), r1(m1_b), r1(m2_g), r1(m2_b))

    ri3 = reference_index.reshape(NCHK, CHP, K)
    idxp = (ri3[:, :, 0::2] | (ri3[:, :, 1::2] << 16)).transpose(0, 2, 1)
    pooled = gather_max(h2t, idxp)

    out = pl.pallas_call(
        _out_body,
        out_shape=jax.ShapeDtypeStruct((N, C), jnp.float32),
    )(pooled, feat, fc3_w.T, r1(n2_g), r1(n2_b), r1(n3_g), r1(n3_b))

    return (coord, out, offset)

# --- scband reference (transcript-rebuilt; emitter-appended) ---
"""Pipeline reference for scband-block-82403242541237 (READ-ONLY COPY).

The authoritative reference and input builder live on the scoring server;
editing this copy changes nothing except your own understanding.
"""

import jax, jax.numpy as jnp
import numpy as np

N, K, C = 10000, 32, 128

def _bn(x, g, b, eps=1e-5):
    m = x.mean(axis=0)
    v = x.var(axis=0)
    return (x - m) / jnp.sqrt(v + eps) * g + b

def setup_inputs(seed: int = 0):
    key = jax.random.key(seed)
    ks = jax.random.split(key, 8)
    s = 1.0 / np.sqrt(C)
    return {
        "coord": jax.random.normal(ks[0], (N, 3), dtype=jnp.float32),
        "feat": jax.random.normal(ks[1], (N, C), dtype=jnp.float32),
        "offset": jnp.array([N], dtype=jnp.int32),
        "reference_index": jax.random.randint(ks[2], (N, K), 0, N, dtype=jnp.int32),
        "fc1_w": jax.random.normal(ks[3], (C, C), dtype=jnp.float32) * s,
        "fc3_w": jax.random.normal(ks[4], (C, C), dtype=jnp.float32) * s,
        "lin1_w": jax.random.normal(ks[5], (C, C), dtype=jnp.float32) * s,
        "lin1_b": jnp.zeros((C,), dtype=jnp.float32),
        "lin2_w": jax.random.normal(ks[6], (C, C), dtype=jnp.float32) * s,
        "lin2_b": jnp.zeros((C,), dtype=jnp.float32),
        "n1_g": jnp.ones((C,), dtype=jnp.float32),
        "n1_b": jnp.zeros((C,), dtype=jnp.float32),
        "n2_g": jnp.ones((C,), dtype=jnp.float32),
        "n2_b": jnp.zeros((C,), dtype=jnp.float32),
        "n3_g": jnp.ones((C,), dtype=jnp.float32),
        "n3_b": jnp.zeros((C,), dtype=jnp.float32),
        "m1_g": jnp.ones((C,), dtype=jnp.float32),
        "m1_b": jnp.zeros((C,), dtype=jnp.float32),
        "m2_g": jnp.ones((C,), dtype=jnp.float32),
        "m2_b": jnp.zeros((C,), dtype=jnp.float32),
    }

def reference(coord, feat, offset, reference_index, fc1_w, fc3_w, lin1_w, lin1_b, lin2_w, lin2_b, n1_g, n1_b, n2_g, n2_b, n3_g, n3_b, m1_g, m1_b, m2_g, m2_b):
    identity = feat
    # fc1 (no bias) -> BN -> ReLU
    x = jax.nn.relu(_bn(feat @ fc1_w.T, n1_g, n1_b))
    # pointops.grouping(reference_index, feat, coord, with_xyz=False) == gather neighbor features
    grouped = jnp.take(x, reference_index, axis=0)  # [N, K, C]
    flat = grouped.reshape(-1, C)
    # shared MLP: Linear -> BN -> ReLU -> Linear -> BN -> ReLU
    h = jax.nn.relu(_bn(flat @ lin1_w.T + lin1_b, m1_g, m1_b))
    h = jax.nn.relu(_bn(h @ lin2_w.T + lin2_b, m2_g, m2_b))
    # max over neighborhood
    h = h.reshape(N, K, C).max(axis=1)
    x = jax.nn.relu(_bn(h, n2_g, n2_b))
    x = _bn(x @ fc3_w.T, n3_g, n3_b)
    # drop_path_rate = 0.0 -> Identity
    x = jax.nn.relu(identity + x)
    return (coord, x, offset)

if __name__ == "__main__":
    import jax
    _d = setup_inputs()
    print(jax.jit(kernel)(*tuple(_d.values())))

</pallas_src>

<mosaic_0001>
#map = affine_map<(d0, d1) -> (0, 0)>
#map1 = affine_map<(d0, d1) -> (0, 0, 0)>
module attributes {stable_mosaic.version = 14 : i64} {
  func.func @gather_max(%arg0: i32, %arg1: i32, %arg2: memref<64x10000xf32, #tpu.memory_space<hbm>>, %arg3: memref<25x16x400xi32, #tpu.memory_space<hbm>>, %arg4: memref<64x10000xf32, #tpu.memory_space<hbm>>, %arg5: memref<2x10000xf32, #tpu.memory_space<vmem>>, %arg6: memref<16x400xi32, #tpu.memory_space<vmem>>, %arg7: memref<16x400xi32, #tpu.memory_space<vmem>>, %arg8: memref<2x10000xf32, #tpu.memory_space<vmem>>, %arg9: memref<!tpu.dma_semaphore, #tpu.memory_space<semaphore_mem>>, %arg10: memref<!tpu.dma_semaphore, #tpu.memory_space<semaphore_mem>>) attributes {dimension_semantics = [#tpu.dimension_semantics<core_parallel>, #tpu.dimension_semantics<subcore_parallel>], iteration_bounds = array<i64: 2, 16>, scalar_prefetch = 0 : i64, scratch_operands = 6 : i64, tpu.core_type = #tpu.core_type<sc_vector_subcore>, window_params = [{transform_indices = #map}, {transform_indices = #map1}, {transform_indices = #map}]} {
    %mul3A = arith.constant 2 : i32
    %mul3A_0 = arith.muli %arg1, %mul3A : i32
    %add3A = arith.addi %mul3A_0, %arg0 : i32
    %mul3A_1 = arith.constant 2 : i32
    %mul3A_2 = arith.muli %add3A, %mul3A_1 : i32
    "tpu.region"() ({
      %run_scoped3A = tpu.sem_alloc : memref<!tpu.dma_semaphore, #tpu.memory_space<semaphore_mem>>
      %dma_start3A_37 = arith.constant 0 : i32
      %dma_start3A_38 = tpu.memref_slice %arg2[%mul3A_2, %dma_start3A_37] : memref<64x10000xf32, #tpu.memory_space<hbm>> -> memref<2x10000xf32, #tpu.memory_space<hbm>>
      %dma_start3A_39 = arith.constant 0 : i32
      %dma_start3A_40 = tpu.memref_slice %arg2[%mul3A_2, %dma_start3A_39] : memref<64x10000xf32, #tpu.memory_space<hbm>> -> memref<2x10000xf32, #tpu.memory_space<hbm>>
      tpu.enqueue_dma source(%dma_start3A_40 : memref<2x10000xf32, #tpu.memory_space<hbm>>) target(%arg5 : memref<2x10000xf32, #tpu.memory_space<vmem>>) target_semaphore(%run_scoped3A : memref<!tpu.dma_semaphore, #tpu.memory_space<semaphore_mem>>)
      %dma_wait3A_41 = arith.constant 0 : i32
      %dma_wait3A_42 = tpu.memref_slice %arg2[%mul3A_2, %dma_wait3A_41] : memref<64x10000xf32, #tpu.memory_space<hbm>> -> memref<2x10000xf32, #tpu.memory_space<hbm>>
      %dma_wait3A_43 = arith.constant 0 : i32
      %dma_wait3A_44 = tpu.memref_slice %arg2[%mul3A_2, %dma_wait3A_43] : memref<64x10000xf32, #tpu.memory_space<hbm>> -> memref<2x10000xf32, #tpu.memory_space<hbm>>
      tpu.wait_dma2 semaphore(%run_scoped3A : memref<!tpu.dma_semaphore, #tpu.memory_space<semaphore_mem>>) src(%dma_wait3A_44 : memref<2x10000xf32, #tpu.memory_space<hbm>>) dst(%arg5 : memref<2x10000xf32, #tpu.memory_space<vmem>>)
      tpu.yield
    }) : () -> ()
    %dma_start3A = arith.constant 0 : i32
    %dma_start3A_3 = arith.constant 0 : i32
    %dma_start3A_4 = arith.constant 0 : i32
    %dma_start3A_5 = tpu.memref_slice %arg3[%dma_start3A, %dma_start3A_3, %dma_start3A_4] : memref<25x16x400xi32, #tpu.memory_space<hbm>> -> memref<1x16x400xi32, #tpu.memory_space<hbm>>
    %dma_start3A_6 = tpu.memref_squeeze %dma_start3A_5 : memref<1x16x400xi32, #tpu.memory_space<hbm>> -> memref<16x400xi32, #tpu.memory_space<hbm>>
    %dma_start3A_7 = arith.constant 0 : i32
    %dma_start3A_8 = arith.constant 0 : i32
    %dma_start3A_9 = tpu.memref_slice %arg3[%dma_start3A, %dma_start3A_7, %dma_start3A_8] : memref<25x16x400xi32, #tpu.memory_space<hbm>> -> memref<1x16x400xi32, #tpu.memory_space<hbm>>
    %dma_start3A_10 = tpu.memref_squeeze %dma_start3A_9 : memref<1x16x400xi32, #tpu.memory_space<hbm>> -> memref<16x400xi32, #tpu.memory_space<hbm>>
    tpu.enqueue_dma source(%dma_start3A_10 : memref<16x400xi32, #tpu.memory_space<hbm>>) target(%arg6 : memref<16x400xi32, #tpu.memory_space<vmem>>) target_semaphore(%arg9 : memref<!tpu.dma_semaphore, #tpu.memory_space<semaphore_mem>>)
    %broadcast_in_dim3A = arith.constant 0 : i32
    %broadcast_in_dim3A_11 = vector.broadcast %broadcast_in_dim3A : i32 to vector<16xi32>
    %broadcast_in_dim3A_12 = arith.constant 1 : i32
    %broadcast_in_dim3A_13 = vector.broadcast %broadcast_in_dim3A_12 : i32 to vector<16xi32>
    %scan3A = arith.constant 0 : i32
    %scan3A_14 = arith.constant 0 : i32
    %scan3A_15 = arith.constant 12 : i32
    %scan3A_16 = arith.addi %scan3A_14, %scan3A_15 : i32
    %scan3A_17 = arith.constant 1 : i32
    scf.for %scan3A_37 = %scan3A_14 to %scan3A_16 step %scan3A_17  : i32 {
      %mul3A_38 = arith.constant 2 : i32
      %mul3A_39 = arith.muli %mul3A_38, %scan3A_37 : i32
      %mul3A_40 = arith.constant 2 : i32
      %mul3A_41 = arith.muli %mul3A_40, %scan3A_37 : i32
      %add3A_42 = arith.constant 1 : i32
      %add3A_43 = arith.addi %mul3A_41, %add3A_42 : i32
      %dma_wait3A_44 = arith.constant 0 : i32
      %dma_wait3A_45 = arith.constant 0 : i32
      %dma_wait3A_46 = tpu.memref_slice %arg3[%mul3A_39, %dma_wait3A_44, %dma_wait3A_45] : memref<25x16x400xi32, #tpu.memory_space<hbm>> -> memref<1x16x400xi32, #tpu.memory_space<hbm>>
      %dma_wait3A_47 = tpu.memref_squeeze %dma_wait3A_46 : memref<1x16x400xi32, #tpu.memory_space<hbm>> -> memref<16x400xi32, #tpu.memory_space<hbm>>
      %dma_wait3A_48 = arith.constant 0 : i32
      %dma_wait3A_49 = arith.constant 0 : i32
      %dma_wait3A_50 = tpu.memref_slice %arg3[%mul3A_39, %dma_wait3A_48, %dma_wait3A_49] : memref<25x16x400xi32, #tpu.memory_space<hbm>> -> memref<1x16x400xi32, #tpu.memory_space<hbm>>
      %dma_wait3A_51 = tpu.memref_squeeze %dma_wait3A_50 : memref<1x16x400xi32, #tpu.memory_space<hbm>> -> memref<16x400xi32, #tpu.memory_space<hbm>>
      tpu.wait_dma2 semaphore(%arg9 : memref<!tpu.dma_semaphore, #tpu.memory_space<semaphore_mem>>) src(%dma_wait3A_51 : memref<16x400xi32, #tpu.memory_space<hbm>>) dst(%arg6 : memref<16x400xi32, #tpu.memory_space<vmem>>)
      %dma_start3A_52 = arith.constant 0 : i32
      %dma_start3A_53 = arith.constant 0 : i32
      %dma_start3A_54 = tpu.memref_slice %arg3[%add3A_43, %dma_start3A_52, %dma_start3A_53] : memref<25x16x400xi32, #tpu.memory_space<hbm>> -> memref<1x16x400xi32, #tpu.memory_space<hbm>>
      %dma_start3A_55 = tpu.memref_squeeze %dma_start3A_54 : memref<1x16x400xi32, #tpu.memory_space<hbm>> -> memref<16x400xi32, #tpu.memory_space<hbm>>
      %dma_start3A_56 = arith.constant 0 : i32
      %dma_start3A_57 = arith.constant 0 : i32
      %dma_start3A_58 = tpu.memref_slice %arg3[%add3A_43, %dma_start3A_56, %dma_start3A_57] : memref<25x16x400xi32, #tpu.memory_space<hbm>> -> memref<1x16x400xi32, #tpu.memory_space<hbm>>
      %dma_start3A_59 = tpu.memref_squeeze %dma_start3A_58 : memref<1x16x400xi32, #tpu.memory_space<hbm>> -> memref<16x400xi32, #tpu.memory_space<hbm>>
      tpu.enqueue_dma source(%dma_start3A_59 : memref<16x400xi32, #tpu.memory_space<hbm>>) target(%arg7 : memref<16x400xi32, #tpu.memory_space<vmem>>) target_semaphore(%arg10 : memref<!tpu.dma_semaphore, #tpu.memory_space<semaphore_mem>>)
      %mul3A_60 = arith.constant 400 : i32
      %mul3A_61 = arith.muli %mul3A_39, %mul3A_60 : i32
      %broadcast_in_dim3A_62 = arith.constant 65535 : i32
      %broadcast_in_dim3A_63 = vector.broadcast %broadcast_in_dim3A_62 : i32 to vector<16xi32>
      %scan3A_64 = arith.constant 0 : i32
      %scan3A_65 = arith.constant 0 : i32
      %scan3A_66 = arith.constant 25 : i32
      %scan3A_67 = arith.addi %scan3A_65, %scan3A_66 : i32
      %scan3A_68 = arith.constant 1 : i32
      scf.for %scan3A_98 = %scan3A_65 to %scan3A_67 step %scan3A_68  : i32 {
        %mul3A_99 = arith.constant 16 : i32
        %mul3A_100 = arith.muli %scan3A_98, %mul3A_99 : i32
        %get3A = arith.constant 0 : i32
        %get3A_101 = arith.index_cast %get3A : i32 to index
        %get3A_102 = arith.index_cast %mul3A_100 : i32 to index
        %get3A_103 = tpu.vector_load %arg6[%get3A_101, %get3A_102] {strides = array<i32>} : memref<16x400xi32, #tpu.memory_space<vmem>>, vector<16xi32>,
        %and3A = arith.andi %get3A_103, %broadcast_in_dim3A_63 : vector<16xi32>
        %shift_right_logical3A = arith.constant 16 : i32
        %shift_right_logical3A_104 = vector.broadcast %shift_right_logical3A : i32 to vector<16xi32>
        %shift_right_logical3A_105 = arith.shrui %get3A_103, %shift_right_logical3A_104 : vector<16xi32>
        %gather3A = tpu.vector_load_idx %arg5[%broadcast_in_dim3A_11, %and3A] : memref<2x10000xf32, #tpu.memory_space<vmem>>[vector<16xi32>, vector<16xi32>], vector<16xf32>,
        %bitcast3A = vector.bitcast %gather3A : vector<16xf32> to vector<32xbf16>
        %gather3A_106 = tpu.vector_load_idx %arg5[%broadcast_in_dim3A_13, %and3A] : memref<2x10000xf32, #tpu.memory_space<vmem>>[vector<16xi32>, vector<16xi32>], vector<16xf32>,
        %bitcast3A_107 = vector.bitcast %gather3A_106 : vector<16xf32> to vector<32xbf16>
        %gather3A_108 = tpu.vector_load_idx %arg5[%broadcast_in_dim3A_11, %shift_right_logical3A_105] : memref<2x10000xf32, #tpu.memory_space<vmem>>[vector<16xi32>, vector<16xi32>], vector<16xf32>,
        %bitcast3A_109 = vector.bitcast %gather3A_108 : vector<16xf32> to vector<32xbf16>
        %max3A = arith.maximumf %bitcast3A, %bitcast3A_109 : vector<32xbf16>
        %gather3A_110 = tpu.vector_load_idx %arg5[%broadcast_in_dim3A_13, %shift_right_logical3A_105] : memref<2x10000xf32, #tpu.memory_space<vmem>>[vector<16xi32>, vector<16xi32>], vector<16xf32>,
        %bitcast3A_111 = vector.bitcast %gather3A_110 : vector<16xf32> to vector<32xbf16>
        %max3A_112 = arith.maximumf %bitcast3A_107, %bitcast3A_111 : vector<32xbf16>
        %get3A_113 = arith.constant 1 : i32
        %get3A_114 = arith.index_cast %get3A_113 : i32 to index
        %get3A_115 = arith.index_cast %mul3A_100 : i32 to index
        %get3A_116 = tpu.vector_load %arg6[%get3A_114, %get3A_115] {strides = array<i32>} : memref<16x400xi32, #tpu.memory_space<vmem>>, vector<16xi32>,
        %and3A_117 = arith.andi %get3A_116, %broadcast_in_dim3A_63 : vector<16xi32>
        %shift_right_logical3A_118 = arith.constant 16 : i32
        %shift_right_logical3A_119 = vector.broadcast %shift_right_logical3A_118 : i32 to vector<16xi32>
        %shift_right_logical3A_120 = arith.shrui %get3A_116, %shift_right_logical3A_119 : vector<16xi32>
        %gather3A_121 = tpu.vector_load_idx %arg5[%broadcast_in_dim3A_11, %and3A_117] : memref<2x10000xf32, #tpu.memory_space<vmem>>[vector<16xi32>, vector<16xi32>], vector<16xf32>,
        %bitcast3A_122 = vector.bitcast %gather3A_121 : vector<16xf32> to vector<32xbf16>
        %max3A_123 = arith.maximumf %max3A, %bitcast3A_122 : vector<32xbf16>
        %gather3A_124 = tpu.vector_load_idx %arg5[%broadcast_in_dim3A_13, %and3A_117] : memref<2x10000xf32, #tpu.memory_space<vmem>>[vector<16xi32>, vector<16xi32>], vector<16xf32>,
        %bitcast3A_125 = vector.bitcast %gather3A_124 : vector<16xf32> to vector<32xbf16>
        %max3A_126 = arith.maximumf %max3A_112, %bitcast3A_125 : vector<32xbf16>
        %gather3A_127 = tpu.vector_load_idx %arg5[%broadcast_in_dim3A_11, %shift_right_logical3A_120] : memref<2x10000xf32, #tpu.memory_space<vmem>>[vector<16xi32>, vector<16xi32>], vector<16xf32>,
        %bitcast3A_128 = vector.bitcast %gather3A_127 : vector<16xf32> to vector<32xbf16>
        %max3A_129 = arith.maximumf %max3A_123, %bitcast3A_128 : vector<32xbf16>
        %gather3A_130 = tpu.vector_load_idx %arg5[%broadcast_in_dim3A_13, %shift_right_logical3A_120] : memref<2x10000xf32, #tpu.memory_space<vmem>>[vector<16xi32>, vector<16xi32>], vector<16xf32>,
        %bitcast3A_131 = vector.bitcast %gather3A_130 : vector<16xf32> to vector<32xbf16>
        %max3A_132 = arith.maximumf %max3A_126, %bitcast3A_131 : vector<32xbf16>
        %get3A_133 = arith.constant 2 : i32
        %get3A_134 = arith.index_cast %get3A_133 : i32 to index
        %get3A_135 = arith.index_cast %mul3A_100 : i32 to index
        %get3A_136 = tpu.vector_load %arg6[%get3A_134, %get3A_135] {strides = array<i32>} : memref<16x400xi32, #tpu.memory_space<vmem>>, vector<16xi32>,
        %and3A_137 = arith.andi %get3A_136, %broadcast_in_dim3A_63 : vector<16xi32>
        %shift_right_logical3A_138 = arith.constant 16 : i32
        %shift_right_logical3A_139 = vector.broadcast %shift_right_logical3A_138 : i32 to vector<16xi32>
        %shift_right_logical3A_140 = arith.shrui %get3A_136, %shift_right_logical3A_139 : vector<16xi32>
        %gather3A_141 = tpu.vector_load_idx %arg5[%broadcast_in_dim3A_11, %and3A_137] : memref<2x10000xf32, #tpu.memory_space<vmem>>[vector<16xi32>, vector<16xi32>], vector<16xf32>,
        %bitcast3A_142 = vector.bitcast %gather3A_141 : vector<16xf32> to vector<32xbf16>
        %max3A_143 = arith.maximumf %max3A_129, %bitcast3A_142 : vector<32xbf16>
        %gather3A_144 = tpu.vector_load_idx %arg5[%broadcast_in_dim3A_13, %and3A_137] : memref<2x10000xf32, #tpu.memory_space<vmem>>[vector<16xi32>, vector<16xi32>], vector<16xf32>,
        %bitcast3A_145 = vector.bitcast %gather3A_144 : vector<16xf32> to vector<32xbf16>
        %max3A_146 = arith.maximumf %max3A_132, %bitcast3A_145 : vector<32xbf16>
        %gather3A_147 = tpu.vector_load_idx %arg5[%broadcast_in_dim3A_11, %shift_right_logical3A_140] : memref<2x10000xf32, #tpu.memory_space<vmem>>[vector<16xi32>, vector<16xi32>], vector<16xf32>,
        %bitcast3A_148 = vector.bitcast %gather3A_147 : vector<16xf32> to vector<32xbf16>
        %max3A_149 = arith.maximumf %max3A_143, %bitcast3A_148 : vector<32xbf16>
        %gather3A_150 = tpu.vector_load_idx %arg5[%broadcast_in_dim3A_13, %shift_right_logical3A_140] : memref<2x10000xf32, #tpu.memory_space<vmem>>[vector<16xi32>, vector<16xi32>], vector<16xf32>,
        %bitcast3A_151 = vector.bitcast %gather3A_150 : vector<16xf32> to vector<32xbf16>
        %max3A_152 = arith.maximumf %max3A_146, %bitcast3A_151 : vector<32xbf16>
        %get3A_153 = arith.constant 3 : i32
        %get3A_154 = arith.index_cast %get3A_153 : i32 to index
        %get3A_155 = arith.index_cast %mul3A_100 : i32 to index
        %get3A_156 = tpu.vector_load %arg6[%get3A_154, %get3A_155] {strides = array<i32>} : memref<16x400xi32, #tpu.memory_space<vmem>>, vector<16xi32>,
        %and3A_157 = arith.andi %get3A_156, %broadcast_in_dim3A_63 : vector<16xi32>
        %shift_right_logical3A_158 = arith.constant 16 : i32
        %shift_right_logical3A_159 = vector.broadcast %shift_right_logical3A_158 : i32 to vector<16xi32>
        %shift_right_logical3A_160 = arith.shrui %get3A_156, %shift_right_logical3A_159 : vector<16xi32>
        %gather3A_161 = tpu.vector_load_idx %arg5[%broadcast_in_dim3A_11, %and3A_157] : memref<2x10000xf32, #tpu.memory_space<vmem>>[vector<16xi32>, vector<16xi32>], vector<16xf32>,
        %bitcast3A_162 = vector.bitcast %gather3A_161 : vector<16xf32> to vector<32xbf16>
        %max3A_163 = arith.maximumf %max3A_149, %bitcast3A_162 : vector<32xbf16>
        %gather3A_164 = tpu.vector_load_idx %arg5[%broadcast_in_dim3A_13, %and3A_157] : memref<2x10000xf32, #tpu.memory_space<vmem>>[vector<16xi32>, vector<16xi32>], vector<16xf32>,
        %bitcast3A_165 = vector.bitcast %gather3A_164 : vector<16xf32> to vector<32xbf16>
        %max3A_166 = arith.maximumf %max3A_152, %bitcast3A_165 : vector<32xbf16>
        %gather3A_167 = tpu.vector_load_idx %arg5[%broadcast_in_dim3A_11, %shift_right_logical3A_160] : memref<2x10000xf32, #tpu.memory_space<vmem>>[vector<16xi32>, vector<16xi32>], vector<16xf32>,
        %bitcast3A_168 = vector.bitcast %gather3A_167 : vector<16xf32> to vector<32xbf16>
        %max3A_169 = arith.maximumf %max3A_163, %bitcast3A_168 : vector<32xbf16>
        %gather3A_170 = tpu.vector_load_idx %arg5[%broadcast_in_dim3A_13, %shift_right_logical3A_160] : memref<2x10000xf32, #tpu.memory_space<vmem>>[vector<16xi32>, vector<16xi32>], vector<16xf32>,
        %bitcast3A_171 = vector.bitcast %gather3A_170 : vector<16xf32> to vector<32xbf16>
        %max3A_172 = arith.maximumf %max3A_166, %bitcast3A_171 : vector<32xbf16>
        %get3A_173 = arith.constant 4 : i32
        %get3A_174 = arith.index_cast %get3A_173 : i32 to index
        %get3A_175 = arith.index_cast %mul3A_100 : i32 to index
        %get3A_176 = tpu.vector_load %arg6[%get3A_174, %get3A_175] {strides = array<i32>} : memref<16x400xi32, #tpu.memory_space<vmem>>, vector<16xi32>,
        %and3A_177 = arith.andi %get3A_176, %broadcast_in_dim3A_63 : vector<16xi32>
        %shift_right_logical3A_178 = arith.constant 16 : i32
        %shift_right_logical3A_179 = vector.broadcast %shift_right_logical3A_178 : i32 to vector<16xi32>
        %shift_right_logical3A_180 = arith.shrui %get3A_176, %shift_right_logical3A_179 : vector<16xi32>
        %gather3A_181 = tpu.vector_load_idx %arg5[%broadcast_in_dim3A_11, %and3A_177] : memref<2x10000xf32, #tpu.memory_space<vmem>>[vector<16xi32>, vector<16xi32>], vector<16xf32>,
        %bitcast3A_182 = vector.bitcast %gather3A_181 : vector<16xf32> to vector<32xbf16>
        %max3A_183 = arith.maximumf %max3A_169, %bitcast3A_182 : vector<32xbf16>
        %gather3A_184 = tpu.vector_load_idx %arg5[%broadcast_in_dim3A_13, %and3A_177] : memref<2x10000xf32, #tpu.memory_space<vmem>>[vector<16xi32>, vector<16xi32>], vector<16xf32>,
        %bitcast3A_185 = vector.bitcast %gather3A_184 : vector<16xf32> to vector<32xbf16>
        %max3A_186 = arith.maximumf %max3A_172, %bitcast3A_185 : vector<32xbf16>
        %gather3A_187 = tpu.vector_load_idx %arg5[%broadcast_in_dim3A_11, %shift_right_logical3A_180] : memref<2x10000xf32, #tpu.memory_space<vmem>>[vector<16xi32>, vector<16xi32>], vector<16xf32>,
        %bitcast3A_188 = vector.bitcast %gather3A_187 : vector<16xf32> to vector<32xbf16>
        %max3A_189 = arith.maximumf %max3A_183, %bitcast3A_188 : vector<32xbf16>
        %gather3A_190 = tpu.vector_load_idx %arg5[%broadcast_in_dim3A_13, %shift_right_logical3A_180] : memref<2x10000xf32, #tpu.memory_space<vmem>>[vector<16xi32>, vector<16xi32>], vector<16xf32>,
        %bitcast3A_191 = vector.bitcast %gather3A_190 : vector<16xf32> to vector<32xbf16>
        %max3A_192 = arith.maximumf %max3A_186, %bitcast3A_191 : vector<32xbf16>
        %get3A_193 = arith.constant 5 : i32
        %get3A_194 = arith.index_cast %get3A_193 : i32 to index
        %get3A_195 = arith.index_cast %mul3A_100 : i32 to index
        %get3A_196 = tpu.vector_load %arg6[%get3A_194, %get3A_195] {strides = array<i32>} : memref<16x400xi32, #tpu.memory_space<vmem>>, vector<16xi32>,
        %and3A_197 = arith.andi %get3A_196, %broadcast_in_dim3A_63 : vector<16xi32>
        %shift_right_logical3A_198 = arith.constant 16 : i32
        %shift_right_logical3A_199 = vector.broadcast %shift_right_logical3A_198 : i32 to vector<16xi32>
        %shift_right_logical3A_200 = arith.shrui %get3A_196, %shift_right_logical3A_199 : vector<16xi32>
        %gather3A_201 = tpu.vector_load_idx %arg5[%broadcast_in_dim3A_11, %and3A_197] : memref<2x10000xf32, #tpu.memory_space<vmem>>[vector<16xi32>, vector<16xi32>], vector<16xf32>,
        %bitcast3A_202 = vector.bitcast %gather3A_201 : vector<16xf32> to vector<32xbf16>
        %max3A_203 = arith.maximumf %max3A_189, %bitcast3A_202 : vector<32xbf16>
        %gather3A_204 = tpu.vector_load_idx %arg5[%broadcast_in_dim3A_13, %and3A_197] : memref<2x10000xf32, #tpu.memory_space<vmem>>[vector<16xi32>, vector<16xi32>], vector<16xf32>,
        %bitcast3A_205 = vector.bitcast %gather3A_204 : vector<16xf32> to vector<32xbf16>
        %max3A_206 = arith.maximumf %max3A_192, %bitcast3A_205 : vector<32xbf16>
        %gather3A_207 = tpu.vector_load_idx %arg5[%broadcast_in_dim3A_11, %shift_right_logical3A_200] : memref<2x10000xf32, #tpu.memory_space<vmem>>[vector<16xi32>, vector<16xi32>], vector<16xf32>,
        %bitcast3A_208 = vector.bitcast %gather3A_207 : vector<16xf32> to vector<32xbf16>
        %max3A_209 = arith.maximumf %max3A_203, %bitcast3A_208 : vector<32xbf16>
        %gather3A_210 = tpu.vector_load_idx %arg5[%broadcast_in_dim3A_13, %shift_right_logical3A_200] : memref<2x10000xf32, #tpu.memory_space<vmem>>[vector<16xi32>, vector<16xi32>], vector<16xf32>,
        %bitcast3A_211 = vector.bitcast %gather3A_210 : vector<16xf32> to vector<32xbf16>
        %max3A_212 = arith.maximumf %max3A_206, %bitcast3A_211 : vector<32xbf16>
        %get3A_213 = arith.constant 6 : i32
        %get3A_214 = arith.index_cast %get3A_213 : i32 to index
        %get3A_215 = arith.index_cast %mul3A_100 : i32 to index
        %get3A_216 = tpu.vector_load %arg6[%get3A_214, %get3A_215] {strides = array<i32>} : memref<16x400xi32, #tpu.memory_space<vmem>>, vector<16xi32>,
        %and3A_217 = arith.andi %get3A_216, %broadcast_in_dim3A_63 : vector<16xi32>
        %shift_right_logical3A_218 = arith.constant 16 : i32
        %shift_right_logical3A_219 = vector.broadcast %shift_right_logical3A_218 : i32 to vector<16xi32>
        %shift_right_logical3A_220 = arith.shrui %get3A_216, %shift_right_logical3A_219 : vector<16xi32>
        %gather3A_221 = tpu.vector_load_idx %arg5[%broadcast_in_dim3A_11, %and3A_217] : memref<2x10000xf32, #tpu.memory_space<vmem>>[vector<16xi32>, vector<16xi32>], vector<16xf32>,
        %bitcast3A_222 = vector.bitcast %gather3A_221 : vector<16xf32> to vector<32xbf16>
        %max3A_223 = arith.maximumf %max3A_209, %bitcast3A_222 : vector<32xbf16>
        %gather3A_224 = tpu.vector_load_idx %arg5[%broadcast_in_dim3A_13, %and3A_217] : memref<2x10000xf32, #tpu.memory_space<vmem>>[vector<16xi32>, vector<16xi32>], vector<16xf32>,
        %bitcast3A_225 = vector.bitcast %gather3A_224 : vector<16xf32> to vector<32xbf16>
        %max3A_226 = arith.maximumf %max3A_212, %bitcast3A_225 : vector<32xbf16>
        %gather3A_227 = tpu.vector_load_idx %arg5[%broadcast_in_dim3A_11, %shift_right_logical3A_220] : memref<2x10000xf32, #tpu.memory_space<vmem>>[vector<16xi32>, vector<16xi32>], vector<16xf32>,
        %bitcast3A_228 = vector.bitcast %gather3A_227 : vector<16xf32> to vector<32xbf16>
        %max3A_229 = arith.maximumf %max3A_223, %bitcast3A_228 : vector<32xbf16>
        %gather3A_230 = tpu.vector_load_idx %arg5[%broadcast_in_dim3A_13, %shift_right_logical3A_220] : memref<2x10000xf32, #tpu.memory_space<vmem>>[vector<16xi32>, vector<16xi32>], vector<16xf32>,
        %bitcast3A_231 = vector.bitcast %gather3A_230 : vector<16xf32> to vector<32xbf16>
        %max3A_232 = arith.maximumf %max3A_226, %bitcast3A_231 : vector<32xbf16>
        %get3A_233 = arith.constant 7 : i32
        %get3A_234 = arith.index_cast %get3A_233 : i32 to index
        %get3A_235 = arith.index_cast %mul3A_100 : i32 to index
        %get3A_236 = tpu.vector_load %arg6[%get3A_234, %get3A_235] {strides = array<i32>} : memref<16x400xi32, #tpu.memory_space<vmem>>, vector<16xi32>,
        %and3A_237 = arith.andi %get3A_236, %broadcast_in_dim3A_63 : vector<16xi32>
        %shift_right_logical3A_238 = arith.constant 16 : i32
        %shift_right_logical3A_239 = vector.broadcast %shift_right_logical3A_238 : i32 to vector<16xi32>
        %shift_right_logical3A_240 = arith.shrui %get3A_236, %shift_right_logical3A_239 : vector<16xi32>
        %gather3A_241 = tpu.vector_load_idx %arg5[%broadcast_in_dim3A_11, %and3A_237] : memref<2x10000xf32, #tpu.memory_space<vmem>>[vector<16xi32>, vector<16xi32>], vector<16xf32>,
        %bitcast3A_242 = vector.bitcast %gather3A_241 : vector<16xf32> to vector<32xbf16>
        %max3A_243 = arith.maximumf %max3A_229, %bitcast3A_242 : vector<32xbf16>
        %gather3A_244 = tpu.vector_load_idx %arg5[%broadcast_in_dim3A_13, %and3A_237] : memref<2x10000xf32, #tpu.memory_space<vmem>>[vector<16xi32>, vector<16xi32>], vector<16xf32>,
        %bitcast3A_245 = vector.bitcast %gather3A_244 : vector<16xf32> to vector<32xbf16>
        %max3A_246 = arith.maximumf %max3A_232, %bitcast3A_245 : vector<32xbf16>
        %gather3A_247 = tpu.vector_load_idx %arg5[%broadcast_in_dim3A_11, %shift_right_logical3A_240] : memref<2x10000xf32, #tpu.memory_space<vmem>>[vector<16xi32>, vector<16xi32>], vector<16xf32>,
        %bitcast3A_248 = vector.bitcast %gather3A_247 : vector<16xf32> to vector<32xbf16>
        %max3A_249 = arith.maximumf %max3A_243, %bitcast3A_248 : vector<32xbf16>
        %gather3A_250 = tpu.vector_load_idx %arg5[%broadcast_in_dim3A_13, %shift_right_logical3A_240] : memref<2x10000xf32, #tpu.memory_space<vmem>>[vector<16xi32>, vector<16xi32>], vector<16xf32>,
        %bitcast3A_251 = vector.bitcast %gather3A_250 : vector<16xf32> to vector<32xbf16>
        %max3A_252 = arith.maximumf %max3A_246, %bitcast3A_251 : vector<32xbf16>
        %get3A_253 = arith.constant 8 : i32
        %get3A_254 = arith.index_cast %get3A_253 : i32 to index
        %get3A_255 = arith.index_cast %mul3A_100 : i32 to index
        %get3A_256 = tpu.vector_load %arg6[%get3A_254, %get3A_255] {strides = array<i32>} : memref<16x400xi32, #tpu.memory_space<vmem>>, vector<16xi32>,
        %and3A_257 = arith.andi %get3A_256, %broadcast_in_dim3A_63 : vector<16xi32>
        %shift_right_logical3A_258 = arith.constant 16 : i32
        %shift_right_logical3A_259 = vector.broadcast %shift_right_logical3A_258 : i32 to vector<16xi32>
        %shift_right_logical3A_260 = arith.shrui %get3A_256, %shift_right_logical3A_259 : vector<16xi32>
        %gather3A_261 = tpu.vector_load_idx %arg5[%broadcast_in_dim3A_11, %and3A_257] : memref<2x10000xf32, #tpu.memory_space<vmem>>[vector<16xi32>, vector<16xi32>], vector<16xf32>,
        %bitcast3A_262 = vector.bitcast %gather3A_261 : vector<16xf32> to vector<32xbf16>
        %max3A_263 = arith.maximumf %max3A_249, %bitcast3A_262 : vector<32xbf16>
        %gather3A_264 = tpu.vector_load_idx %arg5[%broadcast_in_dim3A_13, %and3A_257] : memref<2x10000xf32, #tpu.memory_space<vmem>>[vector<16xi32>, vector<16xi32>], vector<16xf32>,
        %bitcast3A_265 = vector.bitcast %gather3A_264 : vector<16xf32> to vector<32xbf16>
        %max3A_266 = arith.maximumf %max3A_252, %bitcast3A_265 : vector<32xbf16>
        %gather3A_267 = tpu.vector_load_idx %arg5[%broadcast_in_dim3A_11, %shift_right_logical3A_260] : memref<2x10000xf32, #tpu.memory_space<vmem>>[vector<16xi32>, vector<16xi32>], vector<16xf32>,
        %bitcast3A_268 = vector.bitcast %gather3A_267 : vector<16xf32> to vector<32xbf16>
        %max3A_269 = arith.maximumf %max3A_263, %bitcast3A_268 : vector<32xbf16>
        %gather3A_270 = tpu.vector_load_idx %arg5[%broadcast_in_dim3A_13, %shift_right_logical3A_260] : memref<2x10000xf32, #tpu.memory_space<vmem>>[vector<16xi32>, vector<16xi32>], vector<16xf32>,
        %bitcast3A_271 = vector.bitcast %gather3A_270 : vector<16xf32> to vector<32xbf16>
        %max3A_272 = arith.maximumf %max3A_266, %bitcast3A_271 : vector<32xbf16>
        %get3A_273 = arith.constant 9 : i32
        %get3A_274 = arith.index_cast %get3A_273 : i32 to index
        %get3A_275 = arith.index_cast %mul3A_100 : i32 to index
        %get3A_276 = tpu.vector_load %arg6[%get3A_274, %get3A_275] {strides = array<i32>} : memref<16x400xi32, #tpu.memory_space<vmem>>, vector<16xi32>,
        %and3A_277 = arith.andi %get3A_276, %broadcast_in_dim3A_63 : vector<16xi32>
        %shift_right_logical3A_278 = arith.constant 16 : i32
        %shift_right_logical3A_279 = vector.broadcast %shift_right_logical3A_278 : i32 to vector<16xi32>
        %shift_right_logical3A_280 = arith.shrui %get3A_276, %shift_right_logical3A_279 : vector<16xi32>
        %gather3A_281 = tpu.vector_load_idx %arg5[%broadcast_in_dim3A_11, %and3A_277] : memref<2x10000xf32, #tpu.memory_space<vmem>>[vector<16xi32>, vector<16xi32>], vector<16xf32>,
        %bitcast3A_282 = vector.bitcast %gather3A_281 : vector<16xf32> to vector<32xbf16>
        %max3A_283 = arith.maximumf %max3A_269, %bitcast3A_282 : vector<32xbf16>
        %gather3A_284 = tpu.vector_load_idx %arg5[%broadcast_in_dim3A_13, %and3A_277] : memref<2x10000xf32, #tpu.memory_space<vmem>>[vector<16xi32>, vector<16xi32>], vector<16xf32>,
        %bitcast3A_285 = vector.bitcast %gather3A_284 : vector<16xf32> to vector<32xbf16>
        %max3A_286 = arith.maximumf %max3A_272, %bitcast3A_285 : vector<32xbf16>
        %gather3A_287 = tpu.vector_load_idx %arg5[%broadcast_in_dim3A_11, %shift_right_logical3A_280] : memref<2x10000xf32, #tpu.memory_space<vmem>>[vector<16xi32>, vector<16xi32>], vector<16xf32>,
        %bitcast3A_288 = vector.bitcast %gather3A_287 : vector<16xf32> to vector<32xbf16>
        %max3A_289 = arith.maximumf %max3A_283, %bitcast3A_288 : vector<32xbf16>
        %gather3A_290 = tpu.vector_load_idx %arg5[%broadcast_in_dim3A_13, %shift_right_logical3A_280] : memref<2x10000xf32, #tpu.memory_space<vmem>>[vector<16xi32>, vector<16xi32>], vector<16xf32>,
        %bitcast3A_291 = vector.bitcast %gather3A_290 : vector<16xf32> to vector<32xbf16>
        %max3A_292 = arith.maximumf %max3A_286, %bitcast3A_291 : vector<32xbf16>
        %get3A_293 = arith.constant 10 : i32
        %get3A_294 = arith.index_cast %get3A_293 : i32 to index
        %get3A_295 = arith.index_cast %mul3A_100 : i32 to index
        %get3A_296 = tpu.vector_load %arg6[%get3A_294, %get3A_295] {strides = array<i32>} : memref<16x400xi32, #tpu.memory_space<vmem>>, vector<16xi32>,
        %and3A_297 = arith.andi %get3A_296, %broadcast_in_dim3A_63 : vector<16xi32>
        %shift_right_logical3A_298 = arith.constant 16 : i32
        %shift_right_logical3A_299 = vector.broadcast %shift_right_logical3A_298 : i32 to vector<16xi32>
        %shift_right_logical3A_300 = arith.shrui %get3A_296, %shift_right_logical3A_299 : vector<16xi32>
        %gather3A_301 = tpu.vector_load_idx %arg5[%broadcast_in_dim3A_11, %and3A_297] : memref<2x10000xf32, #tpu.memory_space<vmem>>[vector<16xi32>, vector<16xi32>], vector<16xf32>,
        %bitcast3A_302 = vector.bitcast %gather3A_301 : vector<16xf32> to vector<32xbf16>
        %max3A_303 = arith.maximumf %max3A_289, %bitcast3A_302 : vector<32xbf16>
        %gather3A_304 = tpu.vector_load_idx %arg5[%broadcast_in_dim3A_13, %and3A_297] : memref<2x10000xf32, #tpu.memory_space<vmem>>[vector<16xi32>, vector<16xi32>], vector<16xf32>,
        %bitcast3A_305 = vector.bitcast %gather3A_304 : vector<16xf32> to vector<32xbf16>
        %max3A_306 = arith.maximumf %max3A_292, %bitcast3A_305 : vector<32xbf16>
        %gather3A_307 = tpu.vector_load_idx %arg5[%broadcast_in_dim3A_11, %shift_right_logical3A_300] : memref<2x10000xf32, #tpu.memory_space<vmem>>[vector<16xi32>, vector<16xi32>], vector<16xf32>,
        %bitcast3A_308 = vector.bitcast %gather3A_307 : vector<16xf32> to vector<32xbf16>
        %max3A_309 = arith.maximumf %max3A_303, %bitcast3A_308 : vector<32xbf16>
        %gather3A_310 = tpu.vector_load_idx %arg5[%broadcast_in_dim3A_13, %shift_right_logical3A_300] : memref<2x10000xf32, #tpu.memory_space<vmem>>[vector<16xi32>, vector<16xi32>], vector<16xf32>,
        %bitcast3A_311 = vector.bitcast %gather3A_310 : vector<16xf32> to vector<32xbf16>
        %max3A_312 = arith.maximumf %max3A_306, %bitcast3A_311 : vector<32xbf16>
        %get3A_313 = arith.constant 11 : i32
        %get3A_314 = arith.index_cast %get3A_313 : i32 to index
        %get3A_315 = arith.index_cast %mul3A_100 : i32 to index
        %get3A_316 = tpu.vector_load %arg6[%get3A_314, %get3A_315] {strides = array<i32>} : memref<16x400xi32, #tpu.memory_space<vmem>>, vector<16xi32>,
        %and3A_317 = arith.andi %get3A_316, %broadcast_in_dim3A_63 : vector<16xi32>
        %shift_right_logical3A_318 = arith.constant 16 : i32
        %shift_right_logical3A_319 = vector.broadcast %shift_right_logical3A_318 : i32 to vector<16xi32>
        %shift_right_logical3A_320 = arith.shrui %get3A_316, %shift_right_logical3A_319 : vector<16xi32>
        %gather3A_321 = tpu.vector_load_idx %arg5[%broadcast_in_dim3A_11, %and3A_317] : memref<2x10000xf32, #tpu.memory_space<vmem>>[vector<16xi32>, vector<16xi32>], vector<16xf32>,
        %bitcast3A_322 = vector.bitcast %gather3A_321 : vector<16xf32> to vector<32xbf16>
        %max3A_323 = arith.maximumf %max3A_309, %bitcast3A_322 : vector<32xbf16>
        %gather3A_324 = tpu.vector_load_idx %arg5[%broadcast_in_dim3A_13, %and3A_317] : memref<2x10000xf32, #tpu.memory_space<vmem>>[vector<16xi32>, vector<16xi32>], vector<16xf32>,
        %bitcast3A_325 = vector.bitcast %gather3A_324 : vector<16xf32> to vector<32xbf16>
        %max3A_326 = arith.maximumf %max3A_312, %bitcast3A_325 : vector<32xbf16>
        %gather3A_327 = tpu.vector_load_idx %arg5[%broadcast_in_dim3A_11, %shift_right_logical3A_320] : memref<2x10000xf32, #tpu.memory_space<vmem>>[vector<16xi32>, vector<16xi32>], vector<16xf32>,
        %bitcast3A_328 = vector.bitcast %gather3A_327 : vector<16xf32> to vector<32xbf16>
        %max3A_329 = arith.maximumf %max3A_323, %bitcast3A_328 : vector<32xbf16>
        %gather3A_330 = tpu.vector_load_idx %arg5[%broadcast_in_dim3A_13, %shift_right_logical3A_320] : memref<2x10000xf32, #tpu.memory_space<vmem>>[vector<16xi32>, vector<16xi32>], vector<16xf32>,
        %bitcast3A_331 = vector.bitcast %gather3A_330 : vector<16xf32> to vector<32xbf16>
        %max3A_332 = arith.maximumf %max3A_326, %bitcast3A_331 : vector<32xbf16>
        %get3A_333 = arith.constant 12 : i32
        %get3A_334 = arith.index_cast %get3A_333 : i32 to index
        %get3A_335 = arith.index_cast %mul3A_100 : i32 to index
        %get3A_336 = tpu.vector_load %arg6[%get3A_334, %get3A_335] {strides = array<i32>} : memref<16x400xi32, #tpu.memory_space<vmem>>, vector<16xi32>,
        %and3A_337 = arith.andi %get3A_336, %broadcast_in_dim3A_63 : vector<16xi32>
        %shift_right_logical3A_338 = arith.constant 16 : i32
        %shift_right_logical3A_339 = vector.broadcast %shift_right_logical3A_338 : i32 to vector<16xi32>
        %shift_right_logical3A_340 = arith.shrui %get3A_336, %shift_right_logical3A_339 : vector<16xi32>
        %gather3A_341 = tpu.vector_load_idx %arg5[%broadcast_in_dim3A_11, %and3A_337] : memref<2x10000xf32, #tpu.memory_space<vmem>>[vector<16xi32>, vector<16xi32>], vector<16xf32>,
        %bitcast3A_342 = vector.bitcast %gather3A_341 : vector<16xf32> to vector<32xbf16>
        %max3A_343 = arith.maximumf %max3A_329, %bitcast3A_342 : vector<32xbf16>
        %gather3A_344 = tpu.vector_load_idx %arg5[%broadcast_in_dim3A_13, %and3A_337] : memref<2x10000xf32, #tpu.memory_space<vmem>>[vector<16xi32>, vector<16xi32>], vector<16xf32>,
        %bitcast3A_345 = vector.bitcast %gather3A_344 : vector<16xf32> to vector<32xbf16>
        %max3A_346 = arith.maximumf %max3A_332, %bitcast3A_345 : vector<32xbf16>
        %gather3A_347 = tpu.vector_load_idx %arg5[%broadcast_in_dim3A_11, %shift_right_logical3A_340] : memref<2x10000xf32, #tpu.memory_space<vmem>>[vector<16xi32>, vector<16xi32>], vector<16xf32>,
        %bitcast3A_348 = vector.bitcast %gather3A_347 : vector<16xf32> to vector<32xbf16>
        %max3A_349 = arith.maximumf %max3A_343, %bitcast3A_348 : vector<32xbf16>
        %gather3A_350 = tpu.vector_load_idx %arg5[%broadcast_in_dim3A_13, %shift_right_logical3A_340] : memref<2x10000xf32, #tpu.memory_space<vmem>>[vector<16xi32>, vector<16xi32>], vector<16xf32>,
        %bitcast3A_351 = vector.bitcast %gather3A_350 : vector<16xf32> to vector<32xbf16>
        %max3A_352 = arith.maximumf %max3A_346, %bitcast3A_351 : vector<32xbf16>
        %get3A_353 = arith.constant 13 : i32
        %get3A_354 = arith.index_cast %get3A_353 : i32 to index
        %get3A_355 = arith.index_cast %mul3A_100 : i32 to index
        %get3A_356 = tpu.vector_load %arg6[%get3A_354, %get3A_355] {strides = array<i32>} : memref<16x400xi32, #tpu.memory_space<vmem>>, vector<16xi32>,
        %and3A_357 = arith.andi %get3A_356, %broadcast_in_dim3A_63 : vector<16xi32>
        %shift_right_logical3A_358 = arith.constant 16 : i32
        %shift_right_logical3A_359 = vector.broadcast %shift_right_logical3A_358 : i32 to vector<16xi32>
        %shift_right_logical3A_360 = arith.shrui %get3A_356, %shift_right_logical3A_359 : vector<16xi32>
        %gather3A_361 = tpu.vector_load_idx %arg5[%broadcast_in_dim3A_11, %and3A_357] : memref<2x10000xf32, #tpu.memory_space<vmem>>[vector<16xi32>, vector<16xi32>], vector<16xf32>,
        %bitcast3A_362 = vector.bitcast %gather3A_361 : vector<16xf32> to vector<32xbf16>
        %max3A_363 = arith.maximumf %max3A_349, %bitcast3A_362 : vector<32xbf16>
        %gather3A_364 = tpu.vector_load_idx %arg5[%broadcast_in_dim3A_13, %and3A_357] : memref<2x10000xf32, #tpu.memory_space<vmem>>[vector<16xi32>, vector<16xi32>], vector<16xf32>,
        %bitcast3A_365 = vector.bitcast %gather3A_364 : vector<16xf32> to vector<32xbf16>
        %max3A_366 = arith.maximumf %max3A_352, %bitcast3A_365 : vector<32xbf16>
        %gather3A_367 = tpu.vector_load_idx %arg5[%broadcast_in_dim3A_11, %shift_right_logical3A_360] : memref<2x10000xf32, #tpu.memory_space<vmem>>[vector<16xi32>, vector<16xi32>], vector<16xf32>,
        %bitcast3A_368 = vector.bitcast %gather3A_367 : vector<16xf32> to vector<32xbf16>
        %max3A_369 = arith.maximumf %max3A_363, %bitcast3A_368 : vector<32xbf16>
        %gather3A_370 = tpu.vector_load_idx %arg5[%broadcast_in_dim3A_13, %shift_right_logical3A_360] : memref<2x10000xf32, #tpu.memory_space<vmem>>[vector<16xi32>, vector<16xi32>], vector<16xf32>,
        %bitcast3A_371 = vector.bitcast %gather3A_370 : vector<16xf32> to vector<32xbf16>
        %max3A_372 = arith.maximumf %max3A_366, %bitcast3A_371 : vector<32xbf16>
        %get3A_373 = arith.constant 14 : i32
        %get3A_374 = arith.index_cast %get3A_373 : i32 to index
        %get3A_375 = arith.index_cast %mul3A_100 : i32 to index
        %get3A_376 = tpu.vector_load %arg6[%get3A_374, %get3A_375] {strides = array<i32>} : memref<16x400xi32, #tpu.memory_space<vmem>>, vector<16xi32>,
        %and3A_377 = arith.andi %get3A_376, %broadcast_in_dim3A_63 : vector<16xi32>
        %shift_right_logical3A_378 = arith.constant 16 : i32
        %shift_right_logical3A_379 = vector.broadcast %shift_right_logical3A_378 : i32 to vector<16xi32>
        %shift_right_logical3A_380 = arith.shrui %get3A_376, %shift_right_logical3A_379 : vector<16xi32>
        %gather3A_381 = tpu.vector_load_idx %arg5[%broadcast_in_dim3A_11, %and3A_377] : memref<2x10000xf32, #tpu.memory_space<vmem>>[vector<16xi32>, vector<16xi32>], vector<16xf32>,
        %bitcast3A_382 = vector.bitcast %gather3A_381 : vector<16xf32> to vector<32xbf16>
        %max3A_383 = arith.maximumf %max3A_369, %bitcast3A_382 : vector<32xbf16>
        %gather3A_384 = tpu.vector_load_idx %arg5[%broadcast_in_dim3A_13, %and3A_377] : memref<2x10000xf32, #tpu.memory_space<vmem>>[vector<16xi32>, vector<16xi32>], vector<16xf32>,
        %bitcast3A_385 = vector.bitcast %gather3A_384 : vector<16xf32> to vector<32xbf16>
        %max3A_386 = arith.maximumf %max3A_372, %bitcast3A_385 : vector<32xbf16>
        %gather3A_387 = tpu.vector_load_idx %arg5[%broadcast_in_dim3A_11, %shift_right_logical3A_380] : memref<2x10000xf32, #tpu.memory_space<vmem>>[vector<16xi32>, vector<16xi32>], vector<16xf32>,
        %bitcast3A_388 = vector.bitcast %gather3A_387 : vector<16xf32> to vector<32xbf16>
        %max3A_389 = arith.maximumf %max3A_383, %bitcast3A_388 : vector<32xbf16>
        %gather3A_390 = tpu.vector_load_idx %arg5[%broadcast_in_dim3A_13, %shift_right_logical3A_380] : memref<2x10000xf32, #tpu.memory_space<vmem>>[vector<16xi32>, vector<16xi32>], vector<16xf32>,
        %bitcast3A_391 = vector.bitcast %gather3A_390 : vector<16xf32> to vector<32xbf16>
        %max3A_392 = arith.maximumf %max3A_386, %bitcast3A_391 : vector<32xbf16>
        %get3A_393 = arith.constant 15 : i32
        %get3A_394 = arith.index_cast %get3A_393 : i32 to index
        %get3A_395 = arith.index_cast %mul3A_100 : i32 to index
        %get3A_396 = tpu.vector_load %arg6[%get3A_394, %get3A_395] {strides = array<i32>} : memref<16x400xi32, #tpu.memory_space<vmem>>, vector<16xi32>,
        %and3A_397 = arith.andi %get3A_396, %broadcast_in_dim3A_63 : vector<16xi32>
        %shift_right_logical3A_398 = arith.constant 16 : i32
        %shift_right_logical3A_399 = vector.broadcast %shift_right_logical3A_398 : i32 to vector<16xi32>
        %shift_right_logical3A_400 = arith.shrui %get3A_396, %shift_right_logical3A_399 : vector<16xi32>
        %gather3A_401 = tpu.vector_load_idx %arg5[%broadcast_in_dim3A_11, %and3A_397] : memref<2x10000xf32, #tpu.memory_space<vmem>>[vector<16xi32>, vector<16xi32>], vector<16xf32>,
        %bitcast3A_402 = vector.bitcast %gather3A_401 : vector<16xf32> to vector<32xbf16>
        %max3A_403 = arith.maximumf %max3A_389, %bitcast3A_402 : vector<32xbf16>
        %gather3A_404 = tpu.vector_load_idx %arg5[%broadcast_in_dim3A_13, %and3A_397] : memref<2x10000xf32, #tpu.memory_space<vmem>>[vector<16xi32>, vector<16xi32>], vector<16xf32>,
        %bitcast3A_405 = vector.bitcast %gather3A_404 : vector<16xf32> to vector<32xbf16>
        %max3A_406 = arith.maximumf %max3A_392, %bitcast3A_405 : vector<32xbf16>
        %gather3A_407 = tpu.vector_load_idx %arg5[%broadcast_in_dim3A_11, %shift_right_logical3A_400] : memref<2x10000xf32, #tpu.memory_space<vmem>>[vector<16xi32>, vector<16xi32>], vector<16xf32>,
        %bitcast3A_408 = vector.bitcast %gather3A_407 : vector<16xf32> to vector<32xbf16>
        %max3A_409 = arith.maximumf %max3A_403, %bitcast3A_408 : vector<32xbf16>
        %gather3A_410 = tpu.vector_load_idx %arg5[%broadcast_in_dim3A_13, %shift_right_logical3A_400] : memref<2x10000xf32, #tpu.memory_space<vmem>>[vector<16xi32>, vector<16xi32>], vector<16xf32>,
        %bitcast3A_411 = vector.bitcast %gather3A_410 : vector<16xf32> to vector<32xbf16>
        %max3A_412 = arith.maximumf %max3A_406, %bitcast3A_411 : vector<32xbf16>
        %bitcast3A_413 = vector.bitcast %max3A_409 : vector<32xbf16> to vector<16xf32>
        %add3A_414 = arith.addi %mul3A_61, %mul3A_100 : i32
        %swap3A = arith.constant 0 : i32
        %swap3A_415 = arith.index_cast %swap3A : i32 to index
        %swap3A_416 = arith.index_cast %add3A_414 : i32 to index
        %swap3A_417 = tpu.vector_load %arg8[%swap3A_415, %swap3A_416] {strides = array<i32>} : memref<2x10000xf32, #tpu.memory_space<vmem>>, vector<16xf32>,
        tpu.vector_store %arg8[%swap3A_415, %swap3A_416], %bitcast3A_413 {strides = array<i32>} : memref<2x10000xf32, #tpu.memory_space<vmem>>, vector<16xf32>,
        %bitcast3A_418 = vector.bitcast %max3A_412 : vector<32xbf16> to vector<16xf32>
        %add3A_419 = arith.addi %mul3A_61, %mul3A_100 : i32
        %swap3A_420 = arith.constant 1 : i32
        %swap3A_421 = arith.index_cast %swap3A_420 : i32 to index
        %swap3A_422 = arith.index_cast %add3A_419 : i32 to index
        %swap3A_423 = tpu.vector_load %arg8[%swap3A_421, %swap3A_422] {strides = array<i32>} : memref<2x10000xf32, #tpu.memory_space<vmem>>, vector<16xf32>,
        tpu.vector_store %arg8[%swap3A_421, %swap3A_422], %bitcast3A_418 {strides = array<i32>} : memref<2x10000xf32, #tpu.memory_space<vmem>>, vector<16xf32>,
      }
      %scan3A_69 = arith.constant 25 : i32
      %add3A_70 = arith.constant 2 : i32
      %add3A_71 = arith.addi %mul3A_39, %add3A_70 : i32
      %dma_start3A_72 = arith.constant 0 : i32
      %dma_start3A_73 = arith.constant 0 : i32
      %dma_start3A_74 = tpu.memref_slice %arg3[%add3A_71, %dma_start3A_72, %dma_start3A_73] : memref<25x16x400xi32, #tpu.memory_space<hbm>> -> memref<1x16x400xi32, #tpu.memory_space<hbm>>
      %dma_start3A_75 = tpu.memref_squeeze %dma_start3A_74 : memref<1x16x400xi32, #tpu.memory_space<hbm>> -> memref<16x400xi32, #tpu.memory_space<hbm>>
      %dma_start3A_76 = arith.constant 0 : i32
      %dma_start3A_77 = arith.constant 0 : i32
      %dma_start3A_78 = tpu.memref_slice %arg3[%add3A_71, %dma_start3A_76, %dma_start3A_77] : memref<25x16x400xi32, #tpu.memory_space<hbm>> -> memref<1x16x400xi32, #tpu.memory_space<hbm>>
      %dma_start3A_79 = tpu.memref_squeeze %dma_start3A_78 : memref<1x16x400xi32, #tpu.memory_space<hbm>> -> memref<16x400xi32, #tpu.memory_space<hbm>>
      tpu.enqueue_dma source(%dma_start3A_79 : memref<16x400xi32, #tpu.memory_space<hbm>>) target(%arg6 : memref<16x400xi32, #tpu.memory_space<vmem>>) target_semaphore(%arg9 : memref<!tpu.dma_semaphore, #tpu.memory_space<semaphore_mem>>)
      %dma_wait3A_80 = arith.constant 0 : i32
      %dma_wait3A_81 = arith.constant 0 : i32
      %dma_wait3A_82 = tpu.memref_slice %arg3[%add3A_43, %dma_wait3A_80, %dma_wait3A_81] : memref<25x16x400xi32, #tpu.memory_space<hbm>> -> memref<1x16x400xi32, #tpu.memory_space<hbm>>
      %dma_wait3A_83 = tpu.memref_squeeze %dma_wait3A_82 : memref<1x16x400xi32, #tpu.memory_space<hbm>> -> memref<16x400xi32, #tpu.memory_space<hbm>>
      %dma_wait3A_84 = arith.constant 0 : i32
      %dma_wait3A_85 = arith.constant 0 : i32
      %dma_wait3A_86 = tpu.memref_slice %arg3[%add3A_43, %dma_wait3A_84, %dma_wait3A_85] : memref<25x16x400xi32, #tpu.memory_space<hbm>> -> memref<1x16x400xi32, #tpu.memory_space<hbm>>
      %dma_wait3A_87 = tpu.memref_squeeze %dma_wait3A_86 : memref<1x16x400xi32, #tpu.memory_space<hbm>> -> memref<16x400xi32, #tpu.memory_space<hbm>>
      tpu.wait_dma2 semaphore(%arg10 : memref<!tpu.dma_semaphore, #tpu.memory_space<semaphore_mem>>) src(%dma_wait3A_87 : memref<16x400xi32, #tpu.memory_space<hbm>>) dst(%arg7 : memref<16x400xi32, #tpu.memory_space<vmem>>)
      %mul3A_88 = arith.constant 400 : i32
      %mul3A_89 = arith.muli %add3A_43, %mul3A_88 : i32
      %broadcast_in_dim3A_90 = arith.constant 65535 : i32
      %broadcast_in_dim3A_91 = vector.broadcast %broadcast_in_dim3A_90 : i32 to vector<16xi32>
      %scan3A_92 = arith.constant 0 : i32
      %scan3A_93 = arith.constant 0 : i32
      %scan3A_94 = arith.constant 25 : i32
      %scan3A_95 = arith.addi %scan3A_93, %scan3A_94 : i32
      %scan3A_96 = arith.constant 1 : i32
      scf.for %scan3A_98 = %scan3A_93 to %scan3A_95 step %scan3A_96  : i32 {
        %mul3A_99 = arith.constant 16 : i32
        %mul3A_100 = arith.muli %scan3A_98, %mul3A_99 : i32
        %get3A = arith.constant 0 : i32
        %get3A_101 = arith.index_cast %get3A : i32 to index
        %get3A_102 = arith.index_cast %mul3A_100 : i32 to index
        %get3A_103 = tpu.vector_load %arg7[%get3A_101, %get3A_102] {strides = array<i32>} : memref<16x400xi32, #tpu.memory_space<vmem>>, vector<16xi32>,
        %and3A = arith.andi %get3A_103, %broadcast_in_dim3A_91 : vector<16xi32>
        %shift_right_logical3A = arith.constant 16 : i32
        %shift_right_logical3A_104 = vector.broadcast %shift_right_logical3A : i32 to vector<16xi32>
        %shift_right_logical3A_105 = arith.shrui %get3A_103, %shift_right_logical3A_104 : vector<16xi32>
        %gather3A = tpu.vector_load_idx %arg5[%broadcast_in_dim3A_11, %and3A] : memref<2x10000xf32, #tpu.memory_space<vmem>>[vector<16xi32>, vector<16xi32>], vector<16xf32>,
        %bitcast3A = vector.bitcast %gather3A : vector<16xf32> to vector<32xbf16>
        %gather3A_106 = tpu.vector_load_idx %arg5[%broadcast_in_dim3A_13, %and3A] : memref<2x10000xf32, #tpu.memory_space<vmem>>[vector<16xi32>, vector<16xi32>], vector<16xf32>,
        %bitcast3A_107 = vector.bitcast %gather3A_106 : vector<16xf32> to vector<32xbf16>
        %gather3A_108 = tpu.vector_load_idx %arg5[%broadcast_in_dim3A_11, %shift_right_logical3A_105] : memref<2x10000xf32, #tpu.memory_space<vmem>>[vector<16xi32>, vector<16xi32>], vector<16xf32>,
        %bitcast3A_109 = vector.bitcast %gather3A_108 : vector<16xf32> to vector<32xbf16>
        %max3A = arith.maximumf %bitcast3A, %bitcast3A_109 : vector<32xbf16>
        %gather3A_110 = tpu.vector_load_idx %arg5[%broadcast_in_dim3A_13, %shift_right_logical3A_105] : memref<2x10000xf32, #tpu.memory_space<vmem>>[vector<16xi32>, vector<16xi32>], vector<16xf32>,
        %bitcast3A_111 = vector.bitcast %gather3A_110 : vector<16xf32> to vector<32xbf16>
        %max3A_112 = arith.maximumf %bitcast3A_107, %bitcast3A_111 : vector<32xbf16>
        %get3A_113 = arith.constant 1 : i32
        %get3A_114 = arith.index_cast %get3A_113 : i32 to index
        %get3A_115 = arith.index_cast %mul3A_100 : i32 to index
        %get3A_116 = tpu.vector_load %arg7[%get3A_114, %get3A_115] {strides = array<i32>} : memref<16x400xi32, #tpu.memory_space<vmem>>, vector<16xi32>,
        %and3A_117 = arith.andi %get3A_116, %broadcast_in_dim3A_91 : vector<16xi32>
        %shift_right_logical3A_118 = arith.constant 16 : i32
        %shift_right_logical3A_119 = vector.broadcast %shift_right_logical3A_118 : i32 to vector<16xi32>
        %shift_right_logical3A_120 = arith.shrui %get3A_116, %shift_right_logical3A_119 : vector<16xi32>
        %gather3A_121 = tpu.vector_load_idx %arg5[%broadcast_in_dim3A_11, %and3A_117] : memref<2x10000xf32, #tpu.memory_space<vmem>>[vector<16xi32>, vector<16xi32>], vector<16xf32>,
        %bitcast3A_122 = vector.bitcast %gather3A_121 : vector<16xf32> to vector<32xbf16>
        %max3A_123 = arith.maximumf %max3A, %bitcast3A_122 : vector<32xbf16>
        %gather3A_124 = tpu.vector_load_idx %arg5[%broadcast_in_dim3A_13, %and3A_117] : memref<2x10000xf32, #tpu.memory_space<vmem>>[vector<16xi32>, vector<16xi32>], vector<16xf32>,
        %bitcast3A_125 = vector.bitcast %gather3A_124 : vector<16xf32> to vector<32xbf16>
        %max3A_126 = arith.maximumf %max3A_112, %bitcast3A_125 : vector<32xbf16>
        %gather3A_127 = tpu.vector_load_idx %arg5[%broadcast_in_dim3A_11, %shift_right_logical3A_120] : memref<2x10000xf32, #tpu.memory_space<vmem>>[vector<16xi32>, vector<16xi32>], vector<16xf32>,
        %bitcast3A_128 = vector.bitcast %gather3A_127 : vector<16xf32> to vector<32xbf16>
        %max3A_129 = arith.maximumf %max3A_123, %bitcast3A_128 : vector<32xbf16>
        %gather3A_130 = tpu.vector_load_idx %arg5[%broadcast_in_dim3A_13, %shift_right_logical3A_120] : memref<2x10000xf32, #tpu.memory_space<vmem>>[vector<16xi32>, vector<16xi32>], vector<16xf32>,
        %bitcast3A_131 = vector.bitcast %gather3A_130 : vector<16xf32> to vector<32xbf16>
        %max3A_132 = arith.maximumf %max3A_126, %bitcast3A_131 : vector<32xbf16>
        %get3A_133 = arith.constant 2 : i32
        %get3A_134 = arith.index_cast %get3A_133 : i32 to index
        %get3A_135 = arith.index_cast %mul3A_100 : i32 to index
        %get3A_136 = tpu.vector_load %arg7[%get3A_134, %get3A_135] {strides = array<i32>} : memref<16x400xi32, #tpu.memory_space<vmem>>, vector<16xi32>,
        %and3A_137 = arith.andi %get3A_136, %broadcast_in_dim3A_91 : vector<16xi32>
        %shift_right_logical3A_138 = arith.constant 16 : i32
        %shift_right_logical3A_139 = vector.broadcast %shift_right_logical3A_138 : i32 to vector<16xi32>
        %shift_right_logical3A_140 = arith.shrui %get3A_136, %shift_right_logical3A_139 : vector<16xi32>
        %gather3A_141 = tpu.vector_load_idx %arg5[%broadcast_in_dim3A_11, %and3A_137] : memref<2x10000xf32, #tpu.memory_space<vmem>>[vector<16xi32>, vector<16xi32>], vector<16xf32>,
        %bitcast3A_142 = vector.bitcast %gather3A_141 : vector<16xf32> to vector<32xbf16>
        %max3A_143 = arith.maximumf %max3A_129, %bitcast3A_142 : vector<32xbf16>
        %gather3A_144 = tpu.vector_load_idx %arg5[%broadcast_in_dim3A_13, %and3A_137] : memref<2x10000xf32, #tpu.memory_space<vmem>>[vector<16xi32>, vector<16xi32>], vector<16xf32>,
        %bitcast3A_145 = vector.bitcast %gather3A_144 : vector<16xf32> to vector<32xbf16>
        %max3A_146 = arith.maximumf %max3A_132, %bitcast3A_145 : vector<32xbf16>
        %gather3A_147 = tpu.vector_load_idx %arg5[%broadcast_in_dim3A_11, %shift_right_logical3A_140] : memref<2x10000xf32, #tpu.memory_space<vmem>>[vector<16xi32>, vector<16xi32>], vector<16xf32>,
        %bitcast3A_148 = vector.bitcast %gather3A_147 : vector<16xf32> to vector<32xbf16>
        %max3A_149 = arith.maximumf %max3A_143, %bitcast3A_148 : vector<32xbf16>
        %gather3A_150 = tpu.vector_load_idx %arg5[%broadcast_in_dim3A_13, %shift_right_logical3A_140] : memref<2x10000xf32, #tpu.memory_space<vmem>>[vector<16xi32>, vector<16xi32>], vector<16xf32>,
        %bitcast3A_151 = vector.bitcast %gather3A_150 : vector<16xf32> to vector<32xbf16>
        %max3A_152 = arith.maximumf %max3A_146, %bitcast3A_151 : vector<32xbf16>
        %get3A_153 = arith.constant 3 : i32
        %get3A_154 = arith.index_cast %get3A_153 : i32 to index
        %get3A_155 = arith.index_cast %mul3A_100 : i32 to index
        %get3A_156 = tpu.vector_load %arg7[%get3A_154, %get3A_155] {strides = array<i32>} : memref<16x400xi32, #tpu.memory_space<vmem>>, vector<16xi32>,
        %and3A_157 = arith.andi %get3A_156, %broadcast_in_dim3A_91 : vector<16xi32>
        %shift_right_logical3A_158 = arith.constant 16 : i32
        %shift_right_logical3A_159 = vector.broadcast %shift_right_logical3A_158 : i32 to vector<16xi32>
        %shift_right_logical3A_160 = arith.shrui %get3A_156, %shift_right_logical3A_159 : vector<16xi32>
        %gather3A_161 = tpu.vector_load_idx %arg5[%broadcast_in_dim3A_11, %and3A_157] : memref<2x10000xf32, #tpu.memory_space<vmem>>[vector<16xi32>, vector<16xi32>], vector<16xf32>,
        %bitcast3A_162 = vector.bitcast %gather3A_161 : vector<16xf32> to vector<32xbf16>
        %max3A_163 = arith.maximumf %max3A_149, %bitcast3A_162 : vector<32xbf16>
        %gather3A_164 = tpu.vector_load_idx %arg5[%broadcast_in_dim3A_13, %and3A_157] : memref<2x10000xf32, #tpu.memory_space<vmem>>[vector<16xi32>, vector<16xi32>], vector<16xf32>,
        %bitcast3A_165 = vector.bitcast %gather3A_164 : vector<16xf32> to vector<32xbf16>
        %max3A_166 = arith.maximumf %max3A_152, %bitcast3A_165 : vector<32xbf16>
        %gather3A_167 = tpu.vector_load_idx %arg5[%broadcast_in_dim3A_11, %shift_right_logical3A_160] : memref<2x10000xf32, #tpu.memory_space<vmem>>[vector<16xi32>, vector<16xi32>], vector<16xf32>,
        %bitcast3A_168 = vector.bitcast %gather3A_167 : vector<16xf32> to vector<32xbf16>
        %max3A_169 = arith.maximumf %max3A_163, %bitcast3A_168 : vector<32xbf16>
        %gather3A_170 = tpu.vector_load_idx %arg5[%broadcast_in_dim3A_13, %shift_right_logical3A_160] : memref<2x10000xf32, #tpu.memory_space<vmem>>[vector<16xi32>, vector<16xi32>], vector<16xf32>,
        %bitcast3A_171 = vector.bitcast %gather3A_170 : vector<16xf32> to vector<32xbf16>
        %max3A_172 = arith.maximumf %max3A_166, %bitcast3A_171 : vector<32xbf16>
        %get3A_173 = arith.constant 4 : i32
        %get3A_174 = arith.index_cast %get3A_173 : i32 to index
        %get3A_175 = arith.index_cast %mul3A_100 : i32 to index
        %get3A_176 = tpu.vector_load %arg7[%get3A_174, %get3A_175] {strides = array<i32>} : memref<16x400xi32, #tpu.memory_space<vmem>>, vector<16xi32>,
        %and3A_177 = arith.andi %get3A_176, %broadcast_in_dim3A_91 : vector<16xi32>
        %shift_right_logical3A_178 = arith.constant 16 : i32
        %shift_right_logical3A_179 = vector.broadcast %shift_right_logical3A_178 : i32 to vector<16xi32>
        %shift_right_logical3A_180 = arith.shrui %get3A_176, %shift_right_logical3A_179 : vector<16xi32>
        %gather3A_181 = tpu.vector_load_idx %arg5[%broadcast_in_dim3A_11, %and3A_177] : memref<2x10000xf32, #tpu.memory_space<vmem>>[vector<16xi32>, vector<16xi32>], vector<16xf32>,
        %bitcast3A_182 = vector.bitcast %gather3A_181 : vector<16xf32> to vector<32xbf16>
        %max3A_183 = arith.maximumf %max3A_169, %bitcast3A_182 : vector<32xbf16>
        %gather3A_184 = tpu.vector_load_idx %arg5[%broadcast_in_dim3A_13, %and3A_177] : memref<2x10000xf32, #tpu.memory_space<vmem>>[vector<16xi32>, vector<16xi32>], vector<16xf32>,
        %bitcast3A_185 = vector.bitcast %gather3A_184 : vector<16xf32> to vector<32xbf16>
        %max3A_186 = arith.maximumf %max3A_172, %bitcast3A_185 : vector<32xbf16>
        %gather3A_187 = tpu.vector_load_idx %arg5[%broadcast_in_dim3A_11, %shift_right_logical3A_180] : memref<2x10000xf32, #tpu.memory_space<vmem>>[vector<16xi32>, vector<16xi32>], vector<16xf32>,
        %bitcast3A_188 = vector.bitcast %gather3A_187 : vector<16xf32> to vector<32xbf16>
        %max3A_189 = arith.maximumf %max3A_183, %bitcast3A_188 : vector<32xbf16>
        %gather3A_190 = tpu.vector_load_idx %arg5[%broadcast_in_dim3A_13, %shift_right_logical3A_180] : memref<2x10000xf32, #tpu.memory_space<vmem>>[vector<16xi32>, vector<16xi32>], vector<16xf32>,
        %bitcast3A_191 = vector.bitcast %gather3A_190 : vector<16xf32> to vector<32xbf16>
        %max3A_192 = arith.maximumf %max3A_186, %bitcast3A_191 : vector<32xbf16>
        %get3A_193 = arith.constant 5 : i32
        %get3A_194 = arith.index_cast %get3A_193 : i32 to index
        %get3A_195 = arith.index_cast %mul3A_100 : i32 to index
        %get3A_196 = tpu.vector_load %arg7[%get3A_194, %get3A_195] {strides = array<i32>} : memref<16x400xi32, #tpu.memory_space<vmem>>, vector<16xi32>,
        %and3A_197 = arith.andi %get3A_196, %broadcast_in_dim3A_91 : vector<16xi32>
        %shift_right_logical3A_198 = arith.constant 16 : i32
        %shift_right_logical3A_199 = vector.broadcast %shift_right_logical3A_198 : i32 to vector<16xi32>
        %shift_right_logical3A_200 = arith.shrui %get3A_196, %shift_right_logical3A_199 : vector<16xi32>
        %gather3A_201 = tpu.vector_load_idx %arg5[%broadcast_in_dim3A_11, %and3A_197] : memref<2x10000xf32, #tpu.memory_space<vmem>>[vector<16xi32>, vector<16xi32>], vector<16xf32>,
        %bitcast3A_202 = vector.bitcast %gather3A_201 : vector<16xf32> to vector<32xbf16>
        %max3A_203 = arith.maximumf %max3A_189, %bitcast3A_202 : vector<32xbf16>
        %gather3A_204 = tpu.vector_load_idx %arg5[%broadcast_in_dim3A_13, %and3A_197] : memref<2x10000xf32, #tpu.memory_space<vmem>>[vector<16xi32>, vector<16xi32>], vector<16xf32>,
        %bitcast3A_205 = vector.bitcast %gather3A_204 : vector<16xf32> to vector<32xbf16>
        %max3A_206 = arith.maximumf %max3A_192, %bitcast3A_205 : vector<32xbf16>
        %gather3A_207 = tpu.vector_load_idx %arg5[%broadcast_in_dim3A_11, %shift_right_logical3A_200] : memref<2x10000xf32, #tpu.memory_space<vmem>>[vector<16xi32>, vector<16xi32>], vector<16xf32>,
        %bitcast3A_208 = vector.bitcast %gather3A_207 : vector<16xf32> to vector<32xbf16>
        %max3A_209 = arith.maximumf %max3A_203, %bitcast3A_208 : vector<32xbf16>
        %gather3A_210 = tpu.vector_load_idx %arg5[%broadcast_in_dim3A_13, %shift_right_logical3A_200] : memref<2x10000xf32, #tpu.memory_space<vmem>>[vector<16xi32>, vector<16xi32>], vector<16xf32>,
        %bitcast3A_211 = vector.bitcast %gather3A_210 : vector<16xf32> to vector<32xbf16>
        %max3A_212 = arith.maximumf %max3A_206, %bitcast3A_211 : vector<32xbf16>
        %get3A_213 = arith.constant 6 : i32
        %get3A_214 = arith.index_cast %get3A_213 : i32 to index
        %get3A_215 = arith.index_cast %mul3A_100 : i32 to index
        %get3A_216 = tpu.vector_load %arg7[%get3A_214, %get3A_215] {strides = array<i32>} : memref<16x400xi32, #tpu.memory_space<vmem>>, vector<16xi32>,
        %and3A_217 = arith.andi %get3A_216, %broadcast_in_dim3A_91 : vector<16xi32>
        %shift_right_logical3A_218 = arith.constant 16 : i32
        %shift_right_logical3A_219 = vector.broadcast %shift_right_logical3A_218 : i32 to vector<16xi32>
        %shift_right_logical3A_220 = arith.shrui %get3A_216, %shift_right_logical3A_219 : vector<16xi32>
        %gather3A_221 = tpu.vector_load_idx %arg5[%broadcast_in_dim3A_11, %and3A_217] : memref<2x10000xf32, #tpu.memory_space<vmem>>[vector<16xi32>, vector<16xi32>], vector<16xf32>,
        %bitcast3A_222 = vector.bitcast %gather3A_221 : vector<16xf32> to vector<32xbf16>
        %max3A_223 = arith.maximumf %max3A_209, %bitcast3A_222 : vector<32xbf16>
        %gather3A_224 = tpu.vector_load_idx %arg5[%broadcast_in_dim3A_13, %and3A_217] : memref<2x10000xf32, #tpu.memory_space<vmem>>[vector<16xi32>, vector<16xi32>], vector<16xf32>,
        %bitcast3A_225 = vector.bitcast %gather3A_224 : vector<16xf32> to vector<32xbf16>
        %max3A_226 = arith.maximumf %max3A_212, %bitcast3A_225 : vector<32xbf16>
        %gather3A_227 = tpu.vector_load_idx %arg5[%broadcast_in_dim3A_11, %shift_right_logical3A_220] : memref<2x10000xf32, #tpu.memory_space<vmem>>[vector<16xi32>, vector<16xi32>], vector<16xf32>,
        %bitcast3A_228 = vector.bitcast %gather3A_227 : vector<16xf32> to vector<32xbf16>
        %max3A_229 = arith.maximumf %max3A_223, %bitcast3A_228 : vector<32xbf16>
        %gather3A_230 = tpu.vector_load_idx %arg5[%broadcast_in_dim3A_13, %shift_right_logical3A_220] : memref<2x10000xf32, #tpu.memory_space<vmem>>[vector<16xi32>, vector<16xi32>], vector<16xf32>,
        %bitcast3A_231 = vector.bitcast %gather3A_230 : vector<16xf32> to vector<32xbf16>
        %max3A_232 = arith.maximumf %max3A_226, %bitcast3A_231 : vector<32xbf16>
        %get3A_233 = arith.constant 7 : i32
        %get3A_234 = arith.index_cast %get3A_233 : i32 to index
        %get3A_235 = arith.index_cast %mul3A_100 : i32 to index
        %get3A_236 = tpu.vector_load %arg7[%get3A_234, %get3A_235] {strides = array<i32>} : memref<16x400xi32, #tpu.memory_space<vmem>>, vector<16xi32>,
        %and3A_237 = arith.andi %get3A_236, %broadcast_in_dim3A_91 : vector<16xi32>
        %shift_right_logical3A_238 = arith.constant 16 : i32
        %shift_right_logical3A_239 = vector.broadcast %shift_right_logical3A_238 : i32 to vector<16xi32>
        %shift_right_logical3A_240 = arith.shrui %get3A_236, %shift_right_logical3A_239 : vector<16xi32>
        %gather3A_241 = tpu.vector_load_idx %arg5[%broadcast_in_dim3A_11, %and3A_237] : memref<2x10000xf32, #tpu.memory_space<vmem>>[vector<16xi32>, vector<16xi32>], vector<16xf32>,
        %bitcast3A_242 = vector.bitcast %gather3A_241 : vector<16xf32> to vector<32xbf16>
        %max3A_243 = arith.maximumf %max3A_229, %bitcast3A_242 : vector<32xbf16>
        %gather3A_244 = tpu.vector_load_idx %arg5[%broadcast_in_dim3A_13, %and3A_237] : memref<2x10000xf32, #tpu.memory_space<vmem>>[vector<16xi32>, vector<16xi32>], vector<16xf32>,
        %bitcast3A_245 = vector.bitcast %gather3A_244 : vector<16xf32> to vector<32xbf16>
        %max3A_246 = arith.maximumf %max3A_232, %bitcast3A_245 : vector<32xbf16>
        %gather3A_247 = tpu.vector_load_idx %arg5[%broadcast_in_dim3A_11, %shift_right_logical3A_240] : memref<2x10000xf32, #tpu.memory_space<vmem>>[vector<16xi32>, vector<16xi32>], vector<16xf32>,
        %bitcast3A_248 = vector.bitcast %gather3A_247 : vector<16xf32> to vector<32xbf16>
        %max3A_249 = arith.maximumf %max3A_243, %bitcast3A_248 : vector<32xbf16>
        %gather3A_250 = tpu.vector_load_idx %arg5[%broadcast_in_dim3A_13, %shift_right_logical3A_240] : memref<2x10000xf32, #tpu.memory_space<vmem>>[vector<16xi32>, vector<16xi32>], vector<16xf32>,
        %bitcast3A_251 = vector.bitcast %gather3A_250 : vector<16xf32> to vector<32xbf16>
        %max3A_252 = arith.maximumf %max3A_246, %bitcast3A_251 : vector<32xbf16>
        %get3A_253 = arith.constant 8 : i32
        %get3A_254 = arith.index_cast %get3A_253 : i32 to index
        %get3A_255 = arith.index_cast %mul3A_100 : i32 to index
        %get3A_256 = tpu.vector_load %arg7[%get3A_254, %get3A_255] {strides = array<i32>} : memref<16x400xi32, #tpu.memory_space<vmem>>, vector<16xi32>,
        %and3A_257 = arith.andi %get3A_256, %broadcast_in_dim3A_91 : vector<16xi32>
        %shift_right_logical3A_258 = arith.constant 16 : i32
        %shift_right_logical3A_259 = vector.broadcast %shift_right_logical3A_258 : i32 to vector<16xi32>
        %shift_right_logical3A_260 = arith.shrui %get3A_256, %shift_right_logical3A_259 : vector<16xi32>
        %gather3A_261 = tpu.vector_load_idx %arg5[%broadcast_in_dim3A_11, %and3A_257] : memref<2x10000xf32, #tpu.memory_space<vmem>>[vector<16xi32>, vector<16xi32>], vector<16xf32>,
        %bitcast3A_262 = vector.bitcast %gather3A_261 : vector<16xf32> to vector<32xbf16>
        %max3A_263 = arith.maximumf %max3A_249, %bitcast3A_262 : vector<32xbf16>
        %gather3A_264 = tpu.vector_load_idx %arg5[%broadcast_in_dim3A_13, %and3A_257] : memref<2x10000xf32, #tpu.memory_space<vmem>>[vector<16xi32>, vector<16xi32>], vector<16xf32>,
        %bitcast3A_265 = vector.bitcast %gather3A_264 : vector<16xf32> to vector<32xbf16>
        %max3A_266 = arith.maximumf %max3A_252, %bitcast3A_265 : vector<32xbf16>
        %gather3A_267 = tpu.vector_load_idx %arg5[%broadcast_in_dim3A_11, %shift_right_logical3A_260] : memref<2x10000xf32, #tpu.memory_space<vmem>>[vector<16xi32>, vector<16xi32>], vector<16xf32>,
        %bitcast3A_268 = vector.bitcast %gather3A_267 : vector<16xf32> to vector<32xbf16>
        %max3A_269 = arith.maximumf %max3A_263, %bitcast3A_268 : vector<32xbf16>
        %gather3A_270 = tpu.vector_load_idx %arg5[%broadcast_in_dim3A_13, %shift_right_logical3A_260] : memref<2x10000xf32, #tpu.memory_space<vmem>>[vector<16xi32>, vector<16xi32>], vector<16xf32>,
        %bitcast3A_271 = vector.bitcast %gather3A_270 : vector<16xf32> to vector<32xbf16>
        %max3A_272 = arith.maximumf %max3A_266, %bitcast3A_271 : vector<32xbf16>
        %get3A_273 = arith.constant 9 : i32
        %get3A_274 = arith.index_cast %get3A_273 : i32 to index
        %get3A_275 = arith.index_cast %mul3A_100 : i32 to index
        %get3A_276 = tpu.vector_load %arg7[%get3A_274, %get3A_275] {strides = array<i32>} : memref<16x400xi32, #tpu.memory_space<vmem>>, vector<16xi32>,
        %and3A_277 = arith.andi %get3A_276, %broadcast_in_dim3A_91 : vector<16xi32>
        %shift_right_logical3A_278 = arith.constant 16 : i32
        %shift_right_logical3A_279 = vector.broadcast %shift_right_logical3A_278 : i32 to vector<16xi32>
        %shift_right_logical3A_280 = arith.shrui %get3A_276, %shift_right_logical3A_279 : vector<16xi32>
        %gather3A_281 = tpu.vector_load_idx %arg5[%broadcast_in_dim3A_11, %and3A_277] : memref<2x10000xf32, #tpu.memory_space<vmem>>[vector<16xi32>, vector<16xi32>], vector<16xf32>,
        %bitcast3A_282 = vector.bitcast %gather3A_281 : vector<16xf32> to vector<32xbf16>
        %max3A_283 = arith.maximumf %max3A_269, %bitcast3A_282 : vector<32xbf16>
        %gather3A_284 = tpu.vector_load_idx %arg5[%broadcast_in_dim3A_13, %and3A_277] : memref<2x10000xf32, #tpu.memory_space<vmem>>[vector<16xi32>, vector<16xi32>], vector<16xf32>,
        %bitcast3A_285 = vector.bitcast %gather3A_284 : vector<16xf32> to vector<32xbf16>
        %max3A_286 = arith.maximumf %max3A_272, %bitcast3A_285 : vector<32xbf16>
        %gather3A_287 = tpu.vector_load_idx %arg5[%broadcast_in_dim3A_11, %shift_right_logical3A_280] : memref<2x10000xf32, #tpu.memory_space<vmem>>[vector<16xi32>, vector<16xi32>], vector<16xf32>,
        %bitcast3A_288 = vector.bitcast %gather3A_287 : vector<16xf32> to vector<32xbf16>
        %max3A_289 = arith.maximumf %max3A_283, %bitcast3A_288 : vector<32xbf16>
        %gather3A_290 = tpu.vector_load_idx %arg5[%broadcast_in_dim3A_13, %shift_right_logical3A_280] : memref<2x10000xf32, #tpu.memory_space<vmem>>[vector<16xi32>, vector<16xi32>], vector<16xf32>,
        %bitcast3A_291 = vector.bitcast %gather3A_290 : vector<16xf32> to vector<32xbf16>
        %max3A_292 = arith.maximumf %max3A_286, %bitcast3A_291 : vector<32xbf16>
        %get3A_293 = arith.constant 10 : i32
        %get3A_294 = arith.index_cast %get3A_293 : i32 to index
        %get3A_295 = arith.index_cast %mul3A_100 : i32 to index
        %get3A_296 = tpu.vector_load %arg7[%get3A_294, %get3A_295] {strides = array<i32>} : memref<16x400xi32, #tpu.memory_space<vmem>>, vector<16xi32>,
        %and3A_297 = arith.andi %get3A_296, %broadcast_in_dim3A_91 : vector<16xi32>
        %shift_right_logical3A_298 = arith.constant 16 : i32
        %shift_right_logical3A_299 = vector.broadcast %shift_right_logical3A_298 : i32 to vector<16xi32>
        %shift_right_logical3A_300 = arith.shrui %get3A_296, %shift_right_logical3A_299 : vector<16xi32>
        %gather3A_301 = tpu.vector_load_idx %arg5[%broadcast_in_dim3A_11, %and3A_297] : memref<2x10000xf32, #tpu.memory_space<vmem>>[vector<16xi32>, vector<16xi32>], vector<16xf32>,
        %bitcast3A_302 = vector.bitcast %gather3A_301 : vector<16xf32> to vector<32xbf16>
        %max3A_303 = arith.maximumf %max3A_289, %bitcast3A_302 : vector<32xbf16>
        %gather3A_304 = tpu.vector_load_idx %arg5[%broadcast_in_dim3A_13, %and3A_297] : memref<2x10000xf32, #tpu.memory_space<vmem>>[vector<16xi32>, vector<16xi32>], vector<16xf32>,
        %bitcast3A_305 = vector.bitcast %gather3A_304 : vector<16xf32> to vector<32xbf16>
        %max3A_306 = arith.maximumf %max3A_292, %bitcast3A_305 : vector<32xbf16>
        %gather3A_307 = tpu.vector_load_idx %arg5[%broadcast_in_dim3A_11, %shift_right_logical3A_300] : memref<2x10000xf32, #tpu.memory_space<vmem>>[vector<16xi32>, vector<16xi32>], vector<16xf32>,
        %bitcast3A_308 = vector.bitcast %gather3A_307 : vector<16xf32> to vector<32xbf16>
        %max3A_309 = arith.maximumf %max3A_303, %bitcast3A_308 : vector<32xbf16>
        %gather3A_310 = tpu.vector_load_idx %arg5[%broadcast_in_dim3A_13, %shift_right_logical3A_300] : memref<2x10000xf32, #tpu.memory_space<vmem>>[vector<16xi32>, vector<16xi32>], vector<16xf32>,
        %bitcast3A_311 = vector.bitcast %gather3A_310 : vector<16xf32> to vector<32xbf16>
        %max3A_312 = arith.maximumf %max3A_306, %bitcast3A_311 : vector<32xbf16>
        %get3A_313 = arith.constant 11 : i32
        %get3A_314 = arith.index_cast %get3A_313 : i32 to index
        %get3A_315 = arith.index_cast %mul3A_100 : i32 to index
        %get3A_316 = tpu.vector_load %arg7[%get3A_314, %get3A_315] {strides = array<i32>} : memref<16x400xi32, #tpu.memory_space<vmem>>, vector<16xi32>,
        %and3A_317 = arith.andi %get3A_316, %broadcast_in_dim3A_91 : vector<16xi32>
        %shift_right_logical3A_318 = arith.constant 16 : i32
        %shift_right_logical3A_319 = vector.broadcast %shift_right_logical3A_318 : i32 to vector<16xi32>
        %shift_right_logical3A_320 = arith.shrui %get3A_316, %shift_right_logical3A_319 : vector<16xi32>
        %gather3A_321 = tpu.vector_load_idx %arg5[%broadcast_in_dim3A_11, %and3A_317] : memref<2x10000xf32, #tpu.memory_space<vmem>>[vector<16xi32>, vector<16xi32>], vector<16xf32>,
        %bitcast3A_322 = vector.bitcast %gather3A_321 : vector<16xf32> to vector<32xbf16>
        %max3A_323 = arith.maximumf %max3A_309, %bitcast3A_322 : vector<32xbf16>
        %gather3A_324 = tpu.vector_load_idx %arg5[%broadcast_in_dim3A_13, %and3A_317] : memref<2x10000xf32, #tpu.memory_space<vmem>>[vector<16xi32>, vector<16xi32>], vector<16xf32>,
        %bitcast3A_325 = vector.bitcast %gather3A_324 : vector<16xf32> to vector<32xbf16>
        %max3A_326 = arith.maximumf %max3A_312, %bitcast3A_325 : vector<32xbf16>
        %gather3A_327 = tpu.vector_load_idx %arg5[%broadcast_in_dim3A_11, %shift_right_logical3A_320] : memref<2x10000xf32, #tpu.memory_space<vmem>>[vector<16xi32>, vector<16xi32>], vector<16xf32>,
        %bitcast3A_328 = vector.bitcast %gather3A_327 : vector<16xf32> to vector<32xbf16>
        %max3A_329 = arith.maximumf %max3A_323, %bitcast3A_328 : vector<32xbf16>
        %gather3A_330 = tpu.vector_load_idx %arg5[%broadcast_in_dim3A_13, %shift_right_logical3A_320] : memref<2x10000xf32, #tpu.memory_space<vmem>>[vector<16xi32>, vector<16xi32>], vector<16xf32>,
        %bitcast3A_331 = vector.bitcast %gather3A_330 : vector<16xf32> to vector<32xbf16>
        %max3A_332 = arith.maximumf %max3A_326, %bitcast3A_331 : vector<32xbf16>
        %get3A_333 = arith.constant 12 : i32
        %get3A_334 = arith.index_cast %get3A_333 : i32 to index
        %get3A_335 = arith.index_cast %mul3A_100 : i32 to index
        %get3A_336 = tpu.vector_load %arg7[%get3A_334, %get3A_335] {strides = array<i32>} : memref<16x400xi32, #tpu.memory_space<vmem>>, vector<16xi32>,
        %and3A_337 = arith.andi %get3A_336, %broadcast_in_dim3A_91 : vector<16xi32>
        %shift_right_logical3A_338 = arith.constant 16 : i32
        %shift_right_logical3A_339 = vector.broadcast %shift_right_logical3A_338 : i32 to vector<16xi32>
        %shift_right_logical3A_340 = arith.shrui %get3A_336, %shift_right_logical3A_339 : vector<16xi32>
        %gather3A_341 = tpu.vector_load_idx %arg5[%broadcast_in_dim3A_11, %and3A_337] : memref<2x10000xf32, #tpu.memory_space<vmem>>[vector<16xi32>, vector<16xi32>], vector<16xf32>,
        %bitcast3A_342 = vector.bitcast %gather3A_341 : vector<16xf32> to vector<32xbf16>
        %max3A_343 = arith.maximumf %max3A_329, %bitcast3A_342 : vector<32xbf16>
        %gather3A_344 = tpu.vector_load_idx %arg5[%broadcast_in_dim3A_13, %and3A_337] : memref<2x10000xf32, #tpu.memory_space<vmem>>[vector<16xi32>, vector<16xi32>], vector<16xf32>,
        %bitcast3A_345 = vector.bitcast %gather3A_344 : vector<16xf32> to vector<32xbf16>
        %max3A_346 = arith.maximumf %max3A_332, %bitcast3A_345 : vector<32xbf16>
        %gather3A_347 = tpu.vector_load_idx %arg5[%broadcast_in_dim3A_11, %shift_right_logical3A_340] : memref<2x10000xf32, #tpu.memory_space<vmem>>[vector<16xi32>, vector<16xi32>], vector<16xf32>,
        %bitcast3A_348 = vector.bitcast %gather3A_347 : vector<16xf32> to vector<32xbf16>
        %max3A_349 = arith.maximumf %max3A_343, %bitcast3A_348 : vector<32xbf16>
        %gather3A_350 = tpu.vector_load_idx %arg5[%broadcast_in_dim3A_13, %shift_right_logical3A_340] : memref<2x10000xf32, #tpu.memory_space<vmem>>[vector<16xi32>, vector<16xi32>], vector<16xf32>,
        %bitcast3A_351 = vector.bitcast %gather3A_350 : vector<16xf32> to vector<32xbf16>
        %max3A_352 = arith.maximumf %max3A_346, %bitcast3A_351 : vector<32xbf16>
        %get3A_353 = arith.constant 13 : i32
        %get3A_354 = arith.index_cast %get3A_353 : i32 to index
        %get3A_355 = arith.index_cast %mul3A_100 : i32 to index
        %get3A_356 = tpu.vector_load %arg7[%get3A_354, %get3A_355] {strides = array<i32>} : memref<16x400xi32, #tpu.memory_space<vmem>>, vector<16xi32>,
        %and3A_357 = arith.andi %get3A_356, %broadcast_in_dim3A_91 : vector<16xi32>
        %shift_right_logical3A_358 = arith.constant 16 : i32
        %shift_right_logical3A_359 = vector.broadcast %shift_right_logical3A_358 : i32 to vector<16xi32>
        %shift_right_logical3A_360 = arith.shrui %get3A_356, %shift_right_logical3A_359 : vector<16xi32>
        %gather3A_361 = tpu.vector_load_idx %arg5[%broadcast_in_dim3A_11, %and3A_357] : memref<2x10000xf32, #tpu.memory_space<vmem>>[vector<16xi32>, vector<16xi32>], vector<16xf32>,
        %bitcast3A_362 = vector.bitcast %gather3A_361 : vector<16xf32> to vector<32xbf16>
        %max3A_363 = arith.maximumf %max3A_349, %bitcast3A_362 : vector<32xbf16>
        %gather3A_364 = tpu.vector_load_idx %arg5[%broadcast_in_dim3A_13, %and3A_357] : memref<2x10000xf32, #tpu.memory_space<vmem>>[vector<16xi32>, vector<16xi32>], vector<16xf32>,
        %bitcast3A_365 = vector.bitcast %gather3A_364 : vector<16xf32> to vector<32xbf16>
        %max3A_366 = arith.maximumf %max3A_352, %bitcast3A_365 : vector<32xbf16>
        %gather3A_367 = tpu.vector_load_idx %arg5[%broadcast_in_dim3A_11, %shift_right_logical3A_360] : memref<2x10000xf32, #tpu.memory_space<vmem>>[vector<16xi32>, vector<16xi32>], vector<16xf32>,
        %bitcast3A_368 = vector.bitcast %gather3A_367 : vector<16xf32> to vector<32xbf16>
        %max3A_369 = arith.maximumf %max3A_363, %bitcast3A_368 : vector<32xbf16>
        %gather3A_370 = tpu.vector_load_idx %arg5[%broadcast_in_dim3A_13, %shift_right_logical3A_360] : memref<2x10000xf32, #tpu.memory_space<vmem>>[vector<16xi32>, vector<16xi32>], vector<16xf32>,
        %bitcast3A_371 = vector.bitcast %gather3A_370 : vector<16xf32> to vector<32xbf16>
        %max3A_372 = arith.maximumf %max3A_366, %bitcast3A_371 : vector<32xbf16>
        %get3A_373 = arith.constant 14 : i32
        %get3A_374 = arith.index_cast %get3A_373 : i32 to index
        %get3A_375 = arith.index_cast %mul3A_100 : i32 to index
        %get3A_376 = tpu.vector_load %arg7[%get3A_374, %get3A_375] {strides = array<i32>} : memref<16x400xi32, #tpu.memory_space<vmem>>, vector<16xi32>,
        %and3A_377 = arith.andi %get3A_376, %broadcast_in_dim3A_91 : vector<16xi32>
        %shift_right_logical3A_378 = arith.constant 16 : i32
        %shift_right_logical3A_379 = vector.broadcast %shift_right_logical3A_378 : i32 to vector<16xi32>
        %shift_right_logical3A_380 = arith.shrui %get3A_376, %shift_right_logical3A_379 : vector<16xi32>
        %gather3A_381 = tpu.vector_load_idx %arg5[%broadcast_in_dim3A_11, %and3A_377] : memref<2x10000xf32, #tpu.memory_space<vmem>>[vector<16xi32>, vector<16xi32>], vector<16xf32>,
        %bitcast3A_382 = vector.bitcast %gather3A_381 : vector<16xf32> to vector<32xbf16>
        %max3A_383 = arith.maximumf %max3A_369, %bitcast3A_382 : vector<32xbf16>
        %gather3A_384 = tpu.vector_load_idx %arg5[%broadcast_in_dim3A_13, %and3A_377] : memref<2x10000xf32, #tpu.memory_space<vmem>>[vector<16xi32>, vector<16xi32>], vector<16xf32>,
        %bitcast3A_385 = vector.bitcast %gather3A_384 : vector<16xf32> to vector<32xbf16>
        %max3A_386 = arith.maximumf %max3A_372, %bitcast3A_385 : vector<32xbf16>
        %gather3A_387 = tpu.vector_load_idx %arg5[%broadcast_in_dim3A_11, %shift_right_logical3A_380] : memref<2x10000xf32, #tpu.memory_space<vmem>>[vector<16xi32>, vector<16xi32>], vector<16xf32>,
        %bitcast3A_388 = vector.bitcast %gather3A_387 : vector<16xf32> to vector<32xbf16>
        %max3A_389 = arith.maximumf %max3A_383, %bitcast3A_388 : vector<32xbf16>
        %gather3A_390 = tpu.vector_load_idx %arg5[%broadcast_in_dim3A_13, %shift_right_logical3A_380] : memref<2x10000xf32, #tpu.memory_space<vmem>>[vector<16xi32>, vector<16xi32>], vector<16xf32>,
        %bitcast3A_391 = vector.bitcast %gather3A_390 : vector<16xf32> to vector<32xbf16>
        %max3A_392 = arith.maximumf %max3A_386, %bitcast3A_391 : vector<32xbf16>
        %get3A_393 = arith.constant 15 : i32
        %get3A_394 = arith.index_cast %get3A_393 : i32 to index
        %get3A_395 = arith.index_cast %mul3A_100 : i32 to index
        %get3A_396 = tpu.vector_load %arg7[%get3A_394, %get3A_395] {strides = array<i32>} : memref<16x400xi32, #tpu.memory_space<vmem>>, vector<16xi32>,
        %and3A_397 = arith.andi %get3A_396, %broadcast_in_dim3A_91 : vector<16xi32>
        %shift_right_logical3A_398 = arith.constant 16 : i32
        %shift_right_logical3A_399 = vector.broadcast %shift_right_logical3A_398 : i32 to vector<16xi32>
        %shift_right_logical3A_400 = arith.shrui %get3A_396, %shift_right_logical3A_399 : vector<16xi32>
        %gather3A_401 = tpu.vector_load_idx %arg5[%broadcast_in_dim3A_11, %and3A_397] : memref<2x10000xf32, #tpu.memory_space<vmem>>[vector<16xi32>, vector<16xi32>], vector<16xf32>,
        %bitcast3A_402 = vector.bitcast %gather3A_401 : vector<16xf32> to vector<32xbf16>
        %max3A_403 = arith.maximumf %max3A_389, %bitcast3A_402 : vector<32xbf16>
        %gather3A_404 = tpu.vector_load_idx %arg5[%broadcast_in_dim3A_13, %and3A_397] : memref<2x10000xf32, #tpu.memory_space<vmem>>[vector<16xi32>, vector<16xi32>], vector<16xf32>,
        %bitcast3A_405 = vector.bitcast %gather3A_404 : vector<16xf32> to vector<32xbf16>
        %max3A_406 = arith.maximumf %max3A_392, %bitcast3A_405 : vector<32xbf16>
        %gather3A_407 = tpu.vector_load_idx %arg5[%broadcast_in_dim3A_11, %shift_right_logical3A_400] : memref<2x10000xf32, #tpu.memory_space<vmem>>[vector<16xi32>, vector<16xi32>], vector<16xf32>,
        %bitcast3A_408 = vector.bitcast %gather3A_407 : vector<16xf32> to vector<32xbf16>
        %max3A_409 = arith.maximumf %max3A_403, %bitcast3A_408 : vector<32xbf16>
        %gather3A_410 = tpu.vector_load_idx %arg5[%broadcast_in_dim3A_13, %shift_right_logical3A_400] : memref<2x10000xf32, #tpu.memory_space<vmem>>[vector<16xi32>, vector<16xi32>], vector<16xf32>,
        %bitcast3A_411 = vector.bitcast %gather3A_410 : vector<16xf32> to vector<32xbf16>
        %max3A_412 = arith.maximumf %max3A_406, %bitcast3A_411 : vector<32xbf16>
        %bitcast3A_413 = vector.bitcast %max3A_409 : vector<32xbf16> to vector<16xf32>
        %add3A_414 = arith.addi %mul3A_89, %mul3A_100 : i32
        %swap3A = arith.constant 0 : i32
        %swap3A_415 = arith.index_cast %swap3A : i32 to index
        %swap3A_416 = arith.index_cast %add3A_414 : i32 to index
        %swap3A_417 = tpu.vector_load %arg8[%swap3A_415, %swap3A_416] {strides = array<i32>} : memref<2x10000xf32, #tpu.memory_space<vmem>>, vector<16xf32>,
        tpu.vector_store %arg8[%swap3A_415, %swap3A_416], %bitcast3A_413 {strides = array<i32>} : memref<2x10000xf32, #tpu.memory_space<vmem>>, vector<16xf32>,
        %bitcast3A_418 = vector.bitcast %max3A_412 : vector<32xbf16> to vector<16xf32>
        %add3A_419 = arith.addi %mul3A_89, %mul3A_100 : i32
        %swap3A_420 = arith.constant 1 : i32
        %swap3A_421 = arith.index_cast %swap3A_420 : i32 to index
        %swap3A_422 = arith.index_cast %add3A_419 : i32 to index
        %swap3A_423 = tpu.vector_load %arg8[%swap3A_421, %swap3A_422] {strides = array<i32>} : memref<2x10000xf32, #tpu.memory_space<vmem>>, vector<16xf32>,
        tpu.vector_store %arg8[%swap3A_421, %swap3A_422], %bitcast3A_418 {strides = array<i32>} : memref<2x10000xf32, #tpu.memory_space<vmem>>, vector<16xf32>,
      }
      %scan3A_97 = arith.constant 25 : i32
    }
    %scan3A_18 = arith.constant 12 : i32
    %dma_wait3A = arith.constant 24 : i32
    %dma_wait3A_19 = arith.constant 0 : i32
    %dma_wait3A_20 = arith.constant 0 : i32
    %dma_wait3A_21 = tpu.memref_slice %arg3[%dma_wait3A, %dma_wait3A_19, %dma_wait3A_20] : memref<25x16x400xi32, #tpu.memory_space<hbm>> -> memref<1x16x400xi32, #tpu.memory_space<hbm>>
    %dma_wait3A_22 = tpu.memref_squeeze %dma_wait3A_21 : memref<1x16x400xi32, #tpu.memory_space<hbm>> -> memref<16x400xi32, #tpu.memory_space<hbm>>
    %dma_wait3A_23 = arith.constant 0 : i32
    %dma_wait3A_24 = arith.constant 0 : i32
    %dma_wait3A_25 = tpu.memref_slice %arg3[%dma_wait3A, %dma_wait3A_23, %dma_wait3A_24] : memref<25x16x400xi32, #tpu.memory_space<hbm>> -> memref<1x16x400xi32, #tpu.memory_space<hbm>>
    %dma_wait3A_26 = tpu.memref_squeeze %dma_wait3A_25 : memref<1x16x400xi32, #tpu.memory_space<hbm>> -> memref<16x400xi32, #tpu.memory_space<hbm>>
    tpu.wait_dma2 semaphore(%arg9 : memref<!tpu.dma_semaphore, #tpu.memory_space<semaphore_mem>>) src(%dma_wait3A_26 : memref<16x400xi32, #tpu.memory_space<hbm>>) dst(%arg6 : memref<16x400xi32, #tpu.memory_space<vmem>>)
    %broadcast_in_dim3A_27 = arith.constant 65535 : i32
    %broadcast_in_dim3A_28 = vector.broadcast %broadcast_in_dim3A_27 : i32 to vector<16xi32>
    %scan3A_29 = arith.constant 0 : i32
    %scan3A_30 = arith.constant 0 : i32
    %scan3A_31 = arith.constant 25 : i32
    %scan3A_32 = arith.addi %scan3A_30, %scan3A_31 : i32
    %scan3A_33 = arith.constant 1 : i32
    scf.for %scan3A_37 = %scan3A_30 to %scan3A_32 step %scan3A_33  : i32 {
      %mul3A_38 = arith.constant 16 : i32
      %mul3A_39 = arith.muli %scan3A_37, %mul3A_38 : i32
      %get3A = arith.constant 0 : i32
      %get3A_40 = arith.index_cast %get3A : i32 to index
      %get3A_41 = arith.index_cast %mul3A_39 : i32 to index
      %get3A_42 = tpu.vector_load %arg6[%get3A_40, %get3A_41] {strides = array<i32>} : memref<16x400xi32, #tpu.memory_space<vmem>>, vector<16xi32>,
      %and3A = arith.andi %get3A_42, %broadcast_in_dim3A_28 : vector<16xi32>
      %shift_right_logical3A = arith.constant 16 : i32
      %shift_right_logical3A_43 = vector.broadcast %shift_right_logical3A : i32 to vector<16xi32>
      %shift_right_logical3A_44 = arith.shrui %get3A_42, %shift_right_logical3A_43 : vector<16xi32>
      %gather3A = tpu.vector_load_idx %arg5[%broadcast_in_dim3A_11, %and3A] : memref<2x10000xf32, #tpu.memory_space<vmem>>[vector<16xi32>, vector<16xi32>], vector<16xf32>,
      %bitcast3A = vector.bitcast %gather3A : vector<16xf32> to vector<32xbf16>
      %gather3A_45 = tpu.vector_load_idx %arg5[%broadcast_in_dim3A_13, %and3A] : memref<2x10000xf32, #tpu.memory_space<vmem>>[vector<16xi32>, vector<16xi32>], vector<16xf32>,
      %bitcast3A_46 = vector.bitcast %gather3A_45 : vector<16xf32> to vector<32xbf16>
      %gather3A_47 = tpu.vector_load_idx %arg5[%broadcast_in_dim3A_11, %shift_right_logical3A_44] : memref<2x10000xf32, #tpu.memory_space<vmem>>[vector<16xi32>, vector<16xi32>], vector<16xf32>,
      %bitcast3A_48 = vector.bitcast %gather3A_47 : vector<16xf32> to vector<32xbf16>
      %max3A = arith.maximumf %bitcast3A, %bitcast3A_48 : vector<32xbf16>
      %gather3A_49 = tpu.vector_load_idx %arg5[%broadcast_in_dim3A_13, %shift_right_logical3A_44] : memref<2x10000xf32, #tpu.memory_space<vmem>>[vector<16xi32>, vector<16xi32>], vector<16xf32>,
      %bitcast3A_50 = vector.bitcast %gather3A_49 : vector<16xf32> to vector<32xbf16>
      %max3A_51 = arith.maximumf %bitcast3A_46, %bitcast3A_50 : vector<32xbf16>
      %get3A_52 = arith.constant 1 : i32
      %get3A_53 = arith.index_cast %get3A_52 : i32 to index
      %get3A_54 = arith.index_cast %mul3A_39 : i32 to index
      %get3A_55 = tpu.vector_load %arg6[%get3A_53, %get3A_54] {strides = array<i32>} : memref<16x400xi32, #tpu.memory_space<vmem>>, vector<16xi32>,
      %and3A_56 = arith.andi %get3A_55, %broadcast_in_dim3A_28 : vector<16xi32>
      %shift_right_logical3A_57 = arith.constant 16 : i32
      %shift_right_logical3A_58 = vector.broadcast %shift_right_logical3A_57 : i32 to vector<16xi32>
      %shift_right_logical3A_59 = arith.shrui %get3A_55, %shift_right_logical3A_58 : vector<16xi32>
      %gather3A_60 = tpu.vector_load_idx %arg5[%broadcast_in_dim3A_11, %and3A_56] : memref<2x10000xf32, #tpu.memory_space<vmem>>[vector<16xi32>, vector<16xi32>], vector<16xf32>,
      %bitcast3A_61 = vector.bitcast %gather3A_60 : vector<16xf32> to vector<32xbf16>
      %max3A_62 = arith.maximumf %max3A, %bitcast3A_61 : vector<32xbf16>
      %gather3A_63 = tpu.vector_load_idx %arg5[%broadcast_in_dim3A_13, %and3A_56] : memref<2x10000xf32, #tpu.memory_space<vmem>>[vector<16xi32>, vector<16xi32>], vector<16xf32>,
      %bitcast3A_64 = vector.bitcast %gather3A_63 : vector<16xf32> to vector<32xbf16>
      %max3A_65 = arith.maximumf %max3A_51, %bitcast3A_64 : vector<32xbf16>
      %gather3A_66 = tpu.vector_load_idx %arg5[%broadcast_in_dim3A_11, %shift_right_logical3A_59] : memref<2x10000xf32, #tpu.memory_space<vmem>>[vector<16xi32>, vector<16xi32>], vector<16xf32>,
      %bitcast3A_67 = vector.bitcast %gather3A_66 : vector<16xf32> to vector<32xbf16>
      %max3A_68 = arith.maximumf %max3A_62, %bitcast3A_67 : vector<32xbf16>
      %gather3A_69 = tpu.vector_load_idx %arg5[%broadcast_in_dim3A_13, %shift_right_logical3A_59] : memref<2x10000xf32, #tpu.memory_space<vmem>>[vector<16xi32>, vector<16xi32>], vector<16xf32>,
      %bitcast3A_70 = vector.bitcast %gather3A_69 : vector<16xf32> to vector<32xbf16>
      %max3A_71 = arith.maximumf %max3A_65, %bitcast3A_70 : vector<32xbf16>
      %get3A_72 = arith.constant 2 : i32
      %get3A_73 = arith.index_cast %get3A_72 : i32 to index
      %get3A_74 = arith.index_cast %mul3A_39 : i32 to index
      %get3A_75 = tpu.vector_load %arg6[%get3A_73, %get3A_74] {strides = array<i32>} : memref<16x400xi32, #tpu.memory_space<vmem>>, vector<16xi32>,
      %and3A_76 = arith.andi %get3A_75, %broadcast_in_dim3A_28 : vector<16xi32>
      %shift_right_logical3A_77 = arith.constant 16 : i32
      %shift_right_logical3A_78 = vector.broadcast %shift_right_logical3A_77 : i32 to vector<16xi32>
      %shift_right_logical3A_79 = arith.shrui %get3A_75, %shift_right_logical3A_78 : vector<16xi32>
      %gather3A_80 = tpu.vector_load_idx %arg5[%broadcast_in_dim3A_11, %and3A_76] : memref<2x10000xf32, #tpu.memory_space<vmem>>[vector<16xi32>, vector<16xi32>], vector<16xf32>,
      %bitcast3A_81 = vector.bitcast %gather3A_80 : vector<16xf32> to vector<32xbf16>
      %max3A_82 = arith.maximumf %max3A_68, %bitcast3A_81 : vector<32xbf16>
      %gather3A_83 = tpu.vector_load_idx %arg5[%broadcast_in_dim3A_13, %and3A_76] : memref<2x10000xf32, #tpu.memory_space<vmem>>[vector<16xi32>, vector<16xi32>], vector<16xf32>,
      %bitcast3A_84 = vector.bitcast %gather3A_83 : vector<16xf32> to vector<32xbf16>
      %max3A_85 = arith.maximumf %max3A_71, %bitcast3A_84 : vector<32xbf16>
      %gather3A_86 = tpu.vector_load_idx %arg5[%broadcast_in_dim3A_11, %shift_right_logical3A_79] : memref<2x10000xf32, #tpu.memory_space<vmem>>[vector<16xi32>, vector<16xi32>], vector<16xf32>,
      %bitcast3A_87 = vector.bitcast %gather3A_86 : vector<16xf32> to vector<32xbf16>
      %max3A_88 = arith.maximumf %max3A_82, %bitcast3A_87 : vector<32xbf16>
      %gather3A_89 = tpu.vector_load_idx %arg5[%broadcast_in_dim3A_13, %shift_right_logical3A_79] : memref<2x10000xf32, #tpu.memory_space<vmem>>[vector<16xi32>, vector<16xi32>], vector<16xf32>,
      %bitcast3A_90 = vector.bitcast %gather3A_89 : vector<16xf32> to vector<32xbf16>
      %max3A_91 = arith.maximumf %max3A_85, %bitcast3A_90 : vector<32xbf16>
      %get3A_92 = arith.constant 3 : i32
      %get3A_93 = arith.index_cast %get3A_92 : i32 to index
      %get3A_94 = arith.index_cast %mul3A_39 : i32 to index
      %get3A_95 = tpu.vector_load %arg6[%get3A_93, %get3A_94] {strides = array<i32>} : memref<16x400xi32, #tpu.memory_space<vmem>>, vector<16xi32>,
      %and3A_96 = arith.andi %get3A_95, %broadcast_in_dim3A_28 : vector<16xi32>
      %shift_right_logical3A_97 = arith.constant 16 : i32
      %shift_right_logical3A_98 = vector.broadcast %shift_right_logical3A_97 : i32 to vector<16xi32>
      %shift_right_logical3A_99 = arith.shrui %get3A_95, %shift_right_logical3A_98 : vector<16xi32>
      %gather3A_100 = tpu.vector_load_idx %arg5[%broadcast_in_dim3A_11, %and3A_96] : memref<2x10000xf32, #tpu.memory_space<vmem>>[vector<16xi32>, vector<16xi32>], vector<16xf32>,
      %bitcast3A_101 = vector.bitcast %gather3A_100 : vector<16xf32> to vector<32xbf16>
      %max3A_102 = arith.maximumf %max3A_88, %bitcast3A_101 : vector<32xbf16>
      %gather3A_103 = tpu.vector_load_idx %arg5[%broadcast_in_dim3A_13, %and3A_96] : memref<2x10000xf32, #tpu.memory_space<vmem>>[vector<16xi32>, vector<16xi32>], vector<16xf32>,
      %bitcast3A_104 = vector.bitcast %gather3A_103 : vector<16xf32> to vector<32xbf16>
      %max3A_105 = arith.maximumf %max3A_91, %bitcast3A_104 : vector<32xbf16>
      %gather3A_106 = tpu.vector_load_idx %arg5[%broadcast_in_dim3A_11, %shift_right_logical3A_99] : memref<2x10000xf32, #tpu.memory_space<vmem>>[vector<16xi32>, vector<16xi32>], vector<16xf32>,
      %bitcast3A_107 = vector.bitcast %gather3A_106 : vector<16xf32> to vector<32xbf16>
      %max3A_108 = arith.maximumf %max3A_102, %bitcast3A_107 : vector<32xbf16>
      %gather3A_109 = tpu.vector_load_idx %arg5[%broadcast_in_dim3A_13, %shift_right_logical3A_99] : memref<2x10000xf32, #tpu.memory_space<vmem>>[vector<16xi32>, vector<16xi32>], vector<16xf32>,
      %bitcast3A_110 = vector.bitcast %gather3A_109 : vector<16xf32> to vector<32xbf16>
      %max3A_111 = arith.maximumf %max3A_105, %bitcast3A_110 : vector<32xbf16>
      %get3A_112 = arith.constant 4 : i32
      %get3A_113 = arith.index_cast %get3A_112 : i32 to index
      %get3A_114 = arith.index_cast %mul3A_39 : i32 to index
      %get3A_115 = tpu.vector_load %arg6[%get3A_113, %get3A_114] {strides = array<i32>} : memref<16x400xi32, #tpu.memory_space<vmem>>, vector<16xi32>,
      %and3A_116 = arith.andi %get3A_115, %broadcast_in_dim3A_28 : vector<16xi32>
      %shift_right_logical3A_117 = arith.constant 16 : i32
      %shift_right_logical3A_118 = vector.broadcast %shift_right_logical3A_117 : i32 to vector<16xi32>
      %shift_right_logical3A_119 = arith.shrui %get3A_115, %shift_right_logical3A_118 : vector<16xi32>
      %gather3A_120 = tpu.vector_load_idx %arg5[%broadcast_in_dim3A_11, %and3A_116] : memref<2x10000xf32, #tpu.memory_space<vmem>>[vector<16xi32>, vector<16xi32>], vector<16xf32>,
      %bitcast3A_121 = vector.bitcast %gather3A_120 : vector<16xf32> to vector<32xbf16>
      %max3A_122 = arith.maximumf %max3A_108, %bitcast3A_121 : vector<32xbf16>
      %gather3A_123 = tpu.vector_load_idx %arg5[%broadcast_in_dim3A_13, %and3A_116] : memref<2x10000xf32, #tpu.memory_space<vmem>>[vector<16xi32>, vector<16xi32>], vector<16xf32>,
      %bitcast3A_124 = vector.bitcast %gather3A_123 : vector<16xf32> to vector<32xbf16>
      %max3A_125 = arith.maximumf %max3A_111, %bitcast3A_124 : vector<32xbf16>
      %gather3A_126 = tpu.vector_load_idx %arg5[%broadcast_in_dim3A_11, %shift_right_logical3A_119] : memref<2x10000xf32, #tpu.memory_space<vmem>>[vector<16xi32>, vector<16xi32>], vector<16xf32>,
      %bitcast3A_127 = vector.bitcast %gather3A_126 : vector<16xf32> to vector<32xbf16>
      %max3A_128 = arith.maximumf %max3A_122, %bitcast3A_127 : vector<32xbf16>
      %gather3A_129 = tpu.vector_load_idx %arg5[%broadcast_in_dim3A_13, %shift_right_logical3A_119] : memref<2x10000xf32, #tpu.memory_space<vmem>>[vector<16xi32>, vector<16xi32>], vector<16xf32>,
      %bitcast3A_130 = vector.bitcast %gather3A_129 : vector<16xf32> to vector<32xbf16>
      %max3A_131 = arith.maximumf %max3A_125, %bitcast3A_130 : vector<32xbf16>
      %get3A_132 = arith.constant 5 : i32
      %get3A_133 = arith.index_cast %get3A_132 : i32 to index
      %get3A_134 = arith.index_cast %mul3A_39 : i32 to index
      %get3A_135 = tpu.vector_load %arg6[%get3A_133, %get3A_134] {strides = array<i32>} : memref<16x400xi32, #tpu.memory_space<vmem>>, vector<16xi32>,
      %and3A_136 = arith.andi %get3A_135, %broadcast_in_dim3A_28 : vector<16xi32>
      %shift_right_logical3A_137 = arith.constant 16 : i32
      %shift_right_logical3A_138 = vector.broadcast %shift_right_logical3A_137 : i32 to vector<16xi32>
      %shift_right_logical3A_139 = arith.shrui %get3A_135, %shift_right_logical3A_138 : vector<16xi32>
      %gather3A_140 = tpu.vector_load_idx %arg5[%broadcast_in_dim3A_11, %and3A_136] : memref<2x10000xf32, #tpu.memory_space<vmem>>[vector<16xi32>, vector<16xi32>], vector<16xf32>,
      %bitcast3A_141 = vector.bitcast %gather3A_140 : vector<16xf32> to vector<32xbf16>
      %max3A_142 = arith.maximumf %max3A_128, %bitcast3A_141 : vector<32xbf16>
      %gather3A_143 = tpu.vector_load_idx %arg5[%broadcast_in_dim3A_13, %and3A_136] : memref<2x10000xf32, #tpu.memory_space<vmem>>[vector<16xi32>, vector<16xi32>], vector<16xf32>,
      %bitcast3A_144 = vector.bitcast %gather3A_143 : vector<16xf32> to vector<32xbf16>
      %max3A_145 = arith.maximumf %max3A_131, %bitcast3A_144 : vector<32xbf16>
      %gather3A_146 = tpu.vector_load_idx %arg5[%broadcast_in_dim3A_11, %shift_right_logical3A_139] : memref<2x10000xf32, #tpu.memory_space<vmem>>[vector<16xi32>, vector<16xi32>], vector<16xf32>,
      %bitcast3A_147 = vector.bitcast %gather3A_146 : vector<16xf32> to vector<32xbf16>
      %max3A_148 = arith.maximumf %max3A_142, %bitcast3A_147 : vector<32xbf16>
      %gather3A_149 = tpu.vector_load_idx %arg5[%broadcast_in_dim3A_13, %shift_right_logical3A_139] : memref<2x10000xf32, #tpu.memory_space<vmem>>[vector<16xi32>, vector<16xi32>], vector<16xf32>,
      %bitcast3A_150 = vector.bitcast %gather3A_149 : vector<16xf32> to vector<32xbf16>
      %max3A_151 = arith.maximumf %max3A_145, %bitcast3A_150 : vector<32xbf16>
      %get3A_152 = arith.constant 6 : i32
      %get3A_153 = arith.index_cast %get3A_152 : i32 to index
      %get3A_154 = arith.index_cast %mul3A_39 : i32 to index
      %get3A_155 = tpu.vector_load %arg6[%get3A_153, %get3A_154] {strides = array<i32>} : memref<16x400xi32, #tpu.memory_space<vmem>>, vector<16xi32>,
      %and3A_156 = arith.andi %get3A_155, %broadcast_in_dim3A_28 : vector<16xi32>
      %shift_right_logical3A_157 = arith.constant 16 : i32
      %shift_right_logical3A_158 = vector.broadcast %shift_right_logical3A_157 : i32 to vector<16xi32>
      %shift_right_logical3A_159 = arith.shrui %get3A_155, %shift_right_logical3A_158 : vector<16xi32>
      %gather3A_160 = tpu.vector_load_idx %arg5[%broadcast_in_dim3A_11, %and3A_156] : memref<2x10000xf32, #tpu.memory_space<vmem>>[vector<16xi32>, vector<16xi32>], vector<16xf32>,
      %bitcast3A_161 = vector.bitcast %gather3A_160 : vector<16xf32> to vector<32xbf16>
      %max3A_162 = arith.maximumf %max3A_148, %bitcast3A_161 : vector<32xbf16>
      %gather3A_163 = tpu.vector_load_idx %arg5[%broadcast_in_dim3A_13, %and3A_156] : memref<2x10000xf32, #tpu.memory_space<vmem>>[vector<16xi32>, vector<16xi32>], vector<16xf32>,
      %bitcast3A_164 = vector.bitcast %gather3A_163 : vector<16xf32> to vector<32xbf16>
      %max3A_165 = arith.maximumf %max3A_151, %bitcast3A_164 : vector<32xbf16>
      %gather3A_166 = tpu.vector_load_idx %arg5[%broadcast_in_dim3A_11, %shift_right_logical3A_159] : memref<2x10000xf32, #tpu.memory_space<vmem>>[vector<16xi32>, vector<16xi32>], vector<16xf32>,
      %bitcast3A_167 = vector.bitcast %gather3A_166 : vector<16xf32> to vector<32xbf16>
      %max3A_168 = arith.maximumf %max3A_162, %bitcast3A_167 : vector<32xbf16>
      %gather3A_169 = tpu.vector_load_idx %arg5[%broadcast_in_dim3A_13, %shift_right_logical3A_159] : memref<2x10000xf32, #tpu.memory_space<vmem>>[vector<16xi32>, vector<16xi32>], vector<16xf32>,
      %bitcast3A_170 = vector.bitcast %gather3A_169 : vector<16xf32> to vector<32xbf16>
      %max3A_171 = arith.maximumf %max3A_165, %bitcast3A_170 : vector<32xbf16>
      %get3A_172 = arith.constant 7 : i32
      %get3A_173 = arith.index_cast %get3A_172 : i32 to index
      %get3A_174 = arith.index_cast %mul3A_39 : i32 to index
      %get3A_175 = tpu.vector_load %arg6[%get3A_173, %get3A_174] {strides = array<i32>} : memref<16x400xi32, #tpu.memory_space<vmem>>, vector<16xi32>,
      %and3A_176 = arith.andi %get3A_175, %broadcast_in_dim3A_28 : vector<16xi32>
      %shift_right_logical3A_177 = arith.constant 16 : i32
      %shift_right_logical3A_178 = vector.broadcast %shift_right_logical3A_177 : i32 to vector<16xi32>
      %shift_right_logical3A_179 = arith.shrui %get3A_175, %shift_right_logical3A_178 : vector<16xi32>
      %gather3A_180 = tpu.vector_load_idx %arg5[%broadcast_in_dim3A_11, %and3A_176] : memref<2x10000xf32, #tpu.memory_space<vmem>>[vector<16xi32>, vector<16xi32>], vector<16xf32>,
      %bitcast3A_181 = vector.bitcast %gather3A_180 : vector<16xf32> to vector<32xbf16>
      %max3A_182 = arith.maximumf %max3A_168, %bitcast3A_181 : vector<32xbf16>
      %gather3A_183 = tpu.vector_load_idx %arg5[%broadcast_in_dim3A_13, %and3A_176] : memref<2x10000xf32, #tpu.memory_space<vmem>>[vector<16xi32>, vector<16xi32>], vector<16xf32>,
      %bitcast3A_184 = vector.bitcast %gather3A_183 : vector<16xf32> to vector<32xbf16>
      %max3A_185 = arith.maximumf %max3A_171, %bitcast3A_184 : vector<32xbf16>
      %gather3A_186 = tpu.vector_load_idx %arg5[%broadcast_in_dim3A_11, %shift_right_logical3A_179] : memref<2x10000xf32, #tpu.memory_space<vmem>>[vector<16xi32>, vector<16xi32>], vector<16xf32>,
      %bitcast3A_187 = vector.bitcast %gather3A_186 : vector<16xf32> to vector<32xbf16>
      %max3A_188 = arith.maximumf %max3A_182, %bitcast3A_187 : vector<32xbf16>
      %gather3A_189 = tpu.vector_load_idx %arg5[%broadcast_in_dim3A_13, %shift_right_logical3A_179] : memref<2x10000xf32, #tpu.memory_space<vmem>>[vector<16xi32>, vector<16xi32>], vector<16xf32>,
      %bitcast3A_190 = vector.bitcast %gather3A_189 : vector<16xf32> to vector<32xbf16>
      %max3A_191 = arith.maximumf %max3A_185, %bitcast3A_190 : vector<32xbf16>
      %get3A_192 = arith.constant 8 : i32
      %get3A_193 = arith.index_cast %get3A_192 : i32 to index
      %get3A_194 = arith.index_cast %mul3A_39 : i32 to index
      %get3A_195 = tpu.vector_load %arg6[%get3A_193, %get3A_194] {strides = array<i32>} : memref<16x400xi32, #tpu.memory_space<vmem>>, vector<16xi32>,
      %and3A_196 = arith.andi %get3A_195, %broadcast_in_dim3A_28 : vector<16xi32>
      %shift_right_logical3A_197 = arith.constant 16 : i32
      %shift_right_logical3A_198 = vector.broadcast %shift_right_logical3A_197 : i32 to vector<16xi32>
      %shift_right_logical3A_199 = arith.shrui %get3A_195, %shift_right_logical3A_198 : vector<16xi32>
      %gather3A_200 = tpu.vector_load_idx %arg5[%broadcast_in_dim3A_11, %and3A_196] : memref<2x10000xf32, #tpu.memory_space<vmem>>[vector<16xi32>, vector<16xi32>], vector<16xf32>,
      %bitcast3A_201 = vector.bitcast %gather3A_200 : vector<16xf32> to vector<32xbf16>
      %max3A_202 = arith.maximumf %max3A_188, %bitcast3A_201 : vector<32xbf16>
      %gather3A_203 = tpu.vector_load_idx %arg5[%broadcast_in_dim3A_13, %and3A_196] : memref<2x10000xf32, #tpu.memory_space<vmem>>[vector<16xi32>, vector<16xi32>], vector<16xf32>,
      %bitcast3A_204 = vector.bitcast %gather3A_203 : vector<16xf32> to vector<32xbf16>
      %max3A_205 = arith.maximumf %max3A_191, %bitcast3A_204 : vector<32xbf16>
      %gather3A_206 = tpu.vector_load_idx %arg5[%broadcast_in_dim3A_11, %shift_right_logical3A_199] : memref<2x10000xf32, #tpu.memory_space<vmem>>[vector<16xi32>, vector<16xi32>], vector<16xf32>,
      %bitcast3A_207 = vector.bitcast %gather3A_206 : vector<16xf32> to vector<32xbf16>
      %max3A_208 = arith.maximumf %max3A_202, %bitcast3A_207 : vector<32xbf16>
      %gather3A_209 = tpu.vector_load_idx %arg5[%broadcast_in_dim3A_13, %shift_right_logical3A_199] : memref<2x10000xf32, #tpu.memory_space<vmem>>[vector<16xi32>, vector<16xi32>], vector<16xf32>,
      %bitcast3A_210 = vector.bitcast %gather3A_209 : vector<16xf32> to vector<32xbf16>
      %max3A_211 = arith.maximumf %max3A_205, %bitcast3A_210 : vector<32xbf16>
      %get3A_212 = arith.constant 9 : i32
      %get3A_213 = arith.index_cast %get3A_212 : i32 to index
      %get3A_214 = arith.index_cast %mul3A_39 : i32 to index
      %get3A_215 = tpu.vector_load %arg6[%get3A_213, %get3A_214] {strides = array<i32>} : memref<16x400xi32, #tpu.memory_space<vmem>>, vector<16xi32>,
      %and3A_216 = arith.andi %get3A_215, %broadcast_in_dim3A_28 : vector<16xi32>
      %shift_right_logical3A_217 = arith.constant 16 : i32
      %shift_right_logical3A_218 = vector.broadcast %shift_right_logical3A_217 : i32 to vector<16xi32>
      %shift_right_logical3A_219 = arith.shrui %get3A_215, %shift_right_logical3A_218 : vector<16xi32>
      %gather3A_220 = tpu.vector_load_idx %arg5[%broadcast_in_dim3A_11, %and3A_216] : memref<2x10000xf32, #tpu.memory_space<vmem>>[vector<16xi32>, vector<16xi32>], vector<16xf32>,
      %bitcast3A_221 = vector.bitcast %gather3A_220 : vector<16xf32> to vector<32xbf16>
      %max3A_222 = arith.maximumf %max3A_208, %bitcast3A_221 : vector<32xbf16>
      %gather3A_223 = tpu.vector_load_idx %arg5[%broadcast_in_dim3A_13, %and3A_216] : memref<2x10000xf32, #tpu.memory_space<vmem>>[vector<16xi32>, vector<16xi32>], vector<16xf32>,
      %bitcast3A_224 = vector.bitcast %gather3A_223 : vector<16xf32> to vector<32xbf16>
      %max3A_225 = arith.maximumf %max3A_211, %bitcast3A_224 : vector<32xbf16>
      %gather3A_226 = tpu.vector_load_idx %arg5[%broadcast_in_dim3A_11, %shift_right_logical3A_219] : memref<2x10000xf32, #tpu.memory_space<vmem>>[vector<16xi32>, vector<16xi32>], vector<16xf32>,
      %bitcast3A_227 = vector.bitcast %gather3A_226 : vector<16xf32> to vector<32xbf16>
      %max3A_228 = arith.maximumf %max3A_222, %bitcast3A_227 : vector<32xbf16>
      %gather3A_229 = tpu.vector_load_idx %arg5[%broadcast_in_dim3A_13, %shift_right_logical3A_219] : memref<2x10000xf32, #tpu.memory_space<vmem>>[vector<16xi32>, vector<16xi32>], vector<16xf32>,
      %bitcast3A_230 = vector.bitcast %gather3A_229 : vector<16xf32> to vector<32xbf16>
      %max3A_231 = arith.maximumf %max3A_225, %bitcast3A_230 : vector<32xbf16>
      %get3A_232 = arith.constant 10 : i32
      %get3A_233 = arith.index_cast %get3A_232 : i32 to index
      %get3A_234 = arith.index_cast %mul3A_39 : i32 to index
      %get3A_235 = tpu.vector_load %arg6[%get3A_233, %get3A_234] {strides = array<i32>} : memref<16x400xi32, #tpu.memory_space<vmem>>, vector<16xi32>,
      %and3A_236 = arith.andi %get3A_235, %broadcast_in_dim3A_28 : vector<16xi32>
      %shift_right_logical3A_237 = arith.constant 16 : i32
      %shift_right_logical3A_238 = vector.broadcast %shift_right_logical3A_237 : i32 to vector<16xi32>
      %shift_right_logical3A_239 = arith.shrui %get3A_235, %shift_right_logical3A_238 : vector<16xi32>
      %gather3A_240 = tpu.vector_load_idx %arg5[%broadcast_in_dim3A_11, %and3A_236] : memref<2x10000xf32, #tpu.memory_space<vmem>>[vector<16xi32>, vector<16xi32>], vector<16xf32>,
      %bitcast3A_241 = vector.bitcast %gather3A_240 : vector<16xf32> to vector<32xbf16>
      %max3A_242 = arith.maximumf %max3A_228, %bitcast3A_241 : vector<32xbf16>
      %gather3A_243 = tpu.vector_load_idx %arg5[%broadcast_in_dim3A_13, %and3A_236] : memref<2x10000xf32, #tpu.memory_space<vmem>>[vector<16xi32>, vector<16xi32>], vector<16xf32>,
      %bitcast3A_244 = vector.bitcast %gather3A_243 : vector<16xf32> to vector<32xbf16>
      %max3A_245 = arith.maximumf %max3A_231, %bitcast3A_244 : vector<32xbf16>
      %gather3A_246 = tpu.vector_load_idx %arg5[%broadcast_in_dim3A_11, %shift_right_logical3A_239] : memref<2x10000xf32, #tpu.memory_space<vmem>>[vector<16xi32>, vector<16xi32>], vector<16xf32>,
      %bitcast3A_247 = vector.bitcast %gather3A_246 : vector<16xf32> to vector<32xbf16>
      %max3A_248 = arith.maximumf %max3A_242, %bitcast3A_247 : vector<32xbf16>
      %gather3A_249 = tpu.vector_load_idx %arg5[%broadcast_in_dim3A_13, %shift_right_logical3A_239] : memref<2x10000xf32, #tpu.memory_space<vmem>>[vector<16xi32>, vector<16xi32>], vector<16xf32>,
      %bitcast3A_250 = vector.bitcast %gather3A_249 : vector<16xf32> to vector<32xbf16>
      %max3A_251 = arith.maximumf %max3A_245, %bitcast3A_250 : vector<32xbf16>
      %get3A_252 = arith.constant 11 : i32
      %get3A_253 = arith.index_cast %get3A_252 : i32 to index
      %get3A_254 = arith.index_cast %mul3A_39 : i32 to index
      %get3A_255 = tpu.vector_load %arg6[%get3A_253, %get3A_254] {strides = array<i32>} : memref<16x400xi32, #tpu.memory_space<vmem>>, vector<16xi32>,
      %and3A_256 = arith.andi %get3A_255, %broadcast_in_dim3A_28 : vector<16xi32>
      %shift_right_logical3A_257 = arith.constant 16 : i32
      %shift_right_logical3A_258 = vector.broadcast %shift_right_logical3A_257 : i32 to vector<16xi32>
      %shift_right_logical3A_259 = arith.shrui %get3A_255, %shift_right_logical3A_258 : vector<16xi32>
      %gather3A_260 = tpu.vector_load_idx %arg5[%broadcast_in_dim3A_11, %and3A_256] : memref<2x10000xf32, #tpu.memory_space<vmem>>[vector<16xi32>, vector<16xi32>], vector<16xf32>,
      %bitcast3A_261 = vector.bitcast %gather3A_260 : vector<16xf32> to vector<32xbf16>
      %max3A_262 = arith.maximumf %max3A_248, %bitcast3A_261 : vector<32xbf16>
      %gather3A_263 = tpu.vector_load_idx %arg5[%broadcast_in_dim3A_13, %and3A_256] : memref<2x10000xf32, #tpu.memory_space<vmem>>[vector<16xi32>, vector<16xi32>], vector<16xf32>,
      %bitcast3A_264 = vector.bitcast %gather3A_263 : vector<16xf32> to vector<32xbf16>
      %max3A_265 = arith.maximumf %max3A_251, %bitcast3A_264 : vector<32xbf16>
      %gather3A_266 = tpu.vector_load_idx %arg5[%broadcast_in_dim3A_11, %shift_right_logical3A_259] : memref<2x10000xf32, #tpu.memory_space<vmem>>[vector<16xi32>, vector<16xi32>], vector<16xf32>,
      %bitcast3A_267 = vector.bitcast %gather3A_266 : vector<16xf32> to vector<32xbf16>
      %max3A_268 = arith.maximumf %max3A_262, %bitcast3A_267 : vector<32xbf16>
      %gather3A_269 = tpu.vector_load_idx %arg5[%broadcast_in_dim3A_13, %shift_right_logical3A_259] : memref<2x10000xf32, #tpu.memory_space<vmem>>[vector<16xi32>, vector<16xi32>], vector<16xf32>,
      %bitcast3A_270 = vector.bitcast %gather3A_269 : vector<16xf32> to vector<32xbf16>
      %max3A_271 = arith.maximumf %max3A_265, %bitcast3A_270 : vector<32xbf16>
      %get3A_272 = arith.constant 12 : i32
      %get3A_273 = arith.index_cast %get3A_272 : i32 to index
      %get3A_274 = arith.index_cast %mul3A_39 : i32 to index
      %get3A_275 = tpu.vector_load %arg6[%get3A_273, %get3A_274] {strides = array<i32>} : memref<16x400xi32, #tpu.memory_space<vmem>>, vector<16xi32>,
      %and3A_276 = arith.andi %get3A_275, %broadcast_in_dim3A_28 : vector<16xi32>
      %shift_right_logical3A_277 = arith.constant 16 : i32
      %shift_right_logical3A_278 = vector.broadcast %shift_right_logical3A_277 : i32 to vector<16xi32>
      %shift_right_logical3A_279 = arith.shrui %get3A_275, %shift_right_logical3A_278 : vector<16xi32>
      %gather3A_280 = tpu.vector_load_idx %arg5[%broadcast_in_dim3A_11, %and3A_276] : memref<2x10000xf32, #tpu.memory_space<vmem>>[vector<16xi32>, vector<16xi32>], vector<16xf32>,
      %bitcast3A_281 = vector.bitcast %gather3A_280 : vector<16xf32> to vector<32xbf16>
      %max3A_282 = arith.maximumf %max3A_268, %bitcast3A_281 : vector<32xbf16>
      %gather3A_283 = tpu.vector_load_idx %arg5[%broadcast_in_dim3A_13, %and3A_276] : memref<2x10000xf32, #tpu.memory_space<vmem>>[vector<16xi32>, vector<16xi32>], vector<16xf32>,
      %bitcast3A_284 = vector.bitcast %gather3A_283 : vector<16xf32> to vector<32xbf16>
      %max3A_285 = arith.maximumf %max3A_271, %bitcast3A_284 : vector<32xbf16>
      %gather3A_286 = tpu.vector_load_idx %arg5[%broadcast_in_dim3A_11, %shift_right_logical3A_279] : memref<2x10000xf32, #tpu.memory_space<vmem>>[vector<16xi32>, vector<16xi32>], vector<16xf32>,
      %bitcast3A_287 = vector.bitcast %gather3A_286 : vector<16xf32> to vector<32xbf16>
      %max3A_288 = arith.maximumf %max3A_282, %bitcast3A_287 : vector<32xbf16>
      %gather3A_289 = tpu.vector_load_idx %arg5[%broadcast_in_dim3A_13, %shift_right_logical3A_279] : memref<2x10000xf32, #tpu.memory_space<vmem>>[vector<16xi32>, vector<16xi32>], vector<16xf32>,
      %bitcast3A_290 = vector.bitcast %gather3A_289 : vector<16xf32> to vector<32xbf16>
      %max3A_291 = arith.maximumf %max3A_285, %bitcast3A_290 : vector<32xbf16>
      %get3A_292 = arith.constant 13 : i32
      %get3A_293 = arith.index_cast %get3A_292 : i32 to index
      %get3A_294 = arith.index_cast %mul3A_39 : i32 to index
      %get3A_295 = tpu.vector_load %arg6[%get3A_293, %get3A_294] {strides = array<i32>} : memref<16x400xi32, #tpu.memory_space<vmem>>, vector<16xi32>,
      %and3A_296 = arith.andi %get3A_295, %broadcast_in_dim3A_28 : vector<16xi32>
      %shift_right_logical3A_297 = arith.constant 16 : i32
      %shift_right_logical3A_298 = vector.broadcast %shift_right_logical3A_297 : i32 to vector<16xi32>
      %shift_right_logical3A_299 = arith.shrui %get3A_295, %shift_right_logical3A_298 : vector<16xi32>
      %gather3A_300 = tpu.vector_load_idx %arg5[%broadcast_in_dim3A_11, %and3A_296] : memref<2x10000xf32, #tpu.memory_space<vmem>>[vector<16xi32>, vector<16xi32>], vector<16xf32>,
      %bitcast3A_301 = vector.bitcast %gather3A_300 : vector<16xf32> to vector<32xbf16>
      %max3A_302 = arith.maximumf %max3A_288, %bitcast3A_301 : vector<32xbf16>
      %gather3A_303 = tpu.vector_load_idx %arg5[%broadcast_in_dim3A_13, %and3A_296] : memref<2x10000xf32, #tpu.memory_space<vmem>>[vector<16xi32>, vector<16xi32>], vector<16xf32>,
      %bitcast3A_304 = vector.bitcast %gather3A_303 : vector<16xf32> to vector<32xbf16>
      %max3A_305 = arith.maximumf %max3A_291, %bitcast3A_304 : vector<32xbf16>
      %gather3A_306 = tpu.vector_load_idx %arg5[%broadcast_in_dim3A_11, %shift_right_logical3A_299] : memref<2x10000xf32, #tpu.memory_space<vmem>>[vector<16xi32>, vector<16xi32>], vector<16xf32>,
      %bitcast3A_307 = vector.bitcast %gather3A_306 : vector<16xf32> to vector<32xbf16>
      %max3A_308 = arith.maximumf %max3A_302, %bitcast3A_307 : vector<32xbf16>
      %gather3A_309 = tpu.vector_load_idx %arg5[%broadcast_in_dim3A_13, %shift_right_logical3A_299] : memref<2x10000xf32, #tpu.memory_space<vmem>>[vector<16xi32>, vector<16xi32>], vector<16xf32>,
      %bitcast3A_310 = vector.bitcast %gather3A_309 : vector<16xf32> to vector<32xbf16>
      %max3A_311 = arith.maximumf %max3A_305, %bitcast3A_310 : vector<32xbf16>
      %get3A_312 = arith.constant 14 : i32
      %get3A_313 = arith.index_cast %get3A_312 : i32 to index
      %get3A_314 = arith.index_cast %mul3A_39 : i32 to index
      %get3A_315 = tpu.vector_load %arg6[%get3A_313, %get3A_314] {strides = array<i32>} : memref<16x400xi32, #tpu.memory_space<vmem>>, vector<16xi32>,
      %and3A_316 = arith.andi %get3A_315, %broadcast_in_dim3A_28 : vector<16xi32>
      %shift_right_logical3A_317 = arith.constant 16 : i32
      %shift_right_logical3A_318 = vector.broadcast %shift_right_logical3A_317 : i32 to vector<16xi32>
      %shift_right_logical3A_319 = arith.shrui %get3A_315, %shift_right_logical3A_318 : vector<16xi32>
      %gather3A_320 = tpu.vector_load_idx %arg5[%broadcast_in_dim3A_11, %and3A_316] : memref<2x10000xf32, #tpu.memory_space<vmem>>[vector<16xi32>, vector<16xi32>], vector<16xf32>,
      %bitcast3A_321 = vector.bitcast %gather3A_320 : vector<16xf32> to vector<32xbf16>
      %max3A_322 = arith.maximumf %max3A_308, %bitcast3A_321 : vector<32xbf16>
      %gather3A_323 = tpu.vector_load_idx %arg5[%broadcast_in_dim3A_13, %and3A_316] : memref<2x10000xf32, #tpu.memory_space<vmem>>[vector<16xi32>, vector<16xi32>], vector<16xf32>,
      %bitcast3A_324 = vector.bitcast %gather3A_323 : vector<16xf32> to vector<32xbf16>
      %max3A_325 = arith.maximumf %max3A_311, %bitcast3A_324 : vector<32xbf16>
      %gather3A_326 = tpu.vector_load_idx %arg5[%broadcast_in_dim3A_11, %shift_right_logical3A_319] : memref<2x10000xf32, #tpu.memory_space<vmem>>[vector<16xi32>, vector<16xi32>], vector<16xf32>,
      %bitcast3A_327 = vector.bitcast %gather3A_326 : vector<16xf32> to vector<32xbf16>
      %max3A_328 = arith.maximumf %max3A_322, %bitcast3A_327 : vector<32xbf16>
      %gather3A_329 = tpu.vector_load_idx %arg5[%broadcast_in_dim3A_13, %shift_right_logical3A_319] : memref<2x10000xf32, #tpu.memory_space<vmem>>[vector<16xi32>, vector<16xi32>], vector<16xf32>,
      %bitcast3A_330 = vector.bitcast %gather3A_329 : vector<16xf32> to vector<32xbf16>
      %max3A_331 = arith.maximumf %max3A_325, %bitcast3A_330 : vector<32xbf16>
      %get3A_332 = arith.constant 15 : i32
      %get3A_333 = arith.index_cast %get3A_332 : i32 to index
      %get3A_334 = arith.index_cast %mul3A_39 : i32 to index
      %get3A_335 = tpu.vector_load %arg6[%get3A_333, %get3A_334] {strides = array<i32>} : memref<16x400xi32, #tpu.memory_space<vmem>>, vector<16xi32>,
      %and3A_336 = arith.andi %get3A_335, %broadcast_in_dim3A_28 : vector<16xi32>
      %shift_right_logical3A_337 = arith.constant 16 : i32
      %shift_right_logical3A_338 = vector.broadcast %shift_right_logical3A_337 : i32 to vector<16xi32>
      %shift_right_logical3A_339 = arith.shrui %get3A_335, %shift_right_logical3A_338 : vector<16xi32>
      %gather3A_340 = tpu.vector_load_idx %arg5[%broadcast_in_dim3A_11, %and3A_336] : memref<2x10000xf32, #tpu.memory_space<vmem>>[vector<16xi32>, vector<16xi32>], vector<16xf32>,
      %bitcast3A_341 = vector.bitcast %gather3A_340 : vector<16xf32> to vector<32xbf16>
      %max3A_342 = arith.maximumf %max3A_328, %bitcast3A_341 : vector<32xbf16>
      %gather3A_343 = tpu.vector_load_idx %arg5[%broadcast_in_dim3A_13, %and3A_336] : memref<2x10000xf32, #tpu.memory_space<vmem>>[vector<16xi32>, vector<16xi32>], vector<16xf32>,
      %bitcast3A_344 = vector.bitcast %gather3A_343 : vector<16xf32> to vector<32xbf16>
      %max3A_345 = arith.maximumf %max3A_331, %bitcast3A_344 : vector<32xbf16>
      %gather3A_346 = tpu.vector_load_idx %arg5[%broadcast_in_dim3A_11, %shift_right_logical3A_339] : memref<2x10000xf32, #tpu.memory_space<vmem>>[vector<16xi32>, vector<16xi32>], vector<16xf32>,
      %bitcast3A_347 = vector.bitcast %gather3A_346 : vector<16xf32> to vector<32xbf16>
      %max3A_348 = arith.maximumf %max3A_342, %bitcast3A_347 : vector<32xbf16>
      %gather3A_349 = tpu.vector_load_idx %arg5[%broadcast_in_dim3A_13, %shift_right_logical3A_339] : memref<2x10000xf32, #tpu.memory_space<vmem>>[vector<16xi32>, vector<16xi32>], vector<16xf32>,
      %bitcast3A_350 = vector.bitcast %gather3A_349 : vector<16xf32> to vector<32xbf16>
      %max3A_351 = arith.maximumf %max3A_345, %bitcast3A_350 : vector<32xbf16>
      %bitcast3A_352 = vector.bitcast %max3A_348 : vector<32xbf16> to vector<16xf32>
      %add3A_353 = arith.constant 9600 : i32
      %add3A_354 = arith.addi %add3A_353, %mul3A_39 : i32
      %swap3A = arith.constant 0 : i32
      %swap3A_355 = arith.index_cast %swap3A : i32 to index
      %swap3A_356 = arith.index_cast %add3A_354 : i32 to index
      %swap3A_357 = tpu.vector_load %arg8[%swap3A_355, %swap3A_356] {strides = array<i32>} : memref<2x10000xf32, #tpu.memory_space<vmem>>, vector<16xf32>,
      tpu.vector_store %arg8[%swap3A_355, %swap3A_356], %bitcast3A_352 {strides = array<i32>} : memref<2x10000xf32, #tpu.memory_space<vmem>>, vector<16xf32>,
      %bitcast3A_358 = vector.bitcast %max3A_351 : vector<32xbf16> to vector<16xf32>
      %add3A_359 = arith.constant 9600 : i32
      %add3A_360 = arith.addi %add3A_359, %mul3A_39 : i32
      %swap3A_361 = arith.constant 1 : i32
      %swap3A_362 = arith.index_cast %swap3A_361 : i32 to index
      %swap3A_363 = arith.index_cast %add3A_360 : i32 to index
      %swap3A_364 = tpu.vector_load %arg8[%swap3A_362, %swap3A_363] {strides = array<i32>} : memref<2x10000xf32, #tpu.memory_space<vmem>>, vector<16xf32>,
      tpu.vector_store %arg8[%swap3A_362, %swap3A_363], %bitcast3A_358 {strides = array<i32>} : memref<2x10000xf32, #tpu.memory_space<vmem>>, vector<16xf32>,
    }
    %scan3A_34 = arith.constant 25 : i32
    %mul3A_35 = arith.constant 2 : i32
    %mul3A_36 = arith.muli %add3A, %mul3A_35 : i32
    "tpu.region"() ({
      %run_scoped3A = tpu.sem_alloc : memref<!tpu.dma_semaphore, #tpu.memory_space<semaphore_mem>>
      %dma_start3A_37 = arith.constant 0 : i32
      %dma_start3A_38 = tpu.memref_slice %arg4[%mul3A_36, %dma_start3A_37] : memref<64x10000xf32, #tpu.memory_space<hbm>> -> memref<2x10000xf32, #tpu.memory_space<hbm>>
      %dma_start3A_39 = arith.constant 0 : i32
      %dma_start3A_40 = tpu.memref_slice %arg4[%mul3A_36, %dma_start3A_39] : memref<64x10000xf32, #tpu.memory_space<hbm>> -> memref<2x10000xf32, #tpu.memory_space<hbm>>
      tpu.enqueue_dma source(%arg8 : memref<2x10000xf32, #tpu.memory_space<vmem>>) target(%dma_start3A_40 : memref<2x10000xf32, #tpu.memory_space<hbm>>) target_semaphore(%run_scoped3A : memref<!tpu.dma_semaphore, #tpu.memory_space<semaphore_mem>>)
      %dma_wait3A_41 = arith.constant 0 : i32
      %dma_wait3A_42 = tpu.memref_slice %arg4[%mul3A_36, %dma_wait3A_41] : memref<64x10000xf32, #tpu.memory_space<hbm>> -> memref<2x10000xf32, #tpu.memory_space<hbm>>
      %dma_wait3A_43 = arith.constant 0 : i32
      %dma_wait3A_44 = tpu.memref_slice %arg4[%mul3A_36, %dma_wait3A_43] : memref<64x10000xf32, #tpu.memory_space<hbm>> -> memref<2x10000xf32, #tpu.memory_space<hbm>>
      tpu.wait_dma2 semaphore(%run_scoped3A : memref<!tpu.dma_semaphore, #tpu.memory_space<semaphore_mem>>) src(%arg8 : memref<2x10000xf32, #tpu.memory_space<vmem>>) dst(%dma_wait3A_44 : memref<2x10000xf32, #tpu.memory_space<hbm>>)
      tpu.yield
    }) : () -> ()
    return
  }
}

#map = affine_map<(d0, d1) -> (0, 0)>
module attributes {stable_mosaic.version = 14 : i64} {
  func.func @bincount(%arg0: i32, %arg1: i32, %arg2: memref<32x10000xi32, #tpu.memory_space<hbm>>, %arg3: memref<32x10000xf32, #tpu.memory_space<hbm>>, %arg4: memref<10000xi32, #tpu.memory_space<vmem>>, %arg5: memref<10000xf32, #tpu.memory_space<vmem>>) attributes {dimension_semantics = [#tpu.dimension_semantics<core_parallel>, #tpu.dimension_semantics<subcore_parallel>], iteration_bounds = array<i64: 2, 16>, scalar_prefetch = 0 : i64, scratch_operands = 2 : i64, tpu.core_type = #tpu.core_type<sc_vector_subcore>, window_params = [{transform_indices = #map}, {transform_indices = #map}]} {
    %mul3A = arith.constant 2 : i32
    %mul3A_0 = arith.muli %arg1, %mul3A : i32
    %add3A = arith.addi %mul3A_0, %arg0 : i32
    "tpu.region"() ({
      %run_scoped3A = tpu.sem_alloc : memref<!tpu.dma_semaphore, #tpu.memory_space<semaphore_mem>>
      %dma_start3A = arith.constant 0 : i32
      %dma_start3A_15 = tpu.memref_slice %arg2[%add3A, %dma_start3A] : memref<32x10000xi32, #tpu.memory_space<hbm>> -> memref<1x10000xi32, #tpu.memory_space<hbm>>
      %dma_start3A_16 = tpu.memref_squeeze %dma_start3A_15 : memref<1x10000xi32, #tpu.memory_space<hbm>> -> memref<10000xi32, #tpu.memory_space<hbm>>
      %dma_start3A_17 = arith.constant 0 : i32
      %dma_start3A_18 = tpu.memref_slice %arg2[%add3A, %dma_start3A_17] : memref<32x10000xi32, #tpu.memory_space<hbm>> -> memref<1x10000xi32, #tpu.memory_space<hbm>>
      %dma_start3A_19 = tpu.memref_squeeze %dma_start3A_18 : memref<1x10000xi32, #tpu.memory_space<hbm>> -> memref<10000xi32, #tpu.memory_space<hbm>>
      tpu.enqueue_dma source(%dma_start3A_19 : memref<10000xi32, #tpu.memory_space<hbm>>) target(%arg4 : memref<10000xi32, #tpu.memory_space<vmem>>) target_semaphore(%run_scoped3A : memref<!tpu.dma_semaphore, #tpu.memory_space<semaphore_mem>>)
      %dma_wait3A = arith.constant 0 : i32
      %dma_wait3A_20 = tpu.memref_slice %arg2[%add3A, %dma_wait3A] : memref<32x10000xi32, #tpu.memory_space<hbm>> -> memref<1x10000xi32, #tpu.memory_space<hbm>>
      %dma_wait3A_21 = tpu.memref_squeeze %dma_wait3A_20 : memref<1x10000xi32, #tpu.memory_space<hbm>> -> memref<10000xi32, #tpu.memory_space<hbm>>
      %dma_wait3A_22 = arith.constant 0 : i32
      %dma_wait3A_23 = tpu.memref_slice %arg2[%add3A, %dma_wait3A_22] : memref<32x10000xi32, #tpu.memory_space<hbm>> -> memref<1x10000xi32, #tpu.memory_space<hbm>>
      %dma_wait3A_24 = tpu.memref_squeeze %dma_wait3A_23 : memref<1x10000xi32, #tpu.memory_space<hbm>> -> memref<10000xi32, #tpu.memory_space<hbm>>
      tpu.wait_dma2 semaphore(%run_scoped3A : memref<!tpu.dma_semaphore, #tpu.memory_space<semaphore_mem>>) src(%dma_wait3A_24 : memref<10000xi32, #tpu.memory_space<hbm>>) dst(%arg4 : memref<10000xi32, #tpu.memory_space<vmem>>)
      tpu.yield
    }) : () -> ()
    %broadcast_in_dim3A = arith.constant 0.000000e+00 : f32
    %broadcast_in_dim3A_1 = vector.broadcast %broadcast_in_dim3A : f32 to vector<16xf32>
    %scan3A = arith.constant 0 : i32
    %scan3A_2 = arith.constant 0 : i32
    %scan3A_3 = arith.constant 625 : i32
    %scan3A_4 = arith.addi %scan3A_2, %scan3A_3 : i32
    %scan3A_5 = arith.constant 1 : i32
    scf.for %scan3A_15 = %scan3A_2 to %scan3A_4 step %scan3A_5  : i32 {
      %mul3A_16 = arith.constant 16 : i32
      %mul3A_17 = arith.muli %scan3A_15, %mul3A_16 : i32
      %swap3A = arith.index_cast %mul3A_17 : i32 to index
      %swap3A_18 = tpu.vector_load %arg5[%swap3A] {strides = array<i32>} : memref<10000xf32, #tpu.memory_space<vmem>>, vector<16xf32>,
      tpu.vector_store %arg5[%swap3A], %broadcast_in_dim3A_1 {strides = array<i32>} : memref<10000xf32, #tpu.memory_space<vmem>>, vector<16xf32>,
    }
    %scan3A_6 = arith.constant 625 : i32
    %broadcast_in_dim3A_7 = arith.constant 1.000000e+00 : f32
    %broadcast_in_dim3A_8 = vector.broadcast %broadcast_in_dim3A_7 : f32 to vector<16xf32>
    %scan3A_9 = arith.constant 0 : i32
    %scan3A_10 = arith.constant 0 : i32
    %scan3A_11 = arith.constant 625 : i32
    %scan3A_12 = arith.addi %scan3A_10, %scan3A_11 : i32
    %scan3A_13 = arith.constant 1 : i32
    scf.for %scan3A_15 = %scan3A_10 to %scan3A_12 step %scan3A_13  : i32 {
      %mul3A_16 = arith.constant 16 : i32
      %mul3A_17 = arith.muli %scan3A_15, %mul3A_16 : i32
      %get3A = arith.index_cast %mul3A_17 : i32 to index
      %get3A_18 = tpu.vector_load %arg4[%get3A] {strides = array<i32>} : memref<10000xi32, #tpu.memory_space<vmem>>, vector<16xi32>,
      tpu.vector_store_idx %arg5[%get3A_18], %broadcast_in_dim3A_8 {add = true} : memref<10000xf32, #tpu.memory_space<vmem>>[vector<16xi32>], vector<16xf32>,
    }
    %scan3A_14 = arith.constant 625 : i32
    "tpu.region"() ({
      %run_scoped3A = tpu.sem_alloc : memref<!tpu.dma_semaphore, #tpu.memory_space<semaphore_mem>>
      %dma_start3A = arith.constant 0 : i32
      %dma_start3A_15 = tpu.memref_slice %arg3[%add3A, %dma_start3A] : memref<32x10000xf32, #tpu.memory_space<hbm>> -> memref<1x10000xf32, #tpu.memory_space<hbm>>
      %dma_start3A_16 = tpu.memref_squeeze %dma_start3A_15 : memref<1x10000xf32, #tpu.memory_space<hbm>> -> memref<10000xf32, #tpu.memory_space<hbm>>
      %dma_start3A_17 = arith.constant 0 : i32
      %dma_start3A_18 = tpu.memref_slice %arg3[%add3A, %dma_start3A_17] : memref<32x10000xf32, #tpu.memory_space<hbm>> -> memref<1x10000xf32, #tpu.memory_space<hbm>>
      %dma_start3A_19 = tpu.memref_squeeze %dma_start3A_18 : memref<1x10000xf32, #tpu.memory_space<hbm>> -> memref<10000xf32, #tpu.memory_space<hbm>>
      tpu.enqueue_dma source(%arg5 : memref<10000xf32, #tpu.memory_space<vmem>>) target(%dma_start3A_19 : memref<10000xf32, #tpu.memory_space<hbm>>) target_semaphore(%run_scoped3A : memref<!tpu.dma_semaphore, #tpu.memory_space<semaphore_mem>>)
      %dma_wait3A = arith.constant 0 : i32
      %dma_wait3A_20 = tpu.memref_slice %arg3[%add3A, %dma_wait3A] : memref<32x10000xf32, #tpu.memory_space<hbm>> -> memref<1x10000xf32, #tpu.memory_space<hbm>>
      %dma_wait3A_21 = tpu.memref_squeeze %dma_wait3A_20 : memref<1x10000xf32, #tpu.memory_space<hbm>> -> memref<10000xf32, #tpu.memory_space<hbm>>
      %dma_wait3A_22 = arith.constant 0 : i32
      %dma_wait3A_23 = tpu.memref_slice %arg3[%add3A, %dma_wait3A_22] : memref<32x10000xf32, #tpu.memory_space<hbm>> -> memref<1x10000xf32, #tpu.memory_space<hbm>>
      %dma_wait3A_24 = tpu.memref_squeeze %dma_wait3A_23 : memref<1x10000xf32, #tpu.memory_space<hbm>> -> memref<10000xf32, #tpu.memory_space<hbm>>
      tpu.wait_dma2 semaphore(%run_scoped3A : memref<!tpu.dma_semaphore, #tpu.memory_space<semaphore_mem>>) src(%arg5 : memref<10000xf32, #tpu.memory_space<vmem>>) dst(%dma_wait3A_24 : memref<10000xf32, #tpu.memory_space<hbm>>)
      tpu.yield
    }) : () -> ()
    return
  }
}

module attributes {stable_mosaic.version = 14 : i64} {
  func.func @_mlp_body(%arg0: memref<32x10000xf32, #tpu.memory_space<vmem>>, %arg1: memref<10000x128xf32, #tpu.memory_space<vmem>>, %arg2: memref<128x128xf32, #tpu.memory_space<vmem>>, %arg3: memref<128x128xf32, #tpu.memory_space<vmem>>, %arg4: memref<1x128xf32, #tpu.memory_space<vmem>>, %arg5: memref<128x128xf32, #tpu.memory_space<vmem>>, %arg6: memref<1x128xf32, #tpu.memory_space<vmem>>, %arg7: memref<1x128xf32, #tpu.memory_space<vmem>>, %arg8: memref<1x128xf32, #tpu.memory_space<vmem>>, %arg9: memref<1x128xf32, #tpu.memory_space<vmem>>, %arg10: memref<1x128xf32, #tpu.memory_space<vmem>>, %arg11: memref<1x128xf32, #tpu.memory_space<vmem>>, %arg12: memref<1x128xf32, #tpu.memory_space<vmem>>, %arg13: memref<64x10000xf32, #tpu.memory_space<vmem>>) attributes {dimension_semantics = [], scalar_prefetch = 0 : i64, scratch_operands = 0 : i64, tpu.core_type = #tpu.core_type<tc>} {
    %get3A = arith.constant 0 : index
    %get3A_0 = arith.constant 0 : index
    %get3A_1 = vector.load %arg1[%get3A, %get3A_0] : memref<10000x128xf32, #tpu.memory_space<vmem>>, vector<10000x128xf32>
    %get3A_2 = arith.constant 0 : index
    %get3A_3 = arith.constant 0 : index
    %get3A_4 = vector.load %arg2[%get3A_2, %get3A_3] : memref<128x128xf32, #tpu.memory_space<vmem>>, vector<128x128xf32>
    %dot_general3A = arith.constant dense<0.000000e+00> : vector<10000x128xf32>
    %dot_general3A_5 = tpu.matmul %get3A_1, %get3A_4, %dot_general3A {dimension_numbers = #tpu.dot_dimension_numbers<[1], [0], [0], [1], [0, 0, 1, 1], [], []>, transpose_lhs_hint = false} : vector<10000x128xf32>, vector<128x128xf32>, vector<10000x128xf32> -> vector<10000x128xf32>
    %get3A_6 = arith.constant 0 : index
    %get3A_7 = arith.constant 0 : index
    %get3A_8 = vector.load %arg7[%get3A_6, %get3A_7] : memref<1x128xf32, #tpu.memory_space<vmem>>, vector<1x128xf32>
    %get3A_9 = arith.constant 0 : index
    %get3A_10 = arith.constant 0 : index
    %get3A_11 = vector.load %arg8[%get3A_9, %get3A_10] : memref<1x128xf32, #tpu.memory_space<vmem>>, vector<1x128xf32>
    %reduce_sum3A = arith.constant dense<0.000000e+00> : vector<128xf32>
    %reduce_sum3A_12 = vector.multi_reduction <add>, %dot_general3A_5, %reduce_sum3A [0] : vector<10000x128xf32> to vector<128xf32>
    %broadcast_in_dim3A = vector.shape_cast %reduce_sum3A_12 : vector<128xf32> to vector<1x128xf32>
    %div3A = arith.constant 1.000000e+04 : f32
    %div3A_13 = vector.broadcast %div3A : f32 to vector<1x128xf32>
    %div3A_14 = arith.divf %broadcast_in_dim3A, %div3A_13 : vector<1x128xf32>
    %mul3A = arith.mulf %dot_general3A_5, %dot_general3A_5 : vector<10000x128xf32>
    %reduce_sum3A_15 = arith.constant dense<0.000000e+00> : vector<128xf32>
    %reduce_sum3A_16 = vector.multi_reduction <add>, %mul3A, %reduce_sum3A_15 [0] : vector<10000x128xf32> to vector<128xf32>
    %broadcast_in_dim3A_17 = vector.shape_cast %reduce_sum3A_16 : vector<128xf32> to vector<1x128xf32>
    %div3A_18 = arith.constant 1.000000e+04 : f32
    %div3A_19 = vector.broadcast %div3A_18 : f32 to vector<1x128xf32>
    %div3A_20 = arith.divf %broadcast_in_dim3A_17, %div3A_19 : vector<1x128xf32>
    %mul3A_21 = arith.mulf %div3A_14, %div3A_14 : vector<1x128xf32>
    %sub3A = arith.subf %div3A_20, %mul3A_21 : vector<1x128xf32>
    %add3A = arith.constant 9.99999974E-6 : f32
    %add3A_22 = vector.broadcast %add3A : f32 to vector<1x128xf32>
    %add3A_23 = arith.addf %sub3A, %add3A_22 : vector<1x128xf32>
    %rsqrt3A = math.rsqrt %add3A_23 : vector<1x128xf32>
    %mul3A_24 = arith.mulf %rsqrt3A, %get3A_8 : vector<1x128xf32>
    %mul3A_25 = arith.mulf %div3A_14, %mul3A_24 : vector<1x128xf32>
    %sub3A_26 = arith.subf %get3A_11, %mul3A_25 : vector<1x128xf32>
    %mul3A_27 = vector.broadcast %mul3A_24 : vector<1x128xf32> to vector<10000x128xf32>
    %mul3A_28 = arith.mulf %dot_general3A_5, %mul3A_27 : vector<10000x128xf32>
    %add3A_29 = vector.broadcast %sub3A_26 : vector<1x128xf32> to vector<10000x128xf32>
    %add3A_30 = arith.addf %mul3A_28, %add3A_29 : vector<10000x128xf32>
    %max3A = arith.constant 0.000000e+00 : f32
    %max3A_31 = vector.broadcast %max3A : f32 to vector<10000x128xf32>
    %max3A_32 = arith.maximumf %add3A_30, %max3A_31 : vector<10000x128xf32>
    %get3A_33 = arith.constant 0 : index
    %get3A_34 = arith.constant 0 : index
    %get3A_35 = vector.load %arg0[%get3A_33, %get3A_34] : memref<32x10000xf32, #tpu.memory_space<vmem>>, vector<32x10000xf32>
    %reduce_sum3A_36 = arith.constant dense<0.000000e+00> : vector<10000xf32>
    %reduce_sum3A_37 = vector.multi_reduction <add>, %get3A_35, %reduce_sum3A_36 [0] : vector<32x10000xf32> to vector<10000xf32>
    %broadcast_in_dim3A_38 = vector.shape_cast %reduce_sum3A_37 : vector<10000xf32> to vector<1x10000xf32>
    %mul3A_39 = arith.constant 3.125000e-06 : f32
    %mul3A_40 = vector.broadcast %mul3A_39 : f32 to vector<1x10000xf32>
    %mul3A_41 = arith.mulf %broadcast_in_dim3A_38, %mul3A_40 : vector<1x10000xf32>
    %get3A_42 = arith.constant 0 : index
    %get3A_43 = arith.constant 0 : index
    %get3A_44 = vector.load %arg3[%get3A_42, %get3A_43] : memref<128x128xf32, #tpu.memory_space<vmem>>, vector<128x128xf32>
    %dot_general3A_45 = arith.constant dense<0.000000e+00> : vector<10000x128xf32>
    %dot_general3A_46 = tpu.matmul %max3A_32, %get3A_44, %dot_general3A_45 {dimension_numbers = #tpu.dot_dimension_numbers<[1], [0], [0], [1], [0, 0, 1, 1], [], []>, transpose_lhs_hint = false} : vector<10000x128xf32>, vector<128x128xf32>, vector<10000x128xf32> -> vector<10000x128xf32>
    %get3A_47 = arith.constant 0 : index
    %get3A_48 = arith.constant 0 : index
    %get3A_49 = vector.load %arg4[%get3A_47, %get3A_48] : memref<1x128xf32, #tpu.memory_space<vmem>>, vector<1x128xf32>
    %add3A_50 = vector.broadcast %get3A_49 : vector<1x128xf32> to vector<10000x128xf32>
    %add3A_51 = arith.addf %dot_general3A_46, %add3A_50 : vector<10000x128xf32>
    %get3A_52 = arith.constant 0 : index
    %get3A_53 = arith.constant 0 : index
    %get3A_54 = vector.load %arg9[%get3A_52, %get3A_53] : memref<1x128xf32, #tpu.memory_space<vmem>>, vector<1x128xf32>
    %get3A_55 = arith.constant 0 : index
    %get3A_56 = arith.constant 0 : index
    %get3A_57 = vector.load %arg10[%get3A_55, %get3A_56] : memref<1x128xf32, #tpu.memory_space<vmem>>, vector<1x128xf32>
    %dot_general3A_58 = arith.constant dense<0.000000e+00> : vector<1x128xf32>
    %dot_general3A_59 = tpu.matmul %mul3A_41, %add3A_51, %dot_general3A_58 {dimension_numbers = #tpu.dot_dimension_numbers<[1], [0], [0], [1], [0, 0, 1, 1], [], []>, transpose_lhs_hint = false} : vector<1x10000xf32>, vector<10000x128xf32>, vector<1x128xf32> -> vector<1x128xf32>
    %mul3A_60 = arith.mulf %add3A_51, %add3A_51 : vector<10000x128xf32>
    %dot_general3A_61 = arith.constant dense<0.000000e+00> : vector<1x128xf32>
    %dot_general3A_62 = tpu.matmul %mul3A_41, %mul3A_60, %dot_general3A_61 {dimension_numbers = #tpu.dot_dimension_numbers<[1], [0], [0], [1], [0, 0, 1, 1], [], []>, transpose_lhs_hint = false} : vector<1x10000xf32>, vector<10000x128xf32>, vector<1x128xf32> -> vector<1x128xf32>
    %mul3A_63 = arith.mulf %dot_general3A_59, %dot_general3A_59 : vector<1x128xf32>
    %sub3A_64 = arith.subf %dot_general3A_62, %mul3A_63 : vector<1x128xf32>
    %add3A_65 = arith.constant 9.99999974E-6 : f32
    %add3A_66 = vector.broadcast %add3A_65 : f32 to vector<1x128xf32>
    %add3A_67 = arith.addf %sub3A_64, %add3A_66 : vector<1x128xf32>
    %rsqrt3A_68 = math.rsqrt %add3A_67 : vector<1x128xf32>
    %mul3A_69 = arith.mulf %rsqrt3A_68, %get3A_54 : vector<1x128xf32>
    %mul3A_70 = arith.mulf %dot_general3A_59, %mul3A_69 : vector<1x128xf32>
    %sub3A_71 = arith.subf %get3A_57, %mul3A_70 : vector<1x128xf32>
    %mul3A_72 = vector.broadcast %mul3A_69 : vector<1x128xf32> to vector<10000x128xf32>
    %mul3A_73 = arith.mulf %add3A_51, %mul3A_72 : vector<10000x128xf32>
    %add3A_74 = vector.broadcast %sub3A_71 : vector<1x128xf32> to vector<10000x128xf32>
    %add3A_75 = arith.addf %mul3A_73, %add3A_74 : vector<10000x128xf32>
    %max3A_76 = arith.constant 0.000000e+00 : f32
    %max3A_77 = vector.broadcast %max3A_76 : f32 to vector<10000x128xf32>
    %max3A_78 = arith.maximumf %add3A_75, %max3A_77 : vector<10000x128xf32>
    %get3A_79 = arith.constant 0 : index
    %get3A_80 = arith.constant 0 : index
    %get3A_81 = vector.load %arg5[%get3A_79, %get3A_80] : memref<128x128xf32, #tpu.memory_space<vmem>>, vector<128x128xf32>
    %dot_general3A_82 = arith.constant dense<0.000000e+00> : vector<10000x128xf32>
    %dot_general3A_83 = tpu.matmul %max3A_78, %get3A_81, %dot_general3A_82 {dimension_numbers = #tpu.dot_dimension_numbers<[1], [0], [0], [1], [0, 0, 1, 1], [], []>, transpose_lhs_hint = false} : vector<10000x128xf32>, vector<128x128xf32>, vector<10000x128xf32> -> vector<10000x128xf32>
    %get3A_84 = arith.constant 0 : index
    %get3A_85 = arith.constant 0 : index
    %get3A_86 = vector.load %arg6[%get3A_84, %get3A_85] : memref<1x128xf32, #tpu.memory_space<vmem>>, vector<1x128xf32>
    %add3A_87 = vector.broadcast %get3A_86 : vector<1x128xf32> to vector<10000x128xf32>
    %add3A_88 = arith.addf %dot_general3A_83, %add3A_87 : vector<10000x128xf32>
    %get3A_89 = arith.constant 0 : index
    %get3A_90 = arith.constant 0 : index
    %get3A_91 = vector.load %arg11[%get3A_89, %get3A_90] : memref<1x128xf32, #tpu.memory_space<vmem>>, vector<1x128xf32>
    %get3A_92 = arith.constant 0 : index
    %get3A_93 = arith.constant 0 : index
    %get3A_94 = vector.load %arg12[%get3A_92, %get3A_93] : memref<1x128xf32, #tpu.memory_space<vmem>>, vector<1x128xf32>
    %dot_general3A_95 = arith.constant dense<0.000000e+00> : vector<1x128xf32>
    %dot_general3A_96 = tpu.matmul %mul3A_41, %add3A_88, %dot_general3A_95 {dimension_numbers = #tpu.dot_dimension_numbers<[1], [0], [0], [1], [0, 0, 1, 1], [], []>, transpose_lhs_hint = false} : vector<1x10000xf32>, vector<10000x128xf32>, vector<1x128xf32> -> vector<1x128xf32>
    %mul3A_97 = arith.mulf %add3A_88, %add3A_88 : vector<10000x128xf32>
    %dot_general3A_98 = arith.constant dense<0.000000e+00> : vector<1x128xf32>
    %dot_general3A_99 = tpu.matmul %mul3A_41, %mul3A_97, %dot_general3A_98 {dimension_numbers = #tpu.dot_dimension_numbers<[1], [0], [0], [1], [0, 0, 1, 1], [], []>, transpose_lhs_hint = false} : vector<1x10000xf32>, vector<10000x128xf32>, vector<1x128xf32> -> vector<1x128xf32>
    %mul3A_100 = arith.mulf %dot_general3A_96, %dot_general3A_96 : vector<1x128xf32>
    %sub3A_101 = arith.subf %dot_general3A_99, %mul3A_100 : vector<1x128xf32>
    %add3A_102 = arith.constant 9.99999974E-6 : f32
    %add3A_103 = vector.broadcast %add3A_102 : f32 to vector<1x128xf32>
    %add3A_104 = arith.addf %sub3A_101, %add3A_103 : vector<1x128xf32>
    %rsqrt3A_105 = math.rsqrt %add3A_104 : vector<1x128xf32>
    %mul3A_106 = arith.mulf %rsqrt3A_105, %get3A_91 : vector<1x128xf32>
    %mul3A_107 = arith.mulf %dot_general3A_96, %mul3A_106 : vector<1x128xf32>
    %sub3A_108 = arith.subf %get3A_94, %mul3A_107 : vector<1x128xf32>
    %mul3A_109 = vector.broadcast %mul3A_106 : vector<1x128xf32> to vector<10000x128xf32>
    %mul3A_110 = arith.mulf %add3A_88, %mul3A_109 : vector<10000x128xf32>
    %add3A_111 = vector.broadcast %sub3A_108 : vector<1x128xf32> to vector<10000x128xf32>
    %add3A_112 = arith.addf %mul3A_110, %add3A_111 : vector<10000x128xf32>
    %max3A_113 = arith.constant 0.000000e+00 : f32
    %max3A_114 = vector.broadcast %max3A_113 : f32 to vector<10000x128xf32>
    %max3A_115 = arith.maximumf %add3A_112, %max3A_114 : vector<10000x128xf32>
    %slice3A = vector.extract_strided_slice %max3A_115 {offsets = [0, 0], sizes = [10000, 64], strides = [1, 1]} : vector<10000x128xf32> to vector<10000x64xf32>
    %convert_element_type3A = arith.truncf %slice3A : vector<10000x64xf32> to vector<10000x64xbf16>
    %bitcast_convert_type3A = tpu.bitcast %convert_element_type3A : vector<10000x64xbf16> -> vector<10000x64xi16>
    %convert_element_type3A_116 = arith.extui %bitcast_convert_type3A : vector<10000x64xi16> to vector<10000x64xi32>
    %slice3A_117 = vector.extract_strided_slice %max3A_115 {offsets = [0, 64], sizes = [10000, 64], strides = [1, 1]} : vector<10000x128xf32> to vector<10000x64xf32>
    %convert_element_type3A_118 = arith.truncf %slice3A_117 : vector<10000x64xf32> to vector<10000x64xbf16>
    %bitcast_convert_type3A_119 = tpu.bitcast %convert_element_type3A_118 : vector<10000x64xbf16> -> vector<10000x64xi16>
    %convert_element_type3A_120 = arith.extui %bitcast_convert_type3A_119 : vector<10000x64xi16> to vector<10000x64xi32>
    %shift_left3A = arith.constant 16 : i32
    %shift_left3A_121 = vector.broadcast %shift_left3A : i32 to vector<10000x64xi32>
    %shift_left3A_122 = arith.shli %convert_element_type3A_120, %shift_left3A_121 : vector<10000x64xi32>
    %or3A = arith.ori %convert_element_type3A_116, %shift_left3A_122 : vector<10000x64xi32>
    %bitcast_convert_type3A_123 = tpu.bitcast %or3A : vector<10000x64xi32> -> vector<10000x64xf32>
    %transpose3A = tpu.transpose %bitcast_convert_type3A_123, [1, 0] : vector<10000x64xf32> -> vector<64x10000xf32>
    %swap3A = arith.constant 0 : index
    %swap3A_124 = arith.constant 0 : index
    %swap3A_125 = vector.load %arg13[%swap3A, %swap3A_124] : memref<64x10000xf32, #tpu.memory_space<vmem>>, vector<64x10000xf32>
    tpu.vector_store %arg13[%swap3A, %swap3A_124], %transpose3A {strides = array<i32>} : memref<64x10000xf32, #tpu.memory_space<vmem>>, vector<64x10000xf32>,
    return
  }
}

module attributes {stable_mosaic.version = 14 : i64} {
  func.func @_out_body(%arg0: memref<64x10000xf32, #tpu.memory_space<vmem>>, %arg1: memref<10000x128xf32, #tpu.memory_space<vmem>>, %arg2: memref<128x128xf32, #tpu.memory_space<vmem>>, %arg3: memref<1x128xf32, #tpu.memory_space<vmem>>, %arg4: memref<1x128xf32, #tpu.memory_space<vmem>>, %arg5: memref<1x128xf32, #tpu.memory_space<vmem>>, %arg6: memref<1x128xf32, #tpu.memory_space<vmem>>, %arg7: memref<10000x128xf32, #tpu.memory_space<vmem>>) attributes {dimension_semantics = [], scalar_prefetch = 0 : i64, scratch_operands = 0 : i64, tpu.core_type = #tpu.core_type<tc>} {
    %get3A = arith.constant 0 : index
    %get3A_0 = arith.constant 0 : index
    %get3A_1 = vector.load %arg0[%get3A, %get3A_0] : memref<64x10000xf32, #tpu.memory_space<vmem>>, vector<64x10000xf32>
    %transpose3A = tpu.transpose %get3A_1, [1, 0] : vector<64x10000xf32> -> vector<10000x64xf32>
    %bitcast_convert_type3A = tpu.bitcast %transpose3A : vector<10000x64xf32> -> vector<10000x64xi32>
    %and3A = arith.constant 65535 : i32
    %and3A_2 = vector.broadcast %and3A : i32 to vector<10000x64xi32>
    %and3A_3 = arith.andi %bitcast_convert_type3A, %and3A_2 : vector<10000x64xi32>
    %convert_element_type3A = arith.trunci %and3A_3 : vector<10000x64xi32> to vector<10000x64xi16>
    %bitcast_convert_type3A_4 = tpu.bitcast %convert_element_type3A : vector<10000x64xi16> -> vector<10000x64xbf16>
    %shift_right_logical3A = arith.constant 16 : i32
    %shift_right_logical3A_5 = vector.broadcast %shift_right_logical3A : i32 to vector<10000x64xi32>
    %shift_right_logical3A_6 = arith.shrui %bitcast_convert_type3A, %shift_right_logical3A_5 : vector<10000x64xi32>
    %convert_element_type3A_7 = arith.trunci %shift_right_logical3A_6 : vector<10000x64xi32> to vector<10000x64xi16>
    %bitcast_convert_type3A_8 = tpu.bitcast %convert_element_type3A_7 : vector<10000x64xi16> -> vector<10000x64xbf16>
    %convert_element_type3A_9 = arith.extf %bitcast_convert_type3A_4 : vector<10000x64xbf16> to vector<10000x64xf32>
    %convert_element_type3A_10 = arith.extf %bitcast_convert_type3A_8 : vector<10000x64xbf16> to vector<10000x64xf32>
    %concatenate3A = tpu.concatenate %convert_element_type3A_9, %convert_element_type3A_10 in 1 : vector<10000x64xf32>, vector<10000x64xf32> -> vector<10000x128xf32>
    %get3A_11 = arith.constant 0 : index
    %get3A_12 = arith.constant 0 : index
    %get3A_13 = vector.load %arg3[%get3A_11, %get3A_12] : memref<1x128xf32, #tpu.memory_space<vmem>>, vector<1x128xf32>
    %get3A_14 = arith.constant 0 : index
    %get3A_15 = arith.constant 0 : index
    %get3A_16 = vector.load %arg4[%get3A_14, %get3A_15] : memref<1x128xf32, #tpu.memory_space<vmem>>, vector<1x128xf32>
    %reduce_sum3A = arith.constant dense<0.000000e+00> : vector<128xf32>
    %reduce_sum3A_17 = vector.multi_reduction <add>, %concatenate3A, %reduce_sum3A [0] : vector<10000x128xf32> to vector<128xf32>
    %broadcast_in_dim3A = vector.shape_cast %reduce_sum3A_17 : vector<128xf32> to vector<1x128xf32>
    %div3A = arith.constant 1.000000e+04 : f32
    %div3A_18 = vector.broadcast %div3A : f32 to vector<1x128xf32>
    %div3A_19 = arith.divf %broadcast_in_dim3A, %div3A_18 : vector<1x128xf32>
    %mul3A = arith.mulf %concatenate3A, %concatenate3A : vector<10000x128xf32>
    %reduce_sum3A_20 = arith.constant dense<0.000000e+00> : vector<128xf32>
    %reduce_sum3A_21 = vector.multi_reduction <add>, %mul3A, %reduce_sum3A_20 [0] : vector<10000x128xf32> to vector<128xf32>
    %broadcast_in_dim3A_22 = vector.shape_cast %reduce_sum3A_21 : vector<128xf32> to vector<1x128xf32>
    %div3A_23 = arith.constant 1.000000e+04 : f32
    %div3A_24 = vector.broadcast %div3A_23 : f32 to vector<1x128xf32>
    %div3A_25 = arith.divf %broadcast_in_dim3A_22, %div3A_24 : vector<1x128xf32>
    %mul3A_26 = arith.mulf %div3A_19, %div3A_19 : vector<1x128xf32>
    %sub3A = arith.subf %div3A_25, %mul3A_26 : vector<1x128xf32>
    %add3A = arith.constant 9.99999974E-6 : f32
    %add3A_27 = vector.broadcast %add3A : f32 to vector<1x128xf32>
    %add3A_28 = arith.addf %sub3A, %add3A_27 : vector<1x128xf32>
    %rsqrt3A = math.rsqrt %add3A_28 : vector<1x128xf32>
    %mul3A_29 = arith.mulf %rsqrt3A, %get3A_13 : vector<1x128xf32>
    %mul3A_30 = arith.mulf %div3A_19, %mul3A_29 : vector<1x128xf32>
    %sub3A_31 = arith.subf %get3A_16, %mul3A_30 : vector<1x128xf32>
    %mul3A_32 = vector.broadcast %mul3A_29 : vector<1x128xf32> to vector<10000x128xf32>
    %mul3A_33 = arith.mulf %concatenate3A, %mul3A_32 : vector<10000x128xf32>
    %add3A_34 = vector.broadcast %sub3A_31 : vector<1x128xf32> to vector<10000x128xf32>
    %add3A_35 = arith.addf %mul3A_33, %add3A_34 : vector<10000x128xf32>
    %max3A = arith.constant 0.000000e+00 : f32
    %max3A_36 = vector.broadcast %max3A : f32 to vector<10000x128xf32>
    %max3A_37 = arith.maximumf %add3A_35, %max3A_36 : vector<10000x128xf32>
    %get3A_38 = arith.constant 0 : index
    %get3A_39 = arith.constant 0 : index
    %get3A_40 = vector.load %arg2[%get3A_38, %get3A_39] : memref<128x128xf32, #tpu.memory_space<vmem>>, vector<128x128xf32>
    %dot_general3A = arith.constant dense<0.000000e+00> : vector<10000x128xf32>
    %dot_general3A_41 = tpu.matmul %max3A_37, %get3A_40, %dot_general3A {dimension_numbers = #tpu.dot_dimension_numbers<[1], [0], [0], [1], [0, 0, 1, 1], [], []>, transpose_lhs_hint = false} : vector<10000x128xf32>, vector<128x128xf32>, vector<10000x128xf32> -> vector<10000x128xf32>
    %reduce_sum3A_42 = arith.constant dense<0.000000e+00> : vector<128xf32>
    %reduce_sum3A_43 = vector.multi_reduction <add>, %dot_general3A_41, %reduce_sum3A_42 [0] : vector<10000x128xf32> to vector<128xf32>
    %broadcast_in_dim3A_44 = vector.shape_cast %reduce_sum3A_43 : vector<128xf32> to vector<1x128xf32>
    %div3A_45 = arith.constant 1.000000e+04 : f32
    %div3A_46 = vector.broadcast %div3A_45 : f32 to vector<1x128xf32>
    %div3A_47 = arith.divf %broadcast_in_dim3A_44, %div3A_46 : vector<1x128xf32>
    %mul3A_48 = arith.mulf %dot_general3A_41, %dot_general3A_41 : vector<10000x128xf32>
    %reduce_sum3A_49 = arith.constant dense<0.000000e+00> : vector<128xf32>
    %reduce_sum3A_50 = vector.multi_reduction <add>, %mul3A_48, %reduce_sum3A_49 [0] : vector<10000x128xf32> to vector<128xf32>
    %broadcast_in_dim3A_51 = vector.shape_cast %reduce_sum3A_50 : vector<128xf32> to vector<1x128xf32>
    %div3A_52 = arith.constant 1.000000e+04 : f32
    %div3A_53 = vector.broadcast %div3A_52 : f32 to vector<1x128xf32>
    %div3A_54 = arith.divf %broadcast_in_dim3A_51, %div3A_53 : vector<1x128xf32>
    %mul3A_55 = arith.mulf %div3A_47, %div3A_47 : vector<1x128xf32>
    %sub3A_56 = arith.subf %div3A_54, %mul3A_55 : vector<1x128xf32>
    %add3A_57 = arith.constant 9.99999974E-6 : f32
    %add3A_58 = vector.broadcast %add3A_57 : f32 to vector<1x128xf32>
    %add3A_59 = arith.addf %sub3A_56, %add3A_58 : vector<1x128xf32>
    %rsqrt3A_60 = math.rsqrt %add3A_59 : vector<1x128xf32>
    %get3A_61 = arith.constant 0 : index
    %get3A_62 = arith.constant 0 : index
    %get3A_63 = vector.load %arg5[%get3A_61, %get3A_62] : memref<1x128xf32, #tpu.memory_space<vmem>>, vector<1x128xf32>
    %mul3A_64 = arith.mulf %rsqrt3A_60, %get3A_63 : vector<1x128xf32>
    %get3A_65 = arith.constant 0 : index
    %get3A_66 = arith.constant 0 : index
    %get3A_67 = vector.load %arg6[%get3A_65, %get3A_66] : memref<1x128xf32, #tpu.memory_space<vmem>>, vector<1x128xf32>
    %mul3A_68 = arith.mulf %div3A_47, %mul3A_64 : vector<1x128xf32>
    %sub3A_69 = arith.subf %get3A_67, %mul3A_68 : vector<1x128xf32>
    %get3A_70 = arith.constant 0 : index
    %get3A_71 = arith.constant 0 : index
    %get3A_72 = vector.load %arg1[%get3A_70, %get3A_71] : memref<10000x128xf32, #tpu.memory_space<vmem>>, vector<10000x128xf32>
    %mul3A_73 = vector.broadcast %mul3A_64 : vector<1x128xf32> to vector<10000x128xf32>
    %mul3A_74 = arith.mulf %dot_general3A_41, %mul3A_73 : vector<10000x128xf32>
    %add3A_75 = arith.addf %get3A_72, %mul3A_74 : vector<10000x128xf32>
    %add3A_76 = vector.broadcast %sub3A_69 : vector<1x128xf32> to vector<10000x128xf32>
    %add3A_77 = arith.addf %add3A_75, %add3A_76 : vector<10000x128xf32>
    %max3A_78 = arith.constant 0.000000e+00 : f32
    %max3A_79 = vector.broadcast %max3A_78 : f32 to vector<10000x128xf32>
    %max3A_80 = arith.maximumf %add3A_77, %max3A_79 : vector<10000x128xf32>
    %swap3A = arith.constant 0 : index
    %swap3A_81 = arith.constant 0 : index
    %swap3A_82 = vector.load %arg7[%swap3A, %swap3A_81] : memref<10000x128xf32, #tpu.memory_space<vmem>>, vector<10000x128xf32>
    tpu.vector_store %arg7[%swap3A, %swap3A_81], %max3A_80 {strides = array<i32>} : memref<10000x128xf32, #tpu.memory_space<vmem>>, vector<10000x128xf32>,
    return
  }
}

</mosaic_0001>

<sc_bundles>
// kernel: kernel.6.cloned.1.call-start
scs
__scs_entry_jumppad:
0x0: {  	(pc) =	sbr.rel $0x88, $3  }
0x1: {  	(tag) =	ssettag $0x0;
	lr =	simm.s32 $0x1  }
0x2: {  	[smem:$0x3F8D] =	sst lr;
	_ =	strace $0xD0000000  }
0x3: {  	_ = 	snop  }
0x4: {  	_ = 	snop  }
0x5: {  	_ = 	snop  }
0x6: {  	_ = 	snop  }
0x7: {  	_ = 	snop  }
__scs_overlays_trampoline_lowered:
0x8: {  	[smem:$0x3F9C] =	sst s0  }
0x9: {  	[smem:$0x3F9D] =	sst s1  }
0xa: {  	[smem:$0x3F9E] =	sst s2  }
0xb: {  	[smem:$0x3F9F] =	sst s3  }
0xc: {  	[smem:$0x3FA0] =	sst s4  }
0xd: {  	[smem:$0x3FA1] =	sst s5  }
0xe: {  	[smem:$0x3FA2] =	sst s6  }
0xf: {  	[smem:$0x3FA3] =	sst s7  }
0x10: {  	[smem:$0x3FA4] =	sst s8  }
0x11: {  	[smem:$0x3FA5] =	sst s9;
	s0 =	simm.s32 @!p0 $0x0  }
0x12: {  	s1 =	sld [smem:$0x3F8B];
	s0 =	simm.s32 @p0 $0x1  }
0x13: {  	[smem:$0x3FA6] =	sst s0;
	s0 =	simm.s32 @!p1 $0x0  }
0x14: {  	s2 =	sld [smem:$0x3F8A];
	s0 =	simm.s32 @p1 $0x1  }
0x15: {  	[smem:$0x3FA7] =	sst s0;
	s0 =	simm.s32 @!p2 $0x0  }
0x16: {  	s3 =	sld [smem:$0x3FDB];
	s0 =	simm.s32 @p2 $0x1  }
0x17: {  	s4 =	simm.s32 $0x1BF5;
	[smem:$0x3FA9] =	sst s0  }
0x18: {  	s0 =	sld [smem:$0x3F8C];
	_ =	swait.ge [sflag:s4], $0x0  }
0x19: {  	s7 =	sld [smem:$0x3F8D]  }
0x1a: {  	s8 =	sadd.s32 $0xFFFFE003, lr  }
0x1b: {  	s9 =	sadd.s32 $0xFFFFFEF7, lr;
	s5 =	simm.s32 $0xFFFFFFFF;
	p2 =	slt.u32 s8, $0xFFFFF086  }
0x1c: {  	p1 =	slt.u32 s9, $0xF7A;
	s5 =	simm.s32 @!p2 $0x0  }
0x1d: {  	s5 =	simm.s32 @p1 $0x1;
	p0 =	seq.s32 s7, s2  }
0x1e: {  	s7 =	smul.u32 @!p0 $0xF7A, s2;
	p2 =	seq.s32 @!p0 s5, $0x0  }
0x1f: {  	s9 =	smul.u32 $0xF7A, s1;
	s8 =	simm.s32 @!p0 $0x1BF5;
	p2 =	por !p2, p0  }
0x20: {  	[sflag:s8] =	ssyncset.s32 @!p0 $0xFFFFF086;
	s6 =	sadd.s32 @!p0 s3, s7;
	s7 =	simm.s32 @!p0 $0x108  }
0x21: {  	s3 =	sadd.s32 s3, s9;
	s6 =	sadd.s32 @!p0 $0x88, s6;
	s7 =	simm.s32 @p2 $0x1082  }
0x22: {  	[simem:s7], [sflag:s8] =	dma.local @!p0 [hbm:s6], $0xF7A  }
0x23: {  	s9 =	sor.u32 $0xD0000000, s2;
	s6 =	simm.s32 $0x108;
	_ =	swait.ge @!p0 [sflag:s8], $0x0  }
0x24: {  	s3 =	sadd.s32 $0x88, s3;
	s6 =	simm.s32 @!p1 $0x1082;
	[sflag:s4] =	ssyncset.s32 $0xFFFFF086  }
0x25: {  	[simem:s6], [sflag:s4] =	dma.local [hbm:s3], $0xF7A  }
0x26: {  	[smem:$0x3F8D] =	sst s1;
	(tag) =	ssettag s2;
	_ =	strace s9  }
0x27: {  	s1 =	sld [smem:$0x3F9D]  }
0x28: {  	s2 =	sld [smem:$0x3F9E]  }
0x29: {  	s4 =	sld [smem:$0x3FA0]  }
0x2a: {  	p0 =	seq.s32 s5, $0x0;
	s5 =	sld [smem:$0x3FA1]  }
0x2b: {  	s6 =	sld [smem:$0x3FA2]  }
0x2c: {  	s7 =	sld [smem:$0x3FA3]  }
0x2d: {  	s3 =	simm.s32 $0x108;
	s8 =	sld [smem:$0x3FA4]  }
0x2e: {  	s3 =	simm.s32 @!p0 $0x1082;
	s9 =	sld [smem:$0x3FA5]  }
0x2f: {  	lr =	sadd.s32 s0, s3;
	s0 =	sld [smem:$0x3F9C]  }
0x30: {  	s3 =	sld [smem:$0x3F9F]  }
0x31: {  	[smem:$0x3FA8] =	sst s10  }
0x32: {  	s10 =	sld [smem:$0x3FA6];
	_ =	sdelay $0x3  }
0x33: {  	p0 =	seq.s32 s10, $0x1;
	s10 =	sld [smem:$0x3FA8];
	_ =	sdelay $0x3  }
0x34: {  	[smem:$0x3FA8] =	sst s10  }
0x35: {  	s10 =	sld [smem:$0x3FA7];
	_ =	sdelay $0x3  }
0x36: {  	p1 =	seq.s32 s10, $0x1;
	s10 =	sld [smem:$0x3FA8];
	_ =	sdelay $0x3  }
0x37: {  	[smem:$0x3FA8] =	sst s10  }
0x38: {  	s10 =	sld [smem:$0x3FA9]  }
0x39: {  	_ = 	snop;
	(pc) =	sbr.ind lr, $3  }
0x3a: {  	_ = 	snop  }
0x3b: {  	_ = 	snop  }
0x3c: {  	p2 =	seq.s32 s10, $0x1;
	s10 =	sld [smem:$0x3FA8]  }
0x3d: {  	_ =	shalt  }
0x3e: {  	_ =	shalt  }
0x3f: {  	_ =	shalt  }
0x40: {  	_ =	shalt  }
0x41: {  	_ =	shalt  }
0x42: {  	_ =	shalt  }
0x43: {  	_ =	shalt  }
0x44: {  	_ =	shalt  }
0x45: {  	_ =	shalt  }
0x46: {  	_ =	shalt  }
0x47: {  	_ =	shalt  }
0x48: {  	_ =	shalt  }
0x49: {  	_ =	shalt  }
0x4a: {  	_ =	shalt  }
0x4b: {  	_ =	shalt  }
0x4c: {  	_ =	shalt  }
0x4d: {  	_ =	shalt  }
0x4e: {  	_ =	shalt  }
0x4f: {  	_ =	shalt  }
0x50: {  	_ =	shalt  }
0x51: {  	_ =	shalt  }
0x52: {  	_ =	shalt  }
0x53: {  	_ =	shalt  }
0x54: {  	_ =	shalt  }
0x55: {  	_ =	shalt  }
0x56: {  	_ =	shalt  }
0x57: {  	_ =	shalt  }
0x58: {  	_ =	shalt  }
0x59: {  	_ =	shalt  }
0x5a: {  	_ =	shalt  }
0x5b: {  	_ =	shalt  }
0x5c: {  	_ =	shalt  }
0x5d: {  	_ =	shalt  }
0x5e: {  	_ =	shalt  }
0x5f: {  	_ =	shalt  }
0x60: {  	_ =	shalt  }
0x61: {  	_ =	shalt  }
0x62: {  	_ =	shalt  }
0x63: {  	_ =	shalt  }
0x64: {  	_ =	shalt  }
0x65: {  	_ =	shalt  }
0x66: {  	_ =	shalt  }
0x67: {  	_ =	shalt  }
0x68: {  	_ =	shalt  }
0x69: {  	_ =	shalt  }
0x6a: {  	_ =	shalt  }
0x6b: {  	_ =	shalt  }
0x6c: {  	_ =	shalt  }
0x6d: {  	_ =	shalt  }
0x6e: {  	_ =	shalt  }
0x6f: {  	_ =	shalt  }
0x70: {  	_ =	shalt  }
0x71: {  	_ =	shalt  }
0x72: {  	_ =	shalt  }
0x73: {  	_ =	shalt  }
0x74: {  	_ =	shalt  }
0x75: {  	_ =	shalt  }
0x76: {  	_ =	shalt  }
0x77: {  	_ =	shalt  }
0x78: {  	_ =	shalt  }
0x79: {  	_ =	shalt  }
0x7a: {  	_ =	shalt  }
0x7b: {  	_ =	shalt  }
0x7c: {  	_ =	shalt  }
0x7d: {  	_ =	shalt  }
0x7e: {  	_ =	shalt  }
0x7f: {  	_ =	shalt  }
0x80: {  	_ =	shalt  }
0x81: {  	_ =	shalt  }
0x82: {  	_ =	shalt  }
0x83: {  	_ =	shalt  }
0x84: {  	_ =	shalt  }
0x85: {  	_ =	shalt  }
0x86: {  	_ =	shalt  }
0x87: {  	_ =	shalt  }
.Lfunc_end0:
.L_simem_size_0:
called_computation_lowered:
.L_overlay_start_0:
0x88: {  	s2 =	sld [smem:$0x3FD9]  }
0x89: {  	s3 =	sld [smem:$0x3FFE];
	_ =	sdelay $0x1  }
0x8a: {  	s1 =	srdreg.scid  }
0x8b: {  	s0 =	sand.u32 $0x1, s1  }
0x8c: {  	s14 =	sshll.u32 s0, $0xA;
	s2 =	sadd.s32 s3, s2  }
0x8d: {  	s2 =	sadd.s32 s2, s14  }
0x8e: {  	[smem:$0x3FB4] =	sst s2  }
0x8f: {  	_ = 	snop  }
0x90: {  	s2 =	sld [smem:$0x3FD0];
	_ =	sdelay $0x2  }
0x91: {  	s15 =	simm.s32 $0xA;
	s4 =	simm.s32 $0x10  }
0x92: {  	[smem:s4], [sflag:s15] =	dma.local [hbm:s2], $0x1  }
0x93: {  	_ =	swait.eq [sflag:s15], $0x1  }
0x94: {  	[sflag:s15] =	ssyncset.done $0x0  }
0x95: {  	[sflag:s15] =	ssyncadd.s32 $0xFFFFFFFF  }
0x96: {  	s16 =	sld [smem:$0x11];
	(tm) =	ssettm $0x1  }
0x97: {  	s17 =	sld [smem:$0x3FFB];
	_ =	sdelay $0x3  }
0x98: {  	_ =	strace s17  }
0x99: {  	s3 =	sld [smem:$0x3FFC];
	_ =	sdelay $0x3  }
0x9a: {  	_ =	strace s3  }
0x9b: {  	s3 =	sld [smem:$0x3FFD];
	_ =	sdelay $0x3  }
0x9c: {  	_ =	strace s3  }
0x9d: {  	_ =	strace $0x8FFFFFFF  }
0x9e: {  	s18 =	sld [smem:$0x3FDB];
	_ =	sdelay $0x1  }
0x9f: {  	s19 =	simm.s32 $_scs_section_size  }
0xa0: {  	s5 =	simm.s32 $_size__tile_overlayer_lowered;
	s6 =	simm.s32 $_tile_overlayer_lowered  }
0xa1: {  	s22 =	simm.s32 $0x1BFF;
	s21 =	sshll.u32 s6, $0x1;
	s3 =	sadd.s32 s19, s18  }
0xa2: {  	s7 =	simm.s32 $0x0;
	s20 =	sshll.u32 s5, $0x1;
	s5 =	sadd.s32 s21, s3  }
0xa3: {  	[timem:s7], [sflag:s22] =	dma.local [hbm:s5], s20  }
0xa4: {  	_ =	swait.ge [sflag:s22], s20  }
0xa5: {  	s4 =	ssub.s32 $0x0, s20;
	[sflag:s22] =	ssyncset.done $0x0  }
0xa6: {  	[sflag:s22] =	ssyncadd.s32 s4;
	_ =	sdelay $0x1  }
0xa7: {  	s23 =	simm.s32 $0x1B8B  }
0xa8: {  	_ =	swait.ge [sflag:s23], $0x1  }
0xa9: {  	[sflag:s23] =	ssyncset.done $0x0  }
0xaa: {  	s25 =	simm.s32 $0x1B8E;
	s24 =	sld [smem:$0x3FFE];
	[sflag:s23] =	ssyncadd.s32 $0xFFFFFFFF  }
0xab: {  	s26 =	simm.s32 $execute0_lowered;
	[smem:$0x3FD2] =	sst s25  }
0xac: {  	s5 =	sshll.u32 s26, $0x1;
	_ =	strace $0x80000046;
	[dreg:$0x1] =	wrdreg $0xFFFFFFFF  }
0xad: {  	s28 =	simm.s32 $_size_execute0_lowered;
	s3 =	sadd.s32 s3, s5;
	[dreg:$0x0] =	wrdreg $0x0  }
0xae: {  	s5 =	sshll.u32 s28, $0x1;
	[dreg:$0x2] =	wrdreg s3  }
0xaf: {  	[dreg:$0x3] =	wrdreg s5  }
0xb0: {  	[dreg:$0x4] =	wrdreg $0xC0  }
0xb1: {  	_ =	task [dreg:s7], $0x5FFFF  }
0xb2: {  	[dreg:$0x1] =	wrdreg $0xFFFFFFFF  }
0xb3: {  	[dreg:$0x0] =	wrdreg $0x60  }
0xb4: {  	[dreg:$0x2] =	wrdreg s16  }
0xb5: {  	[dreg:$0x3] =	wrdreg s24  }
0xb6: {  	[dreg:$0x4] =	wrdreg $0x9  }
0xb7: {  	_ =	task.clear_ibuf [dreg:s7], $0x5FFFF;
	_ =	strace $0x90000046  }
0xb8: {  	s29 =	simm.s32 $0x9;
	_ =	strace $0x80000048  }
0xb9: {  	_ =	swait.ge [sflag:s29], $0x1  }
0xba: {  	[sflag:s29] =	ssyncadd.s32 $0xFFFFFFFF  }
0xbb: {  	_ =	strace $0x90000048  }
0xbc: {  	_ =	sfence  }
0xbd: {  	s30 =	sld [smem:$0x0];
	_ =	sdelay $0x2  }
0xbe: {  	s31 =	sshll.u32 s1, $0xD;
	s1 =	sshrl.u32 s1, $0x2  }
0xbf: {  	s3 =	sand.u32 $0x4000, s31;
	s1 =	sadd.s32 s1, s30  }
0xc0: {  	s0 =	sor.u32 s3, s0;
	s1 =	sshll.u32 s1, $0x11  }
0xc1: {  	s0 =	sor.u32 s1, s0  }
0xc2: {  	s0 =	sadd.s32 $0x8F2B, s0  }
0xc3: {  	[sflag:s0] =	ssyncadd.remote.s32 $0x1  }
0xc4: {  	_ =	sfence.sel $0xFFFF  }
0xc5: {  	[dreg:$0x0] =	wrdreg $0xFFFFFFFF;
	(pc) =	sbr.abs _section_cstart, $3  }
0xc6: {  	[dreg:$0x1] =	wrdreg $0xFFFFFFFF  }
0xc7: {  	_ =	task.clear_ibuf [dreg:s7], $0x2FFFF;
	_ =	strace $0x9FFFFFFF  }
0xc8: {  	(tm) =	ssettm $0x7FFFFFFF  }
0xc9: {  	_ =	shalt  }
tec
execute0_lowered:
.L_overlay_start_1:
0x0: {  	(tag) =	ssettag $0x1  }
0x1: {  	s3 =	rddreg [dreg:$0x0];
	s1 =	srdreg.scid  }
0x2: {  	s0 =	stileid.u32;
	s6 =	rddreg [dreg:$0x1];
	s8 =	simm.s32 $0x1  }
0x3: {  	s9 =	simm.s32 $0x2780;
	s10 =	simm.s32 $0x0;
	s4 =	sand.u32 $0x1, s1  }
0x4: {  	s29 =	sshrl.u32 s0, $0x2;
	s2 =	sshll.u32 s0, $0x8;
	s1 =	rddreg [dreg:$0x2]  }
0x5: {  	s5 =	smul.u32 $0x13C00, s29;
	s30 =	sshll.u32 s4, $0x7;
	s2 =	sand.u32 $0x300, s2  }
0x6: {  	s4 =	ssub.s32 $0x2, s4;
	s7 =	sor.u32 s30, s2;
	s2 =	simm.s32 $0x0  }
0x7: {  	s31 =	sshrl.u32 s4, $0x1;
	s5 =	sor.u32 s5, s7;
	[smem:$0x7FF] =	sst s2  }
0x8: {  	s7 =	ssub.s32 s4, s31;
	s5 =	sshrl.u32 s5, $0x3;
	_ =	strace $0x80000047  }
0x9: {  	s6 =	sadd.s32 s5, s6;
	s3 =	sadd.s32 s3, s5;
	s5 =	smax.u32 s7, $0x1  }
0xa: {  	v0 =	vimm.f32 $0.0e+00;
	v1 =	vimm.f32 $1.000000000e+00;
	s7 =	simm.s32 $0x400;
	s4 =	sadd.s32 $0x3C00, s6;
	s6 =	simm.s32 $0x80  }
.LBB2_1:
0xb: {  	[tilespmem:s2], [sflag:$0x1] =	stream.strided.gather [hbm4b:s3+s6], $0x2780, s7, s6, $0x38;
	[tilespmem:$0x4F00] =	vst v63  }
0xc: {  	_ =	swait.ge [sflag:s8], $0x2780  }
0xd: {  	[sflag:s8] =	ssyncset.done $0x0  }
0xe: {  	s11 =	simm.s32 $0x0;
	[sflag:s8] =	ssyncadd.s32 $0xFFFFD880  }
.LBB2_2:
0xf: {  	p0 =	sne.s32 s11, $0x9C00  }
.Ltmp0:
0x10: {  	_ = 	snop;
	(pc) =	sbr.rel @p0 .LBB2_2-.Ltmp0, $3  }
0x11: {  	_ =	sdelay $0x1  }
0x12: {  	s12 =	sshra.s32 s11, $0x2  }
0x13: {  	s11 =	sadd.s32 $0x40, s11;
	[tilespmem:s12+$0x2780] =	vst v0  }
0x14: {  	s12 =	simm.s32 $0x0;
	s11 =	simm.s32 $0x40  }
.LBB2_4:
0x15: {  	p0 =	sne.s32 s11, $0x9C00;
	v2 =	vld [tilespmem:s12+$0x0];
	_ =	sdelay $0x3  }
.Ltmp1:
0x16: {  	(pc) =	sbr.rel @p0 .LBB2_4-.Ltmp1, $2  }
0x17: {  	_ =	sdelay $0x2  }
0x18: {  	s12 =	sshra.s32 s11, $0x2;
	s11 =	sadd.s32 $0x40, s11;
	[tilespmem:v2+s9+$0x0] =	vst.idx.add.f32.msk $0xffff, v1  }
0x19: {  	v2 =	vld [tilespmem:s12+$0x0];
	_ =	sdelay $0x5  }
0x1a: {  	s10 =	sadd.s32 $0x1, s10  }
0x1b: {  	p0 =	sne.s32 s10, s5  }
.Ltmp2:
0x1c: {  	[tilespmem:v2+s9+$0x0] =	vst.idx.add.f32.msk $0xffff, v1;
	(pc) =	sbr.rel @p0 .LBB2_1-.Ltmp2, $4  }
0x1d: {  	[hbm4b:s4+s6] =	stream.strided.scatter [tilespmem:s9], [sflag:$0x1], $0x2780, s7, s6, $0x38;
	[tilespmem:$0x4F00] =	vst v63  }
0x1e: {  	_ =	swait.ge [sflag:s8], $0x2780  }
0x1f: {  	[sflag:s8] =	ssyncset.done $0x0  }
0x20: {  	[sflag:s8] =	ssyncadd.s32 $0xFFFFD880  }
0x21: {  	_ =	sfence.sel $0x180000  }
0x22: {  	[bflag:$0x0] =	sbarrier.arrive $0xFFFF  }
0x23: {  	p0 =	sne.s32 s0, $0x0;
	_ =	strace $0x90000047  }
0x24: {  	s0 =	sadd.s32 @!p0 $0x100000, s1;
	[bflag:$0x2] =	sbarrier.arrive $0xFFFF  }
0x25: {  	[sflag:s0] =	ssyncadd.tile.s32 @!p0 $0x1;
	_ =	shalt  }
.Lfunc_end2:
_tile_overlayer_lowered:
.L_overlay_start_2:
0x26: {  	(tag) =	ssettag $0x2  }
0x27: {  	s0 =	rddreg [dreg:$0x0];
	s2 =	stileid.u32  }
0x28: {  	s1 =	rddreg [dreg:$0x1];
	p0 =	sne.s32 s2, $0x0  }
0x29: {  	s3 =	rddreg [dreg:$0x2];
	[bflag:$0x3] =	sbarrier.arrive $0xFFFF;
	s2 =	simm.s32 @!p0 $0x1C01  }
0x2a: {  	[timem:s3], [sflag:s2] =	dma.local @!p0 [hbm:s0], s1  }
0x2b: {  	s0 =	simm.s32 @!p0 $0x1  }
0x2c: {  	_ =	swait.ge @!p0 [sflag:s0], s1  }
0x2d: {  	s1 =	ssub.s32 @!p0 $0x0, s1;
	[sflag:s0] =	ssyncset.done @!p0 $0x0  }
0x2e: {  	[sflag:s0] =	ssyncadd.s32 @!p0 s1  }
0x2f: {  	[bflag:$0x3] =	sbarrier.arrive $0xFFFF  }
0x30: {  	_ =	shalt  }

// kernel: kernel.9.cloned.1.call-start
scs
__scs_entry_jumppad:
0x0: {  	(pc) =	sbr.rel $0x88, $3  }
0x1: {  	(tag) =	ssettag $0x0;
	lr =	simm.s32 $0x1  }
0x2: {  	[smem:$0x3F8D] =	sst lr;
	_ =	strace $0xD0000000  }
0x3: {  	_ = 	snop  }
0x4: {  	_ = 	snop  }
0x5: {  	_ = 	snop  }
0x6: {  	_ = 	snop  }
0x7: {  	_ = 	snop  }
__scs_overlays_trampoline_lowered:
0x8: {  	[smem:$0x3F9C] =	sst s0  }
0x9: {  	[smem:$0x3F9D] =	sst s1  }
0xa: {  	[smem:$0x3F9E] =	sst s2  }
0xb: {  	[smem:$0x3F9F] =	sst s3  }
0xc: {  	[smem:$0x3FA0] =	sst s4  }
0xd: {  	[smem:$0x3FA1] =	sst s5  }
0xe: {  	[smem:$0x3FA2] =	sst s6  }
0xf: {  	[smem:$0x3FA3] =	sst s7  }
0x10: {  	[smem:$0x3FA4] =	sst s8  }
0x11: {  	[smem:$0x3FA5] =	sst s9;
	s0 =	simm.s32 @!p0 $0x0  }
0x12: {  	s1 =	sld [smem:$0x3F8B];
	s0 =	simm.s32 @p0 $0x1  }
0x13: {  	[smem:$0x3FA6] =	sst s0;
	s0 =	simm.s32 @!p1 $0x0  }
0x14: {  	s2 =	sld [smem:$0x3F8A];
	s0 =	simm.s32 @p1 $0x1  }
0x15: {  	[smem:$0x3FA7] =	sst s0;
	s0 =	simm.s32 @!p2 $0x0  }
0x16: {  	s3 =	sld [smem:$0x3FDB];
	s0 =	simm.s32 @p2 $0x1  }
0x17: {  	s4 =	simm.s32 $0x1BF5;
	[smem:$0x3FA9] =	sst s0  }
0x18: {  	s0 =	sld [smem:$0x3F8C];
	_ =	swait.ge [sflag:s4], $0x0  }
0x19: {  	s7 =	sld [smem:$0x3F8D]  }
0x1a: {  	s8 =	sadd.s32 $0xFFFFE003, lr  }
0x1b: {  	s9 =	sadd.s32 $0xFFFFFEF7, lr;
	s5 =	simm.s32 $0xFFFFFFFF;
	p2 =	slt.u32 s8, $0xFFFFF086  }
0x1c: {  	p1 =	slt.u32 s9, $0xF7A;
	s5 =	simm.s32 @!p2 $0x0  }
0x1d: {  	s5 =	simm.s32 @p1 $0x1;
	p0 =	seq.s32 s7, s2  }
0x1e: {  	s7 =	smul.u32 @!p0 $0xF7A, s2;
	p2 =	seq.s32 @!p0 s5, $0x0  }
0x1f: {  	s9 =	smul.u32 $0xF7A, s1;
	s8 =	simm.s32 @!p0 $0x1BF5;
	p2 =	por !p2, p0  }
0x20: {  	[sflag:s8] =	ssyncset.s32 @!p0 $0xFFFFF086;
	s6 =	sadd.s32 @!p0 s3, s7;
	s7 =	simm.s32 @!p0 $0x108  }
0x21: {  	s3 =	sadd.s32 s3, s9;
	s6 =	sadd.s32 @!p0 $0x88, s6;
	s7 =	simm.s32 @p2 $0x1082  }
0x22: {  	[simem:s7], [sflag:s8] =	dma.local @!p0 [hbm:s6], $0xF7A  }
0x23: {  	s9 =	sor.u32 $0xD0000000, s2;
	s6 =	simm.s32 $0x108;
	_ =	swait.ge @!p0 [sflag:s8], $0x0  }
0x24: {  	s3 =	sadd.s32 $0x88, s3;
	s6 =	simm.s32 @!p1 $0x1082;
	[sflag:s4] =	ssyncset.s32 $0xFFFFF086  }
0x25: {  	[simem:s6], [sflag:s4] =	dma.local [hbm:s3], $0xF7A  }
0x26: {  	[smem:$0x3F8D] =	sst s1;
	(tag) =	ssettag s2;
	_ =	strace s9  }
0x27: {  	s1 =	sld [smem:$0x3F9D]  }
0x28: {  	s2 =	sld [smem:$0x3F9E]  }
0x29: {  	s4 =	sld [smem:$0x3FA0]  }
0x2a: {  	p0 =	seq.s32 s5, $0x0;
	s5 =	sld [smem:$0x3FA1]  }
0x2b: {  	s6 =	sld [smem:$0x3FA2]  }
0x2c: {  	s7 =	sld [smem:$0x3FA3]  }
0x2d: {  	s3 =	simm.s32 $0x108;
	s8 =	sld [smem:$0x3FA4]  }
0x2e: {  	s3 =	simm.s32 @!p0 $0x1082;
	s9 =	sld [smem:$0x3FA5]  }
0x2f: {  	lr =	sadd.s32 s0, s3;
	s0 =	sld [smem:$0x3F9C]  }
0x30: {  	s3 =	sld [smem:$0x3F9F]  }
0x31: {  	[smem:$0x3FA8] =	sst s10  }
0x32: {  	s10 =	sld [smem:$0x3FA6];
	_ =	sdelay $0x3  }
0x33: {  	p0 =	seq.s32 s10, $0x1;
	s10 =	sld [smem:$0x3FA8];
	_ =	sdelay $0x3  }
0x34: {  	[smem:$0x3FA8] =	sst s10  }
0x35: {  	s10 =	sld [smem:$0x3FA7];
	_ =	sdelay $0x3  }
0x36: {  	p1 =	seq.s32 s10, $0x1;
	s10 =	sld [smem:$0x3FA8];
	_ =	sdelay $0x3  }
0x37: {  	[smem:$0x3FA8] =	sst s10  }
0x38: {  	s10 =	sld [smem:$0x3FA9]  }
0x39: {  	_ = 	snop;
	(pc) =	sbr.ind lr, $3  }
0x3a: {  	_ = 	snop  }
0x3b: {  	_ = 	snop  }
0x3c: {  	p2 =	seq.s32 s10, $0x1;
	s10 =	sld [smem:$0x3FA8]  }
0x3d: {  	_ =	shalt  }
0x3e: {  	_ =	shalt  }
0x3f: {  	_ =	shalt  }
0x40: {  	_ =	shalt  }
0x41: {  	_ =	shalt  }
0x42: {  	_ =	shalt  }
0x43: {  	_ =	shalt  }
0x44: {  	_ =	shalt  }
0x45: {  	_ =	shalt  }
0x46: {  	_ =	shalt  }
0x47: {  	_ =	shalt  }
0x48: {  	_ =	shalt  }
0x49: {  	_ =	shalt  }
0x4a: {  	_ =	shalt  }
0x4b: {  	_ =	shalt  }
0x4c: {  	_ =	shalt  }
0x4d: {  	_ =	shalt  }
0x4e: {  	_ =	shalt  }
0x4f: {  	_ =	shalt  }
0x50: {  	_ =	shalt  }
0x51: {  	_ =	shalt  }
0x52: {  	_ =	shalt  }
0x53: {  	_ =	shalt  }
0x54: {  	_ =	shalt  }
0x55: {  	_ =	shalt  }
0x56: {  	_ =	shalt  }
0x57: {  	_ =	shalt  }
0x58: {  	_ =	shalt  }
0x59: {  	_ =	shalt  }
0x5a: {  	_ =	shalt  }
0x5b: {  	_ =	shalt  }
0x5c: {  	_ =	shalt  }
0x5d: {  	_ =	shalt  }
0x5e: {  	_ =	shalt  }
0x5f: {  	_ =	shalt  }
0x60: {  	_ =	shalt  }
0x61: {  	_ =	shalt  }
0x62: {  	_ =	shalt  }
0x63: {  	_ =	shalt  }
0x64: {  	_ =	shalt  }
0x65: {  	_ =	shalt  }
0x66: {  	_ =	shalt  }
0x67: {  	_ =	shalt  }
0x68: {  	_ =	shalt  }
0x69: {  	_ =	shalt  }
0x6a: {  	_ =	shalt  }
0x6b: {  	_ =	shalt  }
0x6c: {  	_ =	shalt  }
0x6d: {  	_ =	shalt  }
0x6e: {  	_ =	shalt  }
0x6f: {  	_ =	shalt  }
0x70: {  	_ =	shalt  }
0x71: {  	_ =	shalt  }
0x72: {  	_ =	shalt  }
0x73: {  	_ =	shalt  }
0x74: {  	_ =	shalt  }
0x75: {  	_ =	shalt  }
0x76: {  	_ =	shalt  }
0x77: {  	_ =	shalt  }
0x78: {  	_ =	shalt  }
0x79: {  	_ =	shalt  }
0x7a: {  	_ =	shalt  }
0x7b: {  	_ =	shalt  }
0x7c: {  	_ =	shalt  }
0x7d: {  	_ =	shalt  }
0x7e: {  	_ =	shalt  }
0x7f: {  	_ =	shalt  }
0x80: {  	_ =	shalt  }
0x81: {  	_ =	shalt  }
0x82: {  	_ =	shalt  }
0x83: {  	_ =	shalt  }
0x84: {  	_ =	shalt  }
0x85: {  	_ =	shalt  }
0x86: {  	_ =	shalt  }
0x87: {  	_ =	shalt  }
.Lfunc_end0:
.L_simem_size_0:
called_computation.1_lowered:
.L_overlay_start_0:
0x88: {  	s2 =	sld [smem:$0x3FD9]  }
0x89: {  	s3 =	sld [smem:$0x3FFE];
	_ =	sdelay $0x1  }
0x8a: {  	s1 =	srdreg.scid  }
0x8b: {  	s0 =	sand.u32 $0x1, s1  }
0x8c: {  	s14 =	sshll.u32 s0, $0xA;
	s2 =	sadd.s32 s3, s2  }
0x8d: {  	s2 =	sadd.s32 s2, s14  }
0x8e: {  	[smem:$0x3FB4] =	sst s2  }
0x8f: {  	_ = 	snop  }
0x90: {  	s2 =	sld [smem:$0x3FD0];
	_ =	sdelay $0x2  }
0x91: {  	s15 =	simm.s32 $0xA;
	s4 =	simm.s32 $0x10  }
0x92: {  	[smem:s4], [sflag:s15] =	dma.local [hbm:s2], $0x1  }
0x93: {  	_ =	swait.eq [sflag:s15], $0x1  }
0x94: {  	[sflag:s15] =	ssyncset.done $0x0  }
0x95: {  	[sflag:s15] =	ssyncadd.s32 $0xFFFFFFFF  }
0x96: {  	s16 =	sld [smem:$0x11];
	(tm) =	ssettm $0x1  }
0x97: {  	s17 =	sld [smem:$0x3FFB];
	_ =	sdelay $0x3  }
0x98: {  	_ =	strace s17  }
0x99: {  	s3 =	sld [smem:$0x3FFC];
	_ =	sdelay $0x3  }
0x9a: {  	_ =	strace s3  }
0x9b: {  	s3 =	sld [smem:$0x3FFD];
	_ =	sdelay $0x3  }
0x9c: {  	_ =	strace s3  }
0x9d: {  	_ =	strace $0x8FFFFFFF  }
0x9e: {  	s18 =	sld [smem:$0x3FDB];
	_ =	sdelay $0x1  }
0x9f: {  	s19 =	simm.s32 $_scs_section_size  }
0xa0: {  	s5 =	simm.s32 $_size__tile_overlayer_lowered;
	s6 =	simm.s32 $_tile_overlayer_lowered  }
0xa1: {  	s22 =	simm.s32 $0x1BFF;
	s21 =	sshll.u32 s6, $0x1;
	s3 =	sadd.s32 s19, s18  }
0xa2: {  	s7 =	simm.s32 $0x0;
	s20 =	sshll.u32 s5, $0x1;
	s5 =	sadd.s32 s21, s3  }
0xa3: {  	[timem:s7], [sflag:s22] =	dma.local [hbm:s5], s20  }
0xa4: {  	_ =	swait.ge [sflag:s22], s20  }
0xa5: {  	s4 =	ssub.s32 $0x0, s20;
	[sflag:s22] =	ssyncset.done $0x0  }
0xa6: {  	[sflag:s22] =	ssyncadd.s32 s4;
	_ =	sdelay $0x1  }
0xa7: {  	s23 =	simm.s32 $0x1B8B  }
0xa8: {  	_ =	swait.ge [sflag:s23], $0x1  }
0xa9: {  	[sflag:s23] =	ssyncset.done $0x0  }
0xaa: {  	s25 =	simm.s32 $0x1B8E;
	s24 =	sld [smem:$0x3FFE];
	[sflag:s23] =	ssyncadd.s32 $0xFFFFFFFF  }
0xab: {  	s26 =	simm.s32 $execute0_lowered;
	[smem:$0x3FD2] =	sst s25  }
0xac: {  	s5 =	sshll.u32 s26, $0x1;
	_ =	strace $0x80000049;
	[dreg:$0x1] =	wrdreg $0xFFFFFFFF  }
0xad: {  	s28 =	simm.s32 $_size_execute0_lowered;
	s3 =	sadd.s32 s3, s5;
	[dreg:$0x0] =	wrdreg $0x0  }
0xae: {  	s5 =	sshll.u32 s28, $0x1;
	[dreg:$0x2] =	wrdreg s3  }
0xaf: {  	[dreg:$0x3] =	wrdreg s5  }
0xb0: {  	[dreg:$0x4] =	wrdreg $0xC0  }
0xb1: {  	_ =	task [dreg:s7], $0x5FFFF  }
0xb2: {  	[dreg:$0x1] =	wrdreg $0xFFFFFFFF  }
0xb3: {  	[dreg:$0x0] =	wrdreg $0x60  }
0xb4: {  	[dreg:$0x2] =	wrdreg s16  }
0xb5: {  	[dreg:$0x3] =	wrdreg s24  }
0xb6: {  	[dreg:$0x4] =	wrdreg $0x9  }
0xb7: {  	_ =	task.clear_ibuf [dreg:s7], $0x5FFFF;
	_ =	strace $0x90000049  }
0xb8: {  	s29 =	simm.s32 $0x9;
	_ =	strace $0x8000004B  }
0xb9: {  	_ =	swait.ge [sflag:s29], $0x1  }
0xba: {  	[sflag:s29] =	ssyncadd.s32 $0xFFFFFFFF  }
0xbb: {  	_ =	strace $0x9000004B  }
0xbc: {  	_ =	sfence  }
0xbd: {  	s30 =	sld [smem:$0x0];
	_ =	sdelay $0x2  }
0xbe: {  	s31 =	sshll.u32 s1, $0xD;
	s1 =	sshrl.u32 s1, $0x2  }
0xbf: {  	s3 =	sand.u32 $0x4000, s31;
	s1 =	sadd.s32 s1, s30  }
0xc0: {  	s0 =	sor.u32 s3, s0;
	s1 =	sshll.u32 s1, $0x11  }
0xc1: {  	s0 =	sor.u32 s1, s0  }
0xc2: {  	s0 =	sadd.s32 $0x8F2B, s0  }
0xc3: {  	[sflag:s0] =	ssyncadd.remote.s32 $0x1  }
0xc4: {  	_ =	sfence.sel $0xFFFF  }
0xc5: {  	[dreg:$0x0] =	wrdreg $0xFFFFFFFF;
	(pc) =	sbr.abs _section_cstart, $3  }
0xc6: {  	[dreg:$0x1] =	wrdreg $0xFFFFFFFF  }
0xc7: {  	_ =	task.clear_ibuf [dreg:s7], $0x2FFFF;
	_ =	strace $0x9FFFFFFF  }
0xc8: {  	(tm) =	ssettm $0x7FFFFFFF  }
0xc9: {  	_ =	shalt  }
tec
execute0_lowered:
.L_overlay_start_1:
0x0: {  	(tag) =	ssettag $0x1  }
0x1: {  	s4 =	rddreg [dreg:$0x0]  }
0x2: {  	s5 =	rddreg [dreg:$0x1]  }
0x3: {  	s0 =	rddreg [dreg:$0x2];
	s2 =	simm.s32 $0x0;
	s3 =	srdreg.scid  }
0x4: {  	s1 =	stileid.u32;
	s10 =	simm.s32 $0x3;
	s11 =	simm.s32 $0x4F00  }
0x5: {  	s12 =	simm.s32 $0x1;
	s13 =	simm.s32 $0x6F00;
	s14 =	simm.s32 $0x2  }
0x6: {  	s15 =	simm.s32 $0x8F00;
	s16 =	simm.s32 $0x0;
	s3 =	sand.u32 $0x1, s3  }
0x7: {  	s6 =	sshll.u32 s1, $0x9;
	s7 =	sshrl.u32 s1, $0x1;
	[smem:$0x7FF] =	sst s2  }
0x8: {  	s8 =	sshll.u32 s3, $0x8;
	s7 =	smul.u32 $0x13C00, s7;
	s6 =	sand.u32 $0x200, s6  }
0x9: {  	_ =	strace $0x8000004A;
	s30 =	ssub.s32 $0x2, s3;
	s6 =	sor.u32 s8, s6  }
0xa: {  	s3 =	sadd.s32 $0xDA00, s5;
	s31 =	sshrl.u32 s30, $0x1;
	s6 =	sor.u32 s7, s6  }
0xb: {  	s8 =	simm.s32 $0x100;
	s7 =	ssub.s32 s30, s31;
	s6 =	sshrl.u32 s6, $0x3  }
0xc: {  	s7 =	smax.u32 s7, $0x1;
	s9 =	sadd.s32 s6, s5;
	s4 =	sadd.s32 s4, s6  }
0xd: {  	s5 =	sadd.s32 $0xE200, s5;
	s6 =	sadd.s32 $0x13E00, s9;
	s9 =	simm.s32 $0x400  }
.LBB2_1:
0xe: {  	[tilespmem:s2], [sflag:$0x3] =	stream.strided.gather [hbm4b:s4+s8], $0x4F00, s9, s8, $0x38;
	[tilespmem:$0xDE00] =	vst v63  }
0xf: {  	s17 =	simm.s32 $0x320;
	_ =	swait.ge [sflag:s10], $0x4F00  }
0x10: {  	s18 =	simm.s32 $0x190;
	s19 =	simm.s32 $0x0;
	[sflag:s10] =	ssyncset.done $0x0  }
0x11: {  	s20 =	simm.s32 $0x0;
	s21 =	simm.s32 $0x0;
	[sflag:s10] =	ssyncadd.s32 $0xFFFFB100  }
0x12: {  	[tilespmem:s11], [sflag:$0x1] =	stream.linear.gather [hbm4b:s3+s2], $0x2000, $0x38;
	[tilespmem:$0xDE00] =	vst v63  }
.LBB2_2:
0x13: {  	s22 =	sshll.u32 s21, $0xB;
	_ =	swait.ge [sflag:s12], $0x2000  }
0x14: {  	[sflag:s12] =	ssyncset.done $0x0;
	s23 =	sadd.s32 s22, s3  }
0x15: {  	[sflag:s12] =	ssyncadd.s32 $0xFFFFE000;
	s24 =	sadd.s32 $0x400, s23;
	s23 =	simm.s32 $0x0  }
0x16: {  	[tilespmem:s13], [sflag:$0x2] =	stream.linear.gather [hbm4b:s24+s23], $0x2000, $0x38;
	[tilespmem:$0xDE00] =	vst v63  }
0x17: {  	s25 =	simm.s32 $0x0;
	s24 =	smov.u32 s20  }
.LBB2_3:
0x18: {  	s26 =	sand.u32 $0x70, s25;
	s28 =	sand.u32 $0xC00, s23  }
0x19: {  	s26 =	sor.u32 s26, s28  }
0x1a: {  	v0 =	vld [tilespmem:s26+$0x4F00];
	_ =	sdelay $0x1  }
0x1b: {  	v2 =	vld [tilespmem:s26+$0x4F80]  }
0x1c: {  	v5 =	vld [tilespmem:s26+$0x5000]  }
0x1d: {  	v9 =	vld [tilespmem:s26+$0x5080]  }
0x1e: {  	v13 =	vld [tilespmem:s26+$0x5100];
	v1 =	vshll.u32 v0, $0x1  }
0x1f: {  	v56 =	vld [tilespmem:s26+$0x5180];
	v3 =	vand.u32 $0x7F, v0;
	v4 =	vshrl.u32 v0, $0x10;
	v0 =	vshrl.u32 v0, $0xF  }
0x20: {  	v60 =	vld [tilespmem:s26+$0x5200];
	v52 =	vshll.u32 v2, $0x1;
	v7 =	vand.u32 $0x7F, v2;
	v8 =	vshrl.u32 v2, $0x10  }
0x21: {  	v2 =	vshrl.u32 v2, $0xF;
	v53 =	vshll.u32 v5, $0x1;
	v11 =	vand.u32 $0x7F, v5  }
0x22: {  	v12 =	vshrl.u32 v5, $0x10;
	v5 =	vshrl.u32 v5, $0xF;
	v54 =	vshll.u32 v9, $0x1  }
0x23: {  	v15 =	vand.u32 $0x7F, v9;
	v16 =	vshrl.u32 v9, $0x10;
	v9 =	vshrl.u32 v9, $0xF  }
0x24: {  	v55 =	vshll.u32 v13, $0x1;
	v18 =	vand.u32 $0x7F, v13;
	v19 =	vshrl.u32 v13, $0x10  }
0x25: {  	v13 =	vshrl.u32 v13, $0xF;
	v63 =	vshrl.u32 v56, $0x10;
	v29 =	vshrl.u32 v60, $0x10  }
0x26: {  	s29 =	sor.u32 s23, s25;
	v1 =	vand.u32 $0x1FF00, v1;
	v4 =	vand.u32 $0x7F, v4;
	v0 =	vand.u32 $0x1FF00, v0  }
0x27: {  	s28 =	sor.u32 $0x380, s29;
	v8 =	vand.u32 $0x7F, v8;
	v2 =	vand.u32 $0x1FF00, v2;
	v12 =	vand.u32 $0x7F, v12  }
0x28: {  	v25 =	vld [tilespmem:s28+$0x4F00];
	v5 =	vand.u32 $0x1FF00, v5;
	v16 =	vand.u32 $0x7F, v16;
	v9 =	vand.u32 $0x1FF00, v9  }
0x29: {  	v33 =	vld [tilespmem:s26+$0x5F00];
	v19 =	vand.u32 $0x7F, v19;
	v13 =	vand.u32 $0x1FF00, v13;
	v1 =	vor.u32 v3, v1  }
0x2a: {  	v42 =	vld [tilespmem:s26+$0x5F80];
	v0 =	vor.u32 v4, v0;
	v4 =	vand.u32 $0x1FF00, v52;
	v2 =	vor.u32 v8, v2  }
0x2b: {  	v20 =	vld [tilespmem:s26+$0x6280];
	v5 =	vor.u32 v12, v5;
	v9 =	vor.u32 v16, v9;
	v16 =	vshrl.u32 v56, $0xF  }
0x2c: {  	v58 =	vor.u32 v19, v13;
	v19 =	vand.u32 $0x7F, v63;
	v52 =	vld [tilespmem:s26+$0x6000];
	v16 =	vand.u32 $0x1FF00, v16  }
0x2d: {  	v23 =	vor.u32 v19, v16;
	v19 =	vand.u32 $0x7F, v29;
	v29 =	vld [tilespmem:s26+$0x6100]  }
0x2e: {  	v3 =	vor.u32 $0x80, v1;
	v1 =	vld.idx.msk [tilespmem:v1+s2+$0x0], $0xffff  }
0x2f: {  	v6 =	vor.u32 $0x80, v0;
	v0 =	vld.idx.msk [tilespmem:v0+s2+$0x0], $0xffff  }
0x30: {  	v4 =	vor.u32 v7, v4;
	v10 =	vor.u32 $0x80, v2;
	v2 =	vld.idx.msk [tilespmem:v2+s2+$0x0], $0xffff  }
0x31: {  	v8 =	vand.u32 $0x1FF00, v53;
	v14 =	vor.u32 $0x80, v5;
	v5 =	vld.idx.msk [tilespmem:v5+s2+$0x0], $0xffff  }
0x32: {  	v8 =	vor.u32 v11, v8;
	v57 =	vld.idx.msk [tilespmem:v9+s2+$0x0], $0xffff  }
0x33: {  	v3 =	vld.idx.msk [tilespmem:v3+s2+$0x0], $0xffff  }
0x34: {  	v12 =	vand.u32 $0x1FF00, v54;
	v7 =	vor.u32 $0x80, v4;
	v6 =	vld.idx.msk [tilespmem:v6+s2+$0x0], $0xffff  }
0x35: {  	v59 =	vshll.u32 v56, $0x1;
	v62 =	vand.u32 $0x7F, v56;
	v12 =	vor.u32 v15, v12;
	v4 =	vld.idx.msk [tilespmem:v4+s2+$0x0], $0xffff  }
0x36: {  	v24 =	vshll.u32 v60, $0x1;
	v28 =	vand.u32 $0x7F, v60;
	v17 =	vor.u32 $0x80, v9;
	v10 =	vld.idx.msk [tilespmem:v10+s2+$0x0], $0xffff  }
0x37: {  	v32 =	vshll.u32 v25, $0x1;
	v13 =	vor.u32 $0x80, v58;
	v11 =	vor.u32 $0x80, v8;
	v8 =	vld.idx.msk [tilespmem:v8+s2+$0x0], $0xffff  }
0x38: {  	v35 =	vand.u32 $0x7F, v25;
	v36 =	vshrl.u32 v25, $0x10;
	v41 =	vshll.u32 v33, $0x1;
	v14 =	vld.idx.msk [tilespmem:v14+s2+$0x0], $0xffff  }
0x39: {  	v45 =	vand.u32 $0x7F, v33;
	v46 =	vshrl.u32 v33, $0x10;
	v15 =	vor.u32 $0x80, v12;
	v7 =	vld.idx.msk [tilespmem:v7+s2+$0x0], $0xffff  }
0x3a: {  	v51 =	vshll.u32 v42, $0x1;
	v27 =	vor.u32 $0x80, v23;
	v9 =	vshrl.u32 v42, $0xF;
	v12 =	vld.idx.msk [tilespmem:v12+s2+$0x0], $0xffff  }
0x3b: {  	v56 =	vshrl.u32 v42, $0x10;
	v61 =	vld.idx.msk [tilespmem:v17+s2+$0x0], $0xffff;
	v9 =	vand.u32 $0x1FF00, v9;
	v0 =	vmax.bf16 v1, v0  }
0x3c: {  	v26 =	vld.idx.msk [tilespmem:v13+s2+$0x0], $0xffff;
	v1 =	vand.u32 $0x1FF00, v55;
	v55 =	vand.u32 $0x7F, v42;
	v42 =	vshrl.u32 v29, $0x10  }
0x3d: {  	v11 =	vld.idx.msk [tilespmem:v11+s2+$0x0], $0xffff;
	v1 =	vor.u32 v18, v1;
	v3 =	vmax.bf16 v3, v6;
	v0 =	vmax.bf16 v0, v4  }
0x3e: {  	v15 =	vld.idx.msk [tilespmem:v15+s2+$0x0], $0xffff;
	v4 =	vand.u32 $0x1FF00, v32;
	v18 =	vor.u32 $0x80, v1;
	v3 =	vmax.bf16 v3, v7  }
0x3f: {  	v13 =	vld.idx.msk [tilespmem:v27+s2+$0x0], $0xffff;
	v0 =	vmax.bf16 v0, v2;
	v2 =	vand.u32 $0x1FF00, v59;
	v7 =	vshrl.u32 v60, $0xF  }
0x40: {  	v6 =	vld.idx.msk [tilespmem:v58+s2+$0x0], $0xffff;
	v4 =	vor.u32 v35, v4;
	v2 =	vor.u32 v62, v2;
	v3 =	vmax.bf16 v3, v10  }
0x41: {  	v0 =	vmax.bf16 v0, v8;
	v7 =	vand.u32 $0x1FF00, v7;
	v8 =	vld.idx.msk [tilespmem:v23+s2+$0x0], $0xffff;
	v10 =	vshrl.u32 v25, $0xF  }
0x42: {  	v38 =	vor.u32 $0x80, v4;
	v62 =	vld [tilespmem:s26+$0x6080];
	v23 =	vshrl.u32 v52, $0x10;
	v22 =	vor.u32 $0x80, v2  }
0x43: {  	v3 =	vmax.bf16 v3, v11;
	v0 =	vmax.bf16 v0, v5;
	v5 =	vand.u32 $0x1FF00, v24;
	v1 =	vld.idx.msk [tilespmem:v1+s2+$0x0], $0xffff  }
0x44: {  	v7 =	vor.u32 v19, v7;
	v19 =	vand.u32 $0x7F, v36;
	v10 =	vand.u32 $0x1FF00, v10;
	v21 =	vld.idx.msk [tilespmem:v18+s2+$0x0], $0xffff  }
0x45: {  	v11 =	vshrl.u32 v52, $0xF;
	v36 =	vshll.u32 v29, $0x1;
	v5 =	vor.u32 v28, v5;
	v4 =	vld.idx.msk [tilespmem:v4+s2+$0x0], $0xffff  }
0x46: {  	v3 =	vmax.bf16 v3, v14;
	v0 =	vmax.bf16 v0, v12;
	v34 =	vor.u32 $0x80, v7;
	v2 =	vld.idx.msk [tilespmem:v2+s2+$0x0], $0xffff  }
0x47: {  	v40 =	vor.u32 v19, v10;
	v12 =	vshrl.u32 v33, $0xF;
	v19 =	vand.u32 $0x7F, v46;
	v47 =	vld.idx.msk [tilespmem:v38+s2+$0x0], $0xffff  }
0x48: {  	v11 =	vand.u32 $0x1FF00, v11;
	v10 =	vshrl.u32 v29, $0xF;
	v31 =	vor.u32 $0x80, v5;
	v30 =	vld.idx.msk [tilespmem:v22+s2+$0x0], $0xffff  }
0x49: {  	v3 =	vmax.bf16 v3, v15;
	v0 =	vmax.bf16 v0, v57;
	v44 =	vor.u32 $0x80, v40;
	v39 =	vld.idx.msk [tilespmem:v7+s2+$0x0], $0xffff  }
0x4a: {  	v12 =	vand.u32 $0x1FF00, v12;
	v10 =	vand.u32 $0x1FF00, v10;
	v3 =	vmax.bf16 v3, v61;
	v5 =	vld.idx.msk [tilespmem:v5+s2+$0x0], $0xffff  }
0x4b: {  	v50 =	vor.u32 v19, v12;
	v19 =	vand.u32 $0x7F, v56;
	v61 =	vshll.u32 v52, $0x1;
	v43 =	vld.idx.msk [tilespmem:v34+s2+$0x0], $0xffff  }
0x4c: {  	v54 =	vor.u32 $0x80, v50;
	v60 =	vor.u32 v19, v9;
	v19 =	vand.u32 $0x7F, v23;
	v49 =	vld.idx.msk [tilespmem:v40+s2+$0x0], $0xffff  }
0x4d: {  	v28 =	vshll.u32 v62, $0x1;
	v32 =	vand.u32 $0x7F, v62;
	v9 =	vshrl.u32 v62, $0xF;
	v37 =	vld.idx.msk [tilespmem:v31+s2+$0x0], $0xffff  }
0x4e: {  	v23 =	vand.u32 $0x7F, v20;
	v22 =	vand.u32 $0x7F, v52;
	v27 =	vor.u32 v19, v11;
	v53 =	vld.idx.msk [tilespmem:v44+s2+$0x0], $0xffff  }
0x4f: {  	v9 =	vand.u32 $0x1FF00, v9;
	v34 =	vshrl.u32 v62, $0x10;
	v0 =	vmax.bf16 v0, v1;
	v44 =	vld [tilespmem:s26+$0x6200]  }
0x50: {  	v1 =	vand.u32 $0x1FF00, v61;
	v31 =	vor.u32 $0x80, v27;
	v3 =	vmax.bf16 v3, v21;
	v59 =	vld.idx.msk [tilespmem:v50+s2+$0x0], $0xffff  }
0x51: {  	v12 =	vand.u32 $0x7F, v34;
	v21 =	vor.u32 $0x80, v60;
	v3 =	vmax.bf16 v3, v26;
	v63 =	vld.idx.msk [tilespmem:v54+s2+$0x0], $0xffff  }
0x52: {  	v0 =	vmax.bf16 v0, v6;
	v1 =	vor.u32 v22, v1;
	v26 =	vld.idx.msk [tilespmem:v60+s2+$0x0], $0xffff;
	v3 =	vmax.bf16 v3, v30  }
0x53: {  	v6 =	vand.u32 $0x1FF00, v41;
	v35 =	vor.u32 v12, v9;
	v7 =	vld.idx.msk [tilespmem:v27+s2+$0x0], $0xffff;
	v3 =	vmax.bf16 v3, v13  }
0x54: {  	v9 =	vand.u32 $0x1FF00, v36;
	v6 =	vor.u32 v45, v6;
	v3 =	vmax.bf16 v3, v37;
	v37 =	vld [tilespmem:s26+$0x6180]  }
0x55: {  	v0 =	vmax.bf16 v0, v2;
	v25 =	vor.u32 $0x80, v1;
	v2 =	vand.u32 $0x1FF00, v28;
	v14 =	vld.idx.msk [tilespmem:v31+s2+$0x0], $0xffff  }
0x56: {  	v48 =	vor.u32 $0x80, v6;
	v0 =	vmax.bf16 v0, v8;
	v8 =	vand.u32 $0x1FF00, v51;
	v30 =	vld.idx.msk [tilespmem:v21+s2+$0x0], $0xffff  }
0x57: {  	v38 =	vor.u32 $0x80, v35;
	v2 =	vor.u32 v32, v2;
	v8 =	vor.u32 v55, v8;
	v1 =	vld.idx.msk [tilespmem:v1+s2+$0x0], $0xffff  }
0x58: {  	v0 =	vmax.bf16 v0, v5;
	v17 =	vor.u32 $0x80, v2;
	v13 =	vand.u32 $0x7F, v42;
	v45 =	vld.idx.msk [tilespmem:v35+s2+$0x0], $0xffff  }
0x59: {  	v55 =	vshll.u32 v20, $0x1;
	v58 =	vor.u32 $0x80, v8;
	v0 =	vmax.bf16 v0, v39;
	v6 =	vld.idx.msk [tilespmem:v6+s2+$0x0], $0xffff  }
0x5a: {  	v39 =	vand.u32 $0x7F, v29;
	v46 =	vor.u32 v13, v10;
	v22 =	vshrl.u32 v44, $0x10;
	v33 =	vld.idx.msk [tilespmem:v25+s2+$0x0], $0xffff  }
0x5b: {  	v3 =	vmax.bf16 v3, v43;
	v0 =	vmax.bf16 v0, v4;
	v40 =	vor.u32 v39, v9;
	v57 =	vld.idx.msk [tilespmem:v48+s2+$0x0], $0xffff  }
0x5c: {  	v21 =	vand.u32 $0x7F, v44;
	v22 =	vand.u32 $0x7F, v22;
	v3 =	vmax.bf16 v3, v47;
	v2 =	vld.idx.msk [tilespmem:v2+s2+$0x0], $0xffff  }
0x5d: {  	v43 =	vor.u32 $0x80, v40;
	v3 =	vmax.bf16 v3, v53;
	v48 =	vld.idx.msk [tilespmem:v38+s2+$0x0], $0xffff;
	v53 =	vshll.u32 v44, $0x1  }
0x5e: {  	v0 =	vmax.bf16 v0, v49;
	v49 =	vor.u32 $0x80, v46;
	v8 =	vld.idx.msk [tilespmem:v8+s2+$0x0], $0xffff;
	v15 =	vand.u32 $0x1FF00, v53  }
0x5f: {  	v41 =	vld.idx.msk [tilespmem:v17+s2+$0x0], $0xffff;
	v17 =	vshrl.u32 v44, $0xF;
	v47 =	vshll.u32 v37, $0x1;
	v50 =	vand.u32 $0x7F, v37  }
0x60: {  	v24 =	vld.idx.msk [tilespmem:v58+s2+$0x0], $0xffff;
	v51 =	vshrl.u32 v37, $0x10;
	v12 =	vshrl.u32 v37, $0xF;
	v15 =	vor.u32 v21, v15  }
0x61: {  	v5 =	vld.idx.msk [tilespmem:v46+s2+$0x0], $0xffff;
	v17 =	vand.u32 $0x1FF00, v17;
	v10 =	vand.u32 $0x1FF00, v47;
	v21 =	vor.u32 $0x80, v15  }
0x62: {  	v17 =	vor.u32 v22, v17;
	v0 =	vmax.bf16 v0, v6;
	v10 =	vor.u32 v50, v10;
	v52 =	vld.idx.msk [tilespmem:v43+s2+$0x0], $0xffff  }
0x63: {  	v19 =	vand.u32 $0x7F, v51;
	v16 =	vld.idx.msk [tilespmem:v49+s2+$0x0], $0xffff;
	v0 =	vmax.bf16 v0, v59;
	v18 =	vor.u32 $0x80, v10  }
0x64: {  	v12 =	vand.u32 $0x1FF00, v12;
	v3 =	vmax.bf16 v3, v57;
	v0 =	vmax.bf16 v0, v8;
	v8 =	vld.idx.msk [tilespmem:v40+s2+$0x0], $0xffff  }
0x65: {  	v12 =	vor.u32 v19, v12;
	v22 =	vor.u32 $0x80, v17;
	v3 =	vmax.bf16 v3, v63;
	v15 =	vld.idx.msk [tilespmem:v15+s2+$0x0], $0xffff  }
0x66: {  	v3 =	vmax.bf16 v3, v24;
	v24 =	vshrl.u32 v20, $0x10;
	v20 =	vshrl.u32 v20, $0xF;
	v57 =	vld.idx.msk [tilespmem:v21+s2+$0x0], $0xffff  }
0x67: {  	v19 =	vor.u32 $0x80, v12;
	v24 =	vand.u32 $0x7F, v24;
	v20 =	vand.u32 $0x1FF00, v20;
	v58 =	vld.idx.msk [tilespmem:v17+s2+$0x0], $0xffff  }
0x68: {  	v0 =	vmax.bf16 v0, v26;
	v56 =	vor.u32 v24, v20;
	v54 =	vld.idx.msk [tilespmem:v18+s2+$0x0], $0xffff;
	v18 =	vand.u32 $0x1FF00, v55  }
0x69: {  	v3 =	vmax.bf16 v3, v30;
	v0 =	vmax.bf16 v0, v1;
	v10 =	vld.idx.msk [tilespmem:v10+s2+$0x0], $0xffff;
	v18 =	vor.u32 v23, v18  }
0x6a: {  	v12 =	vld.idx.msk [tilespmem:v12+s2+$0x0], $0xffff;
	v3 =	vmax.bf16 v3, v33;
	v0 =	vmax.bf16 v0, v7;
	v23 =	vor.u32 $0x80, v18  }
0x6b: {  	v60 =	vld.idx.msk [tilespmem:v22+s2+$0x0], $0xffff;
	v3 =	vmax.bf16 v3, v14;
	v0 =	vmax.bf16 v0, v2;
	v59 =	vor.u32 $0x80, v56  }
0x6c: {  	v19 =	vld.idx.msk [tilespmem:v19+s2+$0x0], $0xffff;
	v3 =	vmax.bf16 v3, v41;
	v0 =	vmax.bf16 v0, v45  }
0x6d: {  	v3 =	vmax.bf16 v3, v48;
	v0 =	vmax.bf16 v0, v8;
	v6 =	vld.idx.msk [tilespmem:v56+s2+$0x0], $0xffff  }
0x6e: {  	v3 =	vmax.bf16 v3, v52;
	v0 =	vmax.bf16 v0, v5;
	v61 =	vld.idx.msk [tilespmem:v18+s2+$0x0], $0xffff  }
0x6f: {  	v3 =	vmax.bf16 v3, v16;
	v0 =	vmax.bf16 v0, v10;
	v62 =	vld.idx.msk [tilespmem:v23+s2+$0x0], $0xffff  }
0x70: {  	v1 =	vmax.bf16 v3, v54;
	v0 =	vmax.bf16 v0, v12;
	v63 =	vld.idx.msk [tilespmem:v59+s2+$0x0], $0xffff  }
0x71: {  	p0 =	sne.s32 s25, $0x180;
	v1 =	vmax.bf16 v1, v19;
	v0 =	vmax.bf16 v0, v15  }
.Ltmp0:
0x72: {  	s30 =	sadd.s32 s25, s19;
	v1 =	vmax.bf16 v1, v57;
	v0 =	vmax.bf16 v0, v58;
	(pc) =	sbr.rel @p0 .LBB2_3-.Ltmp0, $4  }
0x73: {  	s31 =	sand.u32 $0xFF00, s24;
	s26 =	sand.u32 $0x70, s30;
	v1 =	vmax.bf16 v1, v60;
	v0 =	vmax.bf16 v0, v61  }
0x74: {  	s26 =	sor.u32 s26, s31;
	v1 =	vmax.bf16 v1, v62;
	v0 =	vmax.bf16 v0, v6  }
0x75: {  	v1 =	vmax.bf16 v1, v63;
	[tilespmem:s26+$0x8F00] =	vst v0  }
0x76: {  	s23 =	sadd.s32 $0x80, s23;
	s24 =	sadd.s32 $0x20, s24;
	s25 =	sadd.s32 $0x10, s25;
	[tilespmem:s26+$0x8F80] =	vst v1  }
0x77: {  	s23 =	sadd.s32 s22, s5;
	s22 =	simm.s32 $0x0  }
0x78: {  	[tilespmem:s11], [sflag:$0x1] =	stream.linear.gather [hbm4b:s23+s22], $0x2000, $0x38;
	[tilespmem:$0xDE00] =	vst v63  }
0x79: {  	_ =	swait.ge [sflag:s14], $0x2000  }
0x7a: {  	[sflag:s14] =	ssyncset.done $0x0  }
0x7b: {  	s24 =	simm.s32 $0x0;
	s23 =	smov.u32 s17;
	[sflag:s14] =	ssyncadd.s32 $0xFFFFE000  }
.LBB2_5:
0x7c: {  	s25 =	sand.u32 $0x70, s24;
	s26 =	sand.u32 $0xC00, s22  }
0x7d: {  	s25 =	sor.u32 s25, s26  }
0x7e: {  	v0 =	vld [tilespmem:s25+$0x6F00];
	_ =	sdelay $0x1  }
0x7f: {  	v2 =	vld [tilespmem:s25+$0x6F80]  }
0x80: {  	v5 =	vld [tilespmem:s25+$0x7000]  }
0x81: {  	v9 =	vld [tilespmem:s25+$0x7080]  }
0x82: {  	v13 =	vld [tilespmem:s25+$0x7100];
	v1 =	vshll.u32 v0, $0x1  }
0x83: {  	v56 =	vld [tilespmem:s25+$0x7180];
	v3 =	vand.u32 $0x7F, v0;
	v4 =	vshrl.u32 v0, $0x10;
	v0 =	vshrl.u32 v0, $0xF  }
0x84: {  	v60 =	vld [tilespmem:s25+$0x7200];
	v52 =	vshll.u32 v2, $0x1;
	v7 =	vand.u32 $0x7F, v2;
	v8 =	vshrl.u32 v2, $0x10  }
0x85: {  	v2 =	vshrl.u32 v2, $0xF;
	v53 =	vshll.u32 v5, $0x1;
	v11 =	vand.u32 $0x7F, v5  }
0x86: {  	v12 =	vshrl.u32 v5, $0x10;
	v5 =	vshrl.u32 v5, $0xF;
	v54 =	vshll.u32 v9, $0x1  }
0x87: {  	v15 =	vand.u32 $0x7F, v9;
	v16 =	vshrl.u32 v9, $0x10;
	v9 =	vshrl.u32 v9, $0xF  }
0x88: {  	v55 =	vshll.u32 v13, $0x1;
	v18 =	vand.u32 $0x7F, v13;
	v19 =	vshrl.u32 v13, $0x10  }
0x89: {  	v13 =	vshrl.u32 v13, $0xF;
	v63 =	vshrl.u32 v56, $0x10;
	v29 =	vshrl.u32 v60, $0x10  }
0x8a: {  	s29 =	sor.u32 s22, s24;
	v1 =	vand.u32 $0x1FF00, v1;
	v4 =	vand.u32 $0x7F, v4;
	v0 =	vand.u32 $0x1FF00, v0  }
0x8b: {  	s26 =	sor.u32 $0x380, s29;
	v8 =	vand.u32 $0x7F, v8;
	v2 =	vand.u32 $0x1FF00, v2;
	v12 =	vand.u32 $0x7F, v12  }
0x8c: {  	v25 =	vld [tilespmem:s26+$0x6F00];
	v5 =	vand.u32 $0x1FF00, v5;
	v16 =	vand.u32 $0x7F, v16;
	v9 =	vand.u32 $0x1FF00, v9  }
0x8d: {  	v33 =	vld [tilespmem:s25+$0x7F00];
	v19 =	vand.u32 $0x7F, v19;
	v13 =	vand.u32 $0x1FF00, v13;
	v1 =	vor.u32 v3, v1  }
0x8e: {  	v42 =	vld [tilespmem:s25+$0x7F80];
	v0 =	vor.u32 v4, v0;
	v4 =	vand.u32 $0x1FF00, v52;
	v2 =	vor.u32 v8, v2  }
0x8f: {  	v20 =	vld [tilespmem:s25+$0x8280];
	v5 =	vor.u32 v12, v5;
	v9 =	vor.u32 v16, v9;
	v16 =	vshrl.u32 v56, $0xF  }
0x90: {  	v58 =	vor.u32 v19, v13;
	v19 =	vand.u32 $0x7F, v63;
	v52 =	vld [tilespmem:s25+$0x8000];
	v16 =	vand.u32 $0x1FF00, v16  }
0x91: {  	v23 =	vor.u32 v19, v16;
	v19 =	vand.u32 $0x7F, v29;
	v29 =	vld [tilespmem:s25+$0x8100]  }
0x92: {  	v3 =	vor.u32 $0x80, v1;
	v1 =	vld.idx.msk [tilespmem:v1+s2+$0x0], $0xffff  }
0x93: {  	v6 =	vor.u32 $0x80, v0;
	v0 =	vld.idx.msk [tilespmem:v0+s2+$0x0], $0xffff  }
0x94: {  	v4 =	vor.u32 v7, v4;
	v10 =	vor.u32 $0x80, v2;
	v2 =	vld.idx.msk [tilespmem:v2+s2+$0x0], $0xffff  }
0x95: {  	v8 =	vand.u32 $0x1FF00, v53;
	v14 =	vor.u32 $0x80, v5;
	v5 =	vld.idx.msk [tilespmem:v5+s2+$0x0], $0xffff  }
0x96: {  	v8 =	vor.u32 v11, v8;
	v57 =	vld.idx.msk [tilespmem:v9+s2+$0x0], $0xffff  }
0x97: {  	v3 =	vld.idx.msk [tilespmem:v3+s2+$0x0], $0xffff  }
0x98: {  	v12 =	vand.u32 $0x1FF00, v54;
	v7 =	vor.u32 $0x80, v4;
	v6 =	vld.idx.msk [tilespmem:v6+s2+$0x0], $0xffff  }
0x99: {  	v59 =	vshll.u32 v56, $0x1;
	v62 =	vand.u32 $0x7F, v56;
	v12 =	vor.u32 v15, v12;
	v4 =	vld.idx.msk [tilespmem:v4+s2+$0x0], $0xffff  }
0x9a: {  	v24 =	vshll.u32 v60, $0x1;
	v28 =	vand.u32 $0x7F, v60;
	v17 =	vor.u32 $0x80, v9;
	v10 =	vld.idx.msk [tilespmem:v10+s2+$0x0], $0xffff  }
0x9b: {  	v32 =	vshll.u32 v25, $0x1;
	v13 =	vor.u32 $0x80, v58;
	v11 =	vor.u32 $0x80, v8;
	v8 =	vld.idx.msk [tilespmem:v8+s2+$0x0], $0xffff  }
0x9c: {  	v35 =	vand.u32 $0x7F, v25;
	v36 =	vshrl.u32 v25, $0x10;
	v41 =	vshll.u32 v33, $0x1;
	v14 =	vld.idx.msk [tilespmem:v14+s2+$0x0], $0xffff  }
0x9d: {  	v45 =	vand.u32 $0x7F, v33;
	v46 =	vshrl.u32 v33, $0x10;
	v15 =	vor.u32 $0x80, v12;
	v7 =	vld.idx.msk [tilespmem:v7+s2+$0x0], $0xffff  }
0x9e: {  	v51 =	vshll.u32 v42, $0x1;
	v27 =	vor.u32 $0x80, v23;
	v9 =	vshrl.u32 v42, $0xF;
	v12 =	vld.idx.msk [tilespmem:v12+s2+$0x0], $0xffff  }
0x9f: {  	v56 =	vshrl.u32 v42, $0x10;
	v61 =	vld.idx.msk [tilespmem:v17+s2+$0x0], $0xffff;
	v9 =	vand.u32 $0x1FF00, v9;
	v0 =	vmax.bf16 v1, v0  }
0xa0: {  	v26 =	vld.idx.msk [tilespmem:v13+s2+$0x0], $0xffff;
	v1 =	vand.u32 $0x1FF00, v55;
	v55 =	vand.u32 $0x7F, v42;
	v42 =	vshrl.u32 v29, $0x10  }
0xa1: {  	v11 =	vld.idx.msk [tilespmem:v11+s2+$0x0], $0xffff;
	v1 =	vor.u32 v18, v1;
	v3 =	vmax.bf16 v3, v6;
	v0 =	vmax.bf16 v0, v4  }
0xa2: {  	v15 =	vld.idx.msk [tilespmem:v15+s2+$0x0], $0xffff;
	v4 =	vand.u32 $0x1FF00, v32;
	v18 =	vor.u32 $0x80, v1;
	v3 =	vmax.bf16 v3, v7  }
0xa3: {  	v13 =	vld.idx.msk [tilespmem:v27+s2+$0x0], $0xffff;
	v0 =	vmax.bf16 v0, v2;
	v2 =	vand.u32 $0x1FF00, v59;
	v7 =	vshrl.u32 v60, $0xF  }
0xa4: {  	v6 =	vld.idx.msk [tilespmem:v58+s2+$0x0], $0xffff;
	v4 =	vor.u32 v35, v4;
	v2 =	vor.u32 v62, v2;
	v3 =	vmax.bf16 v3, v10  }
0xa5: {  	v0 =	vmax.bf16 v0, v8;
	v7 =	vand.u32 $0x1FF00, v7;
	v8 =	vld.idx.msk [tilespmem:v23+s2+$0x0], $0xffff;
	v10 =	vshrl.u32 v25, $0xF  }
0xa6: {  	v38 =	vor.u32 $0x80, v4;
	v62 =	vld [tilespmem:s25+$0x8080];
	v23 =	vshrl.u32 v52, $0x10;
	v22 =	vor.u32 $0x80, v2  }
0xa7: {  	v3 =	vmax.bf16 v3, v11;
	v0 =	vmax.bf16 v0, v5;
	v5 =	vand.u32 $0x1FF00, v24;
	v1 =	vld.idx.msk [tilespmem:v1+s2+$0x0], $0xffff  }
0xa8: {  	v7 =	vor.u32 v19, v7;
	v19 =	vand.u32 $0x7F, v36;
	v10 =	vand.u32 $0x1FF00, v10;
	v21 =	vld.idx.msk [tilespmem:v18+s2+$0x0], $0xffff  }
0xa9: {  	v11 =	vshrl.u32 v52, $0xF;
	v36 =	vshll.u32 v29, $0x1;
	v5 =	vor.u32 v28, v5;
	v4 =	vld.idx.msk [tilespmem:v4+s2+$0x0], $0xffff  }
0xaa: {  	v3 =	vmax.bf16 v3, v14;
	v0 =	vmax.bf16 v0, v12;
	v34 =	vor.u32 $0x80, v7;
	v2 =	vld.idx.msk [tilespmem:v2+s2+$0x0], $0xffff  }
0xab: {  	v40 =	vor.u32 v19, v10;
	v12 =	vshrl.u32 v33, $0xF;
	v19 =	vand.u32 $0x7F, v46;
	v47 =	vld.idx.msk [tilespmem:v38+s2+$0x0], $0xffff  }
0xac: {  	v11 =	vand.u32 $0x1FF00, v11;
	v10 =	vshrl.u32 v29, $0xF;
	v31 =	vor.u32 $0x80, v5;
	v30 =	vld.idx.msk [tilespmem:v22+s2+$0x0], $0xffff  }
0xad: {  	v3 =	vmax.bf16 v3, v15;
	v0 =	vmax.bf16 v0, v57;
	v44 =	vor.u32 $0x80, v40;
	v39 =	vld.idx.msk [tilespmem:v7+s2+$0x0], $0xffff  }
0xae: {  	v12 =	vand.u32 $0x1FF00, v12;
	v10 =	vand.u32 $0x1FF00, v10;
	v3 =	vmax.bf16 v3, v61;
	v5 =	vld.idx.msk [tilespmem:v5+s2+$0x0], $0xffff  }
0xaf: {  	v50 =	vor.u32 v19, v12;
	v19 =	vand.u32 $0x7F, v56;
	v61 =	vshll.u32 v52, $0x1;
	v43 =	vld.idx.msk [tilespmem:v34+s2+$0x0], $0xffff  }
0xb0: {  	v54 =	vor.u32 $0x80, v50;
	v60 =	vor.u32 v19, v9;
	v19 =	vand.u32 $0x7F, v23;
	v49 =	vld.idx.msk [tilespmem:v40+s2+$0x0], $0xffff  }
0xb1: {  	v28 =	vshll.u32 v62, $0x1;
	v32 =	vand.u32 $0x7F, v62;
	v9 =	vshrl.u32 v62, $0xF;
	v37 =	vld.idx.msk [tilespmem:v31+s2+$0x0], $0xffff  }
0xb2: {  	v23 =	vand.u32 $0x7F, v20;
	v22 =	vand.u32 $0x7F, v52;
	v27 =	vor.u32 v19, v11;
	v53 =	vld.idx.msk [tilespmem:v44+s2+$0x0], $0xffff  }
0xb3: {  	v9 =	vand.u32 $0x1FF00, v9;
	v34 =	vshrl.u32 v62, $0x10;
	v0 =	vmax.bf16 v0, v1;
	v44 =	vld [tilespmem:s25+$0x8200]  }
0xb4: {  	v1 =	vand.u32 $0x1FF00, v61;
	v31 =	vor.u32 $0x80, v27;
	v3 =	vmax.bf16 v3, v21;
	v59 =	vld.idx.msk [tilespmem:v50+s2+$0x0], $0xffff  }
0xb5: {  	v12 =	vand.u32 $0x7F, v34;
	v21 =	vor.u32 $0x80, v60;
	v3 =	vmax.bf16 v3, v26;
	v63 =	vld.idx.msk [tilespmem:v54+s2+$0x0], $0xffff  }
0xb6: {  	v0 =	vmax.bf16 v0, v6;
	v1 =	vor.u32 v22, v1;
	v26 =	vld.idx.msk [tilespmem:v60+s2+$0x0], $0xffff;
	v3 =	vmax.bf16 v3, v30  }
0xb7: {  	v6 =	vand.u32 $0x1FF00, v41;
	v35 =	vor.u32 v12, v9;
	v7 =	vld.idx.msk [tilespmem:v27+s2+$0x0], $0xffff;
	v3 =	vmax.bf16 v3, v13  }
0xb8: {  	v9 =	vand.u32 $0x1FF00, v36;
	v6 =	vor.u32 v45, v6;
	v3 =	vmax.bf16 v3, v37;
	v37 =	vld [tilespmem:s25+$0x8180]  }
0xb9: {  	v0 =	vmax.bf16 v0, v2;
	v25 =	vor.u32 $0x80, v1;
	v2 =	vand.u32 $0x1FF00, v28;
	v14 =	vld.idx.msk [tilespmem:v31+s2+$0x0], $0xffff  }
0xba: {  	v48 =	vor.u32 $0x80, v6;
	v0 =	vmax.bf16 v0, v8;
	v8 =	vand.u32 $0x1FF00, v51;
	v30 =	vld.idx.msk [tilespmem:v21+s2+$0x0], $0xffff  }
0xbb: {  	v38 =	vor.u32 $0x80, v35;
	v2 =	vor.u32 v32, v2;
	v8 =	vor.u32 v55, v8;
	v1 =	vld.idx.msk [tilespmem:v1+s2+$0x0], $0xffff  }
0xbc: {  	v0 =	vmax.bf16 v0, v5;
	v17 =	vor.u32 $0x80, v2;
	v13 =	vand.u32 $0x7F, v42;
	v45 =	vld.idx.msk [tilespmem:v35+s2+$0x0], $0xffff  }
0xbd: {  	v55 =	vshll.u32 v20, $0x1;
	v58 =	vor.u32 $0x80, v8;
	v0 =	vmax.bf16 v0, v39;
	v6 =	vld.idx.msk [tilespmem:v6+s2+$0x0], $0xffff  }
0xbe: {  	v39 =	vand.u32 $0x7F, v29;
	v46 =	vor.u32 v13, v10;
	v22 =	vshrl.u32 v44, $0x10;
	v33 =	vld.idx.msk [tilespmem:v25+s2+$0x0], $0xffff  }
0xbf: {  	v3 =	vmax.bf16 v3, v43;
	v0 =	vmax.bf16 v0, v4;
	v40 =	vor.u32 v39, v9;
	v57 =	vld.idx.msk [tilespmem:v48+s2+$0x0], $0xffff  }
0xc0: {  	v21 =	vand.u32 $0x7F, v44;
	v22 =	vand.u32 $0x7F, v22;
	v3 =	vmax.bf16 v3, v47;
	v2 =	vld.idx.msk [tilespmem:v2+s2+$0x0], $0xffff  }
0xc1: {  	v43 =	vor.u32 $0x80, v40;
	v3 =	vmax.bf16 v3, v53;
	v48 =	vld.idx.msk [tilespmem:v38+s2+$0x0], $0xffff;
	v53 =	vshll.u32 v44, $0x1  }
0xc2: {  	v0 =	vmax.bf16 v0, v49;
	v49 =	vor.u32 $0x80, v46;
	v8 =	vld.idx.msk [tilespmem:v8+s2+$0x0], $0xffff;
	v15 =	vand.u32 $0x1FF00, v53  }
0xc3: {  	v41 =	vld.idx.msk [tilespmem:v17+s2+$0x0], $0xffff;
	v17 =	vshrl.u32 v44, $0xF;
	v47 =	vshll.u32 v37, $0x1;
	v50 =	vand.u32 $0x7F, v37  }
0xc4: {  	v24 =	vld.idx.msk [tilespmem:v58+s2+$0x0], $0xffff;
	v51 =	vshrl.u32 v37, $0x10;
	v12 =	vshrl.u32 v37, $0xF;
	v15 =	vor.u32 v21, v15  }
0xc5: {  	v5 =	vld.idx.msk [tilespmem:v46+s2+$0x0], $0xffff;
	v17 =	vand.u32 $0x1FF00, v17;
	v10 =	vand.u32 $0x1FF00, v47;
	v21 =	vor.u32 $0x80, v15  }
0xc6: {  	v17 =	vor.u32 v22, v17;
	v0 =	vmax.bf16 v0, v6;
	v10 =	vor.u32 v50, v10;
	v52 =	vld.idx.msk [tilespmem:v43+s2+$0x0], $0xffff  }
0xc7: {  	v19 =	vand.u32 $0x7F, v51;
	v16 =	vld.idx.msk [tilespmem:v49+s2+$0x0], $0xffff;
	v0 =	vmax.bf16 v0, v59;
	v18 =	vor.u32 $0x80, v10  }
0xc8: {  	v12 =	vand.u32 $0x1FF00, v12;
	v3 =	vmax.bf16 v3, v57;
	v0 =	vmax.bf16 v0, v8;
	v8 =	vld.idx.msk [tilespmem:v40+s2+$0x0], $0xffff  }
0xc9: {  	v12 =	vor.u32 v19, v12;
	v22 =	vor.u32 $0x80, v17;
	v3 =	vmax.bf16 v3, v63;
	v15 =	vld.idx.msk [tilespmem:v15+s2+$0x0], $0xffff  }
0xca: {  	v3 =	vmax.bf16 v3, v24;
	v24 =	vshrl.u32 v20, $0x10;
	v20 =	vshrl.u32 v20, $0xF;
	v57 =	vld.idx.msk [tilespmem:v21+s2+$0x0], $0xffff  }
0xcb: {  	v19 =	vor.u32 $0x80, v12;
	v24 =	vand.u32 $0x7F, v24;
	v20 =	vand.u32 $0x1FF00, v20;
	v58 =	vld.idx.msk [tilespmem:v17+s2+$0x0], $0xffff  }
0xcc: {  	v0 =	vmax.bf16 v0, v26;
	v56 =	vor.u32 v24, v20;
	v54 =	vld.idx.msk [tilespmem:v18+s2+$0x0], $0xffff;
	v18 =	vand.u32 $0x1FF00, v55  }
0xcd: {  	v3 =	vmax.bf16 v3, v30;
	v0 =	vmax.bf16 v0, v1;
	v10 =	vld.idx.msk [tilespmem:v10+s2+$0x0], $0xffff;
	v18 =	vor.u32 v23, v18  }
0xce: {  	v12 =	vld.idx.msk [tilespmem:v12+s2+$0x0], $0xffff;
	v3 =	vmax.bf16 v3, v33;
	v0 =	vmax.bf16 v0, v7;
	v23 =	vor.u32 $0x80, v18  }
0xcf: {  	v60 =	vld.idx.msk [tilespmem:v22+s2+$0x0], $0xffff;
	v3 =	vmax.bf16 v3, v14;
	v0 =	vmax.bf16 v0, v2;
	v59 =	vor.u32 $0x80, v56  }
0xd0: {  	v19 =	vld.idx.msk [tilespmem:v19+s2+$0x0], $0xffff;
	v3 =	vmax.bf16 v3, v41;
	v0 =	vmax.bf16 v0, v45  }
0xd1: {  	v3 =	vmax.bf16 v3, v48;
	v0 =	vmax.bf16 v0, v8;
	v6 =	vld.idx.msk [tilespmem:v56+s2+$0x0], $0xffff  }
0xd2: {  	v3 =	vmax.bf16 v3, v52;
	v0 =	vmax.bf16 v0, v5;
	v61 =	vld.idx.msk [tilespmem:v18+s2+$0x0], $0xffff  }
0xd3: {  	v3 =	vmax.bf16 v3, v16;
	v0 =	vmax.bf16 v0, v10;
	v62 =	vld.idx.msk [tilespmem:v23+s2+$0x0], $0xffff  }
0xd4: {  	v1 =	vmax.bf16 v3, v54;
	v0 =	vmax.bf16 v0, v12;
	v63 =	vld.idx.msk [tilespmem:v59+s2+$0x0], $0xffff  }
0xd5: {  	p0 =	sne.s32 s24, $0x180;
	v1 =	vmax.bf16 v1, v19;
	v0 =	vmax.bf16 v0, v15  }
.Ltmp1:
0xd6: {  	s30 =	sadd.s32 s24, s18;
	v1 =	vmax.bf16 v1, v57;
	v0 =	vmax.bf16 v0, v58;
	(pc) =	sbr.rel @p0 .LBB2_5-.Ltmp1, $4  }
0xd7: {  	s31 =	sand.u32 $0x7FFFFF00, s23;
	s25 =	sand.u32 $0x70, s30;
	v1 =	vmax.bf16 v1, v60;
	v0 =	vmax.bf16 v0, v61  }
0xd8: {  	s25 =	sor.u32 s25, s31;
	v1 =	vmax.bf16 v1, v62;
	v0 =	vmax.bf16 v0, v6  }
0xd9: {  	v1 =	vmax.bf16 v1, v63;
	[tilespmem:s25+$0x8F00] =	vst v0  }
0xda: {  	s22 =	sadd.s32 $0x80, s22;
	s23 =	sadd.s32 $0x20, s23;
	s24 =	sadd.s32 $0x10, s24;
	[tilespmem:s25+$0x8F80] =	vst v1  }
0xdb: {  	s21 =	sadd.s32 $0x1, s21  }
0xdc: {  	p0 =	sne.s32 s21, $0xC  }
.Ltmp2:
0xdd: {  	_ = 	snop;
	(pc) =	sbr.rel @p0 .LBB2_2-.Ltmp2, $3  }
0xde: {  	_ =	sdelay $0x1  }
0xdf: {  	s20 =	sadd.s32 $0x640, s20  }
0xe0: {  	s19 =	sadd.s32 $0x320, s19;
	s17 =	sadd.s32 $0x640, s17;
	s18 =	sadd.s32 $0x320, s18  }
0xe1: {  	_ =	swait.ge [sflag:s12], $0x2000  }
0xe2: {  	s17 =	simm.s32 $0x0;
	[sflag:s12] =	ssyncset.done $0x0  }
0xe3: {  	s18 =	simm.s32 $0x0;
	s19 =	simm.s32 $0x0;
	[sflag:s12] =	ssyncadd.s32 $0xFFFFE000  }
.LBB2_8:
0xe4: {  	s20 =	sand.u32 $0x70, s19;
	s21 =	sand.u32 $0xC00, s17  }
0xe5: {  	s21 =	sor.u32 s20, s21  }
0xe6: {  	v0 =	vld [tilespmem:s21+$0x4F00];
	_ =	sdelay $0x1  }
0xe7: {  	v2 =	vld [tilespmem:s21+$0x4F80]  }
0xe8: {  	v5 =	vld [tilespmem:s21+$0x5000]  }
0xe9: {  	v9 =	vld [tilespmem:s21+$0x5080]  }
0xea: {  	v13 =	vld [tilespmem:s21+$0x5100];
	v1 =	vshll.u32 v0, $0x1  }
0xeb: {  	v56 =	vld [tilespmem:s21+$0x5180];
	v3 =	vand.u32 $0x7F, v0;
	v4 =	vshrl.u32 v0, $0x10;
	v0 =	vshrl.u32 v0, $0xF  }
0xec: {  	v60 =	vld [tilespmem:s21+$0x5200];
	v52 =	vshll.u32 v2, $0x1;
	v7 =	vand.u32 $0x7F, v2;
	v8 =	vshrl.u32 v2, $0x10  }
0xed: {  	v2 =	vshrl.u32 v2, $0xF;
	v53 =	vshll.u32 v5, $0x1;
	v11 =	vand.u32 $0x7F, v5  }
0xee: {  	v12 =	vshrl.u32 v5, $0x10;
	v5 =	vshrl.u32 v5, $0xF;
	v54 =	vshll.u32 v9, $0x1  }
0xef: {  	v15 =	vand.u32 $0x7F, v9;
	v16 =	vshrl.u32 v9, $0x10;
	v9 =	vshrl.u32 v9, $0xF  }
0xf0: {  	v55 =	vshll.u32 v13, $0x1;
	v18 =	vand.u32 $0x7F, v13;
	v19 =	vshrl.u32 v13, $0x10  }
0xf1: {  	v13 =	vshrl.u32 v13, $0xF;
	v63 =	vshrl.u32 v56, $0x10;
	v29 =	vshrl.u32 v60, $0x10  }
0xf2: {  	s22 =	sor.u32 s17, s19;
	v1 =	vand.u32 $0x1FF00, v1;
	v4 =	vand.u32 $0x7F, v4;
	v0 =	vand.u32 $0x1FF00, v0  }
0xf3: {  	s22 =	sor.u32 $0x380, s22;
	v8 =	vand.u32 $0x7F, v8;
	v2 =	vand.u32 $0x1FF00, v2;
	v12 =	vand.u32 $0x7F, v12  }
0xf4: {  	v25 =	vld [tilespmem:s22+$0x4F00];
	v5 =	vand.u32 $0x1FF00, v5;
	v16 =	vand.u32 $0x7F, v16;
	v9 =	vand.u32 $0x1FF00, v9  }
0xf5: {  	v33 =	vld [tilespmem:s21+$0x5F00];
	v19 =	vand.u32 $0x7F, v19;
	v13 =	vand.u32 $0x1FF00, v13;
	v1 =	vor.u32 v3, v1  }
0xf6: {  	v42 =	vld [tilespmem:s21+$0x5F80];
	v0 =	vor.u32 v4, v0;
	v4 =	vand.u32 $0x1FF00, v52;
	v2 =	vor.u32 v8, v2  }
0xf7: {  	v20 =	vld [tilespmem:s21+$0x6280];
	v5 =	vor.u32 v12, v5;
	v9 =	vor.u32 v16, v9;
	v16 =	vshrl.u32 v56, $0xF  }
0xf8: {  	v58 =	vor.u32 v19, v13;
	v19 =	vand.u32 $0x7F, v63;
	v52 =	vld [tilespmem:s21+$0x6000];
	v16 =	vand.u32 $0x1FF00, v16  }
0xf9: {  	v23 =	vor.u32 v19, v16;
	v19 =	vand.u32 $0x7F, v29;
	v29 =	vld [tilespmem:s21+$0x6100]  }
0xfa: {  	v3 =	vor.u32 $0x80, v1;
	v1 =	vld.idx.msk [tilespmem:v1+s2+$0x0], $0xffff  }
0xfb: {  	v6 =	vor.u32 $0x80, v0;
	v0 =	vld.idx.msk [tilespmem:v0+s2+$0x0], $0xffff  }
0xfc: {  	v4 =	vor.u32 v7, v4;
	v10 =	vor.u32 $0x80, v2;
	v2 =	vld.idx.msk [tilespmem:v2+s2+$0x0], $0xffff  }
0xfd: {  	v8 =	vand.u32 $0x1FF00, v53;
	v14 =	vor.u32 $0x80, v5;
	v5 =	vld.idx.msk [tilespmem:v5+s2+$0x0], $0xffff  }
0xfe: {  	v8 =	vor.u32 v11, v8;
	v57 =	vld.idx.msk [tilespmem:v9+s2+$0x0], $0xffff  }
0xff: {  	v3 =	vld.idx.msk [tilespmem:v3+s2+$0x0], $0xffff  }
0x100: {  	v12 =	vand.u32 $0x1FF00, v54;
	v7 =	vor.u32 $0x80, v4;
	v6 =	vld.idx.msk [tilespmem:v6+s2+$0x0], $0xffff  }
0x101: {  	v59 =	vshll.u32 v56, $0x1;
	v62 =	vand.u32 $0x7F, v56;
	v12 =	vor.u32 v15, v12;
	v4 =	vld.idx.msk [tilespmem:v4+s2+$0x0], $0xffff  }
0x102: {  	v24 =	vshll.u32 v60, $0x1;
	v28 =	vand.u32 $0x7F, v60;
	v17 =	vor.u32 $0x80, v9;
	v10 =	vld.idx.msk [tilespmem:v10+s2+$0x0], $0xffff  }
0x103: {  	v32 =	vshll.u32 v25, $0x1;
	v13 =	vor.u32 $0x80, v58;
	v11 =	vor.u32 $0x80, v8;
	v8 =	vld.idx.msk [tilespmem:v8+s2+$0x0], $0xffff  }
0x104: {  	v35 =	vand.u32 $0x7F, v25;
	v36 =	vshrl.u32 v25, $0x10;
	v41 =	vshll.u32 v33, $0x1;
	v14 =	vld.idx.msk [tilespmem:v14+s2+$0x0], $0xffff  }
0x105: {  	v45 =	vand.u32 $0x7F, v33;
	v46 =	vshrl.u32 v33, $0x10;
	v15 =	vor.u32 $0x80, v12;
	v7 =	vld.idx.msk [tilespmem:v7+s2+$0x0], $0xffff  }
0x106: {  	v51 =	vshll.u32 v42, $0x1;
	v27 =	vor.u32 $0x80, v23;
	v9 =	vshrl.u32 v42, $0xF;
	v12 =	vld.idx.msk [tilespmem:v12+s2+$0x0], $0xffff  }
0x107: {  	v56 =	vshrl.u32 v42, $0x10;
	v61 =	vld.idx.msk [tilespmem:v17+s2+$0x0], $0xffff;
	v9 =	vand.u32 $0x1FF00, v9;
	v0 =	vmax.bf16 v1, v0  }
0x108: {  	v26 =	vld.idx.msk [tilespmem:v13+s2+$0x0], $0xffff;
	v1 =	vand.u32 $0x1FF00, v55;
	v55 =	vand.u32 $0x7F, v42;
	v42 =	vshrl.u32 v29, $0x10  }
0x109: {  	v11 =	vld.idx.msk [tilespmem:v11+s2+$0x0], $0xffff;
	v1 =	vor.u32 v18, v1;
	v3 =	vmax.bf16 v3, v6;
	v0 =	vmax.bf16 v0, v4  }
0x10a: {  	v15 =	vld.idx.msk [tilespmem:v15+s2+$0x0], $0xffff;
	v4 =	vand.u32 $0x1FF00, v32;
	v18 =	vor.u32 $0x80, v1;
	v3 =	vmax.bf16 v3, v7  }
0x10b: {  	v13 =	vld.idx.msk [tilespmem:v27+s2+$0x0], $0xffff;
	v0 =	vmax.bf16 v0, v2;
	v2 =	vand.u32 $0x1FF00, v59;
	v7 =	vshrl.u32 v60, $0xF  }
0x10c: {  	v6 =	vld.idx.msk [tilespmem:v58+s2+$0x0], $0xffff;
	v4 =	vor.u32 v35, v4;
	v2 =	vor.u32 v62, v2;
	v3 =	vmax.bf16 v3, v10  }
0x10d: {  	v0 =	vmax.bf16 v0, v8;
	v7 =	vand.u32 $0x1FF00, v7;
	v8 =	vld.idx.msk [tilespmem:v23+s2+$0x0], $0xffff;
	v10 =	vshrl.u32 v25, $0xF  }
0x10e: {  	v38 =	vor.u32 $0x80, v4;
	v62 =	vld [tilespmem:s21+$0x6080];
	v23 =	vshrl.u32 v52, $0x10;
	v22 =	vor.u32 $0x80, v2  }
0x10f: {  	v3 =	vmax.bf16 v3, v11;
	v0 =	vmax.bf16 v0, v5;
	v5 =	vand.u32 $0x1FF00, v24;
	v1 =	vld.idx.msk [tilespmem:v1+s2+$0x0], $0xffff  }
0x110: {  	v7 =	vor.u32 v19, v7;
	v19 =	vand.u32 $0x7F, v36;
	v10 =	vand.u32 $0x1FF00, v10;
	v21 =	vld.idx.msk [tilespmem:v18+s2+$0x0], $0xffff  }
0x111: {  	v11 =	vshrl.u32 v52, $0xF;
	v36 =	vshll.u32 v29, $0x1;
	v5 =	vor.u32 v28, v5;
	v4 =	vld.idx.msk [tilespmem:v4+s2+$0x0], $0xffff  }
0x112: {  	v3 =	vmax.bf16 v3, v14;
	v0 =	vmax.bf16 v0, v12;
	v34 =	vor.u32 $0x80, v7;
	v2 =	vld.idx.msk [tilespmem:v2+s2+$0x0], $0xffff  }
0x113: {  	v40 =	vor.u32 v19, v10;
	v12 =	vshrl.u32 v33, $0xF;
	v19 =	vand.u32 $0x7F, v46;
	v47 =	vld.idx.msk [tilespmem:v38+s2+$0x0], $0xffff  }
0x114: {  	v11 =	vand.u32 $0x1FF00, v11;
	v10 =	vshrl.u32 v29, $0xF;
	v31 =	vor.u32 $0x80, v5;
	v30 =	vld.idx.msk [tilespmem:v22+s2+$0x0], $0xffff  }
0x115: {  	v3 =	vmax.bf16 v3, v15;
	v0 =	vmax.bf16 v0, v57;
	v44 =	vor.u32 $0x80, v40;
	v39 =	vld.idx.msk [tilespmem:v7+s2+$0x0], $0xffff  }
0x116: {  	v12 =	vand.u32 $0x1FF00, v12;
	v10 =	vand.u32 $0x1FF00, v10;
	v3 =	vmax.bf16 v3, v61;
	v5 =	vld.idx.msk [tilespmem:v5+s2+$0x0], $0xffff  }
0x117: {  	v50 =	vor.u32 v19, v12;
	v19 =	vand.u32 $0x7F, v56;
	v61 =	vshll.u32 v52, $0x1;
	v43 =	vld.idx.msk [tilespmem:v34+s2+$0x0], $0xffff  }
0x118: {  	v54 =	vor.u32 $0x80, v50;
	v60 =	vor.u32 v19, v9;
	v19 =	vand.u32 $0x7F, v23;
	v49 =	vld.idx.msk [tilespmem:v40+s2+$0x0], $0xffff  }
0x119: {  	v28 =	vshll.u32 v62, $0x1;
	v32 =	vand.u32 $0x7F, v62;
	v9 =	vshrl.u32 v62, $0xF;
	v37 =	vld.idx.msk [tilespmem:v31+s2+$0x0], $0xffff  }
0x11a: {  	v23 =	vand.u32 $0x7F, v20;
	v22 =	vand.u32 $0x7F, v52;
	v27 =	vor.u32 v19, v11;
	v53 =	vld.idx.msk [tilespmem:v44+s2+$0x0], $0xffff  }
0x11b: {  	v9 =	vand.u32 $0x1FF00, v9;
	v34 =	vshrl.u32 v62, $0x10;
	v0 =	vmax.bf16 v0, v1;
	v44 =	vld [tilespmem:s21+$0x6200]  }
0x11c: {  	v1 =	vand.u32 $0x1FF00, v61;
	v31 =	vor.u32 $0x80, v27;
	v3 =	vmax.bf16 v3, v21;
	v59 =	vld.idx.msk [tilespmem:v50+s2+$0x0], $0xffff  }
0x11d: {  	v12 =	vand.u32 $0x7F, v34;
	v21 =	vor.u32 $0x80, v60;
	v3 =	vmax.bf16 v3, v26;
	v63 =	vld.idx.msk [tilespmem:v54+s2+$0x0], $0xffff  }
0x11e: {  	v0 =	vmax.bf16 v0, v6;
	v1 =	vor.u32 v22, v1;
	v26 =	vld.idx.msk [tilespmem:v60+s2+$0x0], $0xffff;
	v3 =	vmax.bf16 v3, v30  }
0x11f: {  	v6 =	vand.u32 $0x1FF00, v41;
	v35 =	vor.u32 v12, v9;
	v7 =	vld.idx.msk [tilespmem:v27+s2+$0x0], $0xffff;
	v3 =	vmax.bf16 v3, v13  }
0x120: {  	v9 =	vand.u32 $0x1FF00, v36;
	v6 =	vor.u32 v45, v6;
	v3 =	vmax.bf16 v3, v37;
	v37 =	vld [tilespmem:s21+$0x6180]  }
0x121: {  	v0 =	vmax.bf16 v0, v2;
	v25 =	vor.u32 $0x80, v1;
	v2 =	vand.u32 $0x1FF00, v28;
	v14 =	vld.idx.msk [tilespmem:v31+s2+$0x0], $0xffff  }
0x122: {  	v48 =	vor.u32 $0x80, v6;
	v0 =	vmax.bf16 v0, v8;
	v8 =	vand.u32 $0x1FF00, v51;
	v30 =	vld.idx.msk [tilespmem:v21+s2+$0x0], $0xffff  }
0x123: {  	v38 =	vor.u32 $0x80, v35;
	v2 =	vor.u32 v32, v2;
	v8 =	vor.u32 v55, v8;
	v1 =	vld.idx.msk [tilespmem:v1+s2+$0x0], $0xffff  }
0x124: {  	v0 =	vmax.bf16 v0, v5;
	v17 =	vor.u32 $0x80, v2;
	v13 =	vand.u32 $0x7F, v42;
	v45 =	vld.idx.msk [tilespmem:v35+s2+$0x0], $0xffff  }
0x125: {  	v55 =	vshll.u32 v20, $0x1;
	v58 =	vor.u32 $0x80, v8;
	v0 =	vmax.bf16 v0, v39;
	v6 =	vld.idx.msk [tilespmem:v6+s2+$0x0], $0xffff  }
0x126: {  	v39 =	vand.u32 $0x7F, v29;
	v46 =	vor.u32 v13, v10;
	v22 =	vshrl.u32 v44, $0x10;
	v33 =	vld.idx.msk [tilespmem:v25+s2+$0x0], $0xffff  }
0x127: {  	v3 =	vmax.bf16 v3, v43;
	v0 =	vmax.bf16 v0, v4;
	v40 =	vor.u32 v39, v9;
	v57 =	vld.idx.msk [tilespmem:v48+s2+$0x0], $0xffff  }
0x128: {  	v21 =	vand.u32 $0x7F, v44;
	v22 =	vand.u32 $0x7F, v22;
	v3 =	vmax.bf16 v3, v47;
	v2 =	vld.idx.msk [tilespmem:v2+s2+$0x0], $0xffff  }
0x129: {  	v43 =	vor.u32 $0x80, v40;
	v3 =	vmax.bf16 v3, v53;
	v48 =	vld.idx.msk [tilespmem:v38+s2+$0x0], $0xffff;
	v53 =	vshll.u32 v44, $0x1  }
0x12a: {  	v0 =	vmax.bf16 v0, v49;
	v49 =	vor.u32 $0x80, v46;
	v8 =	vld.idx.msk [tilespmem:v8+s2+$0x0], $0xffff;
	v15 =	vand.u32 $0x1FF00, v53  }
0x12b: {  	v41 =	vld.idx.msk [tilespmem:v17+s2+$0x0], $0xffff;
	v17 =	vshrl.u32 v44, $0xF;
	v47 =	vshll.u32 v37, $0x1;
	v50 =	vand.u32 $0x7F, v37  }
0x12c: {  	v24 =	vld.idx.msk [tilespmem:v58+s2+$0x0], $0xffff;
	v51 =	vshrl.u32 v37, $0x10;
	v12 =	vshrl.u32 v37, $0xF;
	v15 =	vor.u32 v21, v15  }
0x12d: {  	v5 =	vld.idx.msk [tilespmem:v46+s2+$0x0], $0xffff;
	v17 =	vand.u32 $0x1FF00, v17;
	v10 =	vand.u32 $0x1FF00, v47;
	v21 =	vor.u32 $0x80, v15  }
0x12e: {  	v17 =	vor.u32 v22, v17;
	v0 =	vmax.bf16 v0, v6;
	v10 =	vor.u32 v50, v10;
	v52 =	vld.idx.msk [tilespmem:v43+s2+$0x0], $0xffff  }
0x12f: {  	v19 =	vand.u32 $0x7F, v51;
	v16 =	vld.idx.msk [tilespmem:v49+s2+$0x0], $0xffff;
	v0 =	vmax.bf16 v0, v59;
	v18 =	vor.u32 $0x80, v10  }
0x130: {  	v12 =	vand.u32 $0x1FF00, v12;
	v3 =	vmax.bf16 v3, v57;
	v0 =	vmax.bf16 v0, v8;
	v8 =	vld.idx.msk [tilespmem:v40+s2+$0x0], $0xffff  }
0x131: {  	v12 =	vor.u32 v19, v12;
	v22 =	vor.u32 $0x80, v17;
	v3 =	vmax.bf16 v3, v63;
	v15 =	vld.idx.msk [tilespmem:v15+s2+$0x0], $0xffff  }
0x132: {  	v3 =	vmax.bf16 v3, v24;
	v24 =	vshrl.u32 v20, $0x10;
	v20 =	vshrl.u32 v20, $0xF;
	v57 =	vld.idx.msk [tilespmem:v21+s2+$0x0], $0xffff  }
0x133: {  	v19 =	vor.u32 $0x80, v12;
	v24 =	vand.u32 $0x7F, v24;
	v20 =	vand.u32 $0x1FF00, v20;
	v58 =	vld.idx.msk [tilespmem:v17+s2+$0x0], $0xffff  }
0x134: {  	v0 =	vmax.bf16 v0, v26;
	v56 =	vor.u32 v24, v20;
	v54 =	vld.idx.msk [tilespmem:v18+s2+$0x0], $0xffff;
	v18 =	vand.u32 $0x1FF00, v55  }
0x135: {  	v3 =	vmax.bf16 v3, v30;
	v0 =	vmax.bf16 v0, v1;
	v10 =	vld.idx.msk [tilespmem:v10+s2+$0x0], $0xffff;
	v18 =	vor.u32 v23, v18  }
0x136: {  	v12 =	vld.idx.msk [tilespmem:v12+s2+$0x0], $0xffff;
	v3 =	vmax.bf16 v3, v33;
	v0 =	vmax.bf16 v0, v7;
	v23 =	vor.u32 $0x80, v18  }
0x137: {  	v60 =	vld.idx.msk [tilespmem:v22+s2+$0x0], $0xffff;
	v3 =	vmax.bf16 v3, v14;
	v0 =	vmax.bf16 v0, v2;
	v59 =	vor.u32 $0x80, v56  }
0x138: {  	v19 =	vld.idx.msk [tilespmem:v19+s2+$0x0], $0xffff;
	v3 =	vmax.bf16 v3, v41;
	v0 =	vmax.bf16 v0, v45  }
0x139: {  	v3 =	vmax.bf16 v3, v48;
	v0 =	vmax.bf16 v0, v8;
	v6 =	vld.idx.msk [tilespmem:v56+s2+$0x0], $0xffff  }
0x13a: {  	v3 =	vmax.bf16 v3, v52;
	v0 =	vmax.bf16 v0, v5;
	v61 =	vld.idx.msk [tilespmem:v18+s2+$0x0], $0xffff  }
0x13b: {  	v3 =	vmax.bf16 v3, v16;
	v0 =	vmax.bf16 v0, v10;
	v62 =	vld.idx.msk [tilespmem:v23+s2+$0x0], $0xffff  }
0x13c: {  	v1 =	vmax.bf16 v3, v54;
	v0 =	vmax.bf16 v0, v12;
	v63 =	vld.idx.msk [tilespmem:v59+s2+$0x0], $0xffff  }
0x13d: {  	p0 =	sne.s32 s19, $0x180;
	v1 =	vmax.bf16 v1, v19;
	v0 =	vmax.bf16 v0, v15  }
.Ltmp3:
0x13e: {  	v1 =	vmax.bf16 v1, v57;
	v0 =	vmax.bf16 v0, v58;
	(pc) =	sbr.rel @p0 .LBB2_8-.Ltmp3, $4  }
0x13f: {  	s31 =	sand.u32 $0x300, s18;
	v1 =	vmax.bf16 v1, v60;
	v0 =	vmax.bf16 v0, v61  }
0x140: {  	s20 =	sor.u32 s20, s31;
	v1 =	vmax.bf16 v1, v62;
	v0 =	vmax.bf16 v0, v6  }
0x141: {  	v1 =	vmax.bf16 v1, v63;
	[tilespmem:s20+$0xDA00] =	vst v0  }
0x142: {  	s18 =	sadd.s32 $0x20, s18;
	s17 =	sadd.s32 $0x80, s17;
	s19 =	sadd.s32 $0x10, s19;
	[tilespmem:s20+$0xDA80] =	vst v1  }
0x143: {  	s16 =	sadd.s32 $0x1, s16  }
0x144: {  	p0 =	sne.s32 s16, s7  }
.Ltmp4:
0x145: {  	_ = 	snop;
	(pc) =	sbr.rel @p0 .LBB2_1-.Ltmp4, $4  }
0x146: {  	[hbm4b:s6+s8] =	stream.strided.scatter [tilespmem:s15], [sflag:$0x3], $0x4F00, s9, s8, $0x38;
	[tilespmem:$0xDE00] =	vst v63  }
0x147: {  	_ =	swait.ge [sflag:s10], $0x4F00  }
0x148: {  	[sflag:s10] =	ssyncset.done $0x0  }
0x149: {  	[sflag:s10] =	ssyncadd.s32 $0xFFFFB100  }
0x14a: {  	_ =	sfence.sel $0x180000  }
0x14b: {  	[bflag:$0x0] =	sbarrier.arrive $0xFFFF  }
0x14c: {  	p0 =	sne.s32 s1, $0x0;
	_ =	strace $0x9000004A  }
0x14d: {  	s0 =	sadd.s32 @!p0 $0x100000, s0;
	[bflag:$0x2] =	sbarrier.arrive $0xFFFF  }
0x14e: {  	[sflag:s0] =	ssyncadd.tile.s32 @!p0 $0x1;
	_ =	shalt  }
.Lfunc_end2:
_tile_overlayer_lowered:
.L_overlay_start_2:
0x14f: {  	(tag) =	ssettag $0x2  }
0x150: {  	s0 =	rddreg [dreg:$0x0];
	s2 =	stileid.u32  }
0x151: {  	s1 =	rddreg [dreg:$0x1];
	p0 =	sne.s32 s2, $0x0  }
0x152: {  	s3 =	rddreg [dreg:$0x2];
	[bflag:$0x3] =	sbarrier.arrive $0xFFFF;
	s2 =	simm.s32 @!p0 $0x1C03  }
0x153: {  	[timem:s3], [sflag:s2] =	dma.local @!p0 [hbm:s0], s1  }
0x154: {  	s0 =	simm.s32 @!p0 $0x3  }
0x155: {  	_ =	swait.ge @!p0 [sflag:s0], s1  }
0x156: {  	s1 =	ssub.s32 @!p0 $0x0, s1;
	[sflag:s0] =	ssyncset.done @!p0 $0x0  }
0x157: {  	[sflag:s0] =	ssyncadd.s32 @!p0 s1  }
0x158: {  	[bflag:$0x3] =	sbarrier.arrive $0xFFFF  }
0x159: {  	_ =	shalt  }

</sc_bundles>
